<compile_context>
chip_gen: v7x
topology: tpu7x:2x2x1
jax: 0.10.2.dev20260603
libtpu: 0.0.44.dev20260713+nightly
codegen_flags: <defaults>
</compile_context>

<pallas_src>
import functools

import jax
import jax.numpy as jnp
from jax import lax
from jax.experimental import pallas as pl
from jax.experimental.pallas import tpu as pltpu
from jax.experimental.pallas import tpu_sc as plsc

NC = 2
NS = 16
NT = NC * NS
CHUNK = 128
IB = 16
BR = 512


def _part(e):
    rows = e // CHUNK
    q8 = rows // 8
    u = q8 // NT
    rem = q8 % NT
    leftover = rows % 8
    max_rows = 8 * (u + 1) + leftover
    return rows, u, rem, leftover, max_rows


def _tile_range(wid, u, rem, leftover):
    rows_w = 8 * (u + jnp.where(wid < rem, 1, 0)) \
        + jnp.where(wid == NT - 1, leftover, 0)
    base_w = 8 * (u * wid + jnp.minimum(wid, rem))
    return base_w, rows_w



def _make_deg_kernel(n_deg: int, rows: int, max_rows: int,
                     u: int, rem: int, leftover: int):
    rpt = n_deg // NS
    mesh = plsc.VectorSubcoreMesh(core_axis_name="c", subcore_axis_name="s")

    @functools.partial(
        pl.kernel,
        out_type=[
            jax.ShapeDtypeStruct((n_deg,), jnp.float32),
            jax.ShapeDtypeStruct((n_deg,), jnp.float32),
        ],
        mesh=mesh,
        compiler_params=pltpu.CompilerParams(use_tc_tiling_on_sc=False,
                                             needs_layout_passes=False),
        scratch_types=[
            pltpu.VMEM((max_rows * CHUNK,), jnp.int32),
            pltpu.VMEM((n_deg,), jnp.float32),
            pltpu.VMEM((rpt,), jnp.float32),
            pltpu.VMEM((rpt,), jnp.float32),
            pltpu.VMEM_SHARED((NS * n_deg,), jnp.float32),
        ],
    )
    def deg_kernel(edge_hbm, deg0, deg1, dst_v, hist, acc, tmp, sh):
        cid = lax.axis_index("c")
        sid = lax.axis_index("s")
        wid = cid * NS + sid
        base_w, rows_w = _tile_range(wid, u, rem, leftover)
        pltpu.sync_copy(
            edge_hbm.at[1].at[pl.ds(base_w * CHUNK, max_rows * CHUNK)], dst_v)

        def fill_zeros(i, _):
            hist[pl.ds(i * 16, 16)] = jnp.zeros((16,), jnp.float32)
            return 0

        lax.fori_loop(0, n_deg // 16, fill_zeros, 0)

        ones16 = jnp.full((16,), 1.0, jnp.float32)

        def body(c, _):
            r = c * CHUNK
            for l in range(CHUNK // 16):
                idx = dst_v[pl.ds(r + l * 16, 16)]
                plsc.addupdate_scatter(hist, [idx], ones16)
            return 0

        lax.fori_loop(0, rows_w, body, 0)
        pltpu.sync_copy(hist, sh.at[pl.ds(sid * n_deg, n_deg)])
        plsc.subcore_barrier()

        pltpu.sync_copy(sh.at[pl.ds(sid * rpt, rpt)], acc)

        def red(r_, _):
            pltpu.sync_copy(sh.at[pl.ds(r_ * n_deg + sid * rpt, rpt)], tmp)

            def add(k, _):
                acc[pl.ds(k * 16, 16)] = acc[pl.ds(k * 16, 16)] \
                    + tmp[pl.ds(k * 16, 16)]
                return 0

            lax.fori_loop(0, rpt // 16, add, 0)
            return 0

        lax.fori_loop(1, NS, red, 0)

        @pl.when(cid == 0)
        def _():
            pltpu.sync_copy(acc, deg0.at[pl.ds(sid * rpt, rpt)])

        @pl.when(cid == 1)
        def _():
            pltpu.sync_copy(acc, deg1.at[pl.ds(sid * rpt, rpt)])

    return deg_kernel


def _make_agg_kernel(n_pad: int, d: int, tc_tiling: bool, rows: int,
                     u: int, rem: int, leftover: int):
    rpt = n_pad // NS
    ppb = IB // 2
    mesh = plsc.VectorSubcoreMesh(core_axis_name="c", subcore_axis_name="s")

    @functools.partial(
        pl.kernel,
        out_type=jax.ShapeDtypeStruct((NC, n_pad, d), jnp.float32),
        mesh=mesh,
        compiler_params=pltpu.CompilerParams(use_tc_tiling_on_sc=tc_tiling),
        scratch_types=[
            pltpu.VMEM((2, IB, CHUNK), jnp.int32),
            pltpu.VMEM((2, IB, CHUNK), jnp.int32),
            pltpu.VMEM((CHUNK, d), jnp.float32),
            pltpu.VMEM((CHUNK, d), jnp.float32),
            pltpu.VMEM_SHARED((n_pad, d), jnp.float32),
            pltpu.SemaphoreType.DMA,
            pltpu.SemaphoreType.DMA,
            pltpu.SemaphoreType.DMA,
            pltpu.SemaphoreType.DMA,
            pltpu.SemaphoreType.DMA,
        ],
    )
    def agg_kernel(y_hbm, edge_hbm, z_out,
                   src_v, dst_v, rows0, rows1, z_sh,
                   sg0, sg1, ss0, ss1, si):
        cid = lax.axis_index("c")
        sid = lax.axis_index("s")
        wid = cid * NS + sid
        base_w, rows_w = _tile_range(wid, u, rem, leftover)
        npairs = rows_w // 2
        src_hbm = edge_hbm.at[0]
        dst_hbm = edge_hbm.at[1]

        pltpu.sync_copy(
            y_hbm.at[pl.ds(sid * rpt, rpt)],
            z_sh.at[pl.ds(sid * rpt, rpt)],
        )
        pltpu.sync_copy(src_hbm.at[pl.ds(base_w, IB)], src_v.at[0])
        pltpu.sync_copy(dst_hbm.at[pl.ds(base_w, IB)], dst_v.at[0])
        plsc.subcore_barrier()

        pltpu.async_copy(y_hbm.at[src_v.at[0, 0]], rows0, sg0)
        pltpu.async_copy(y_hbm.at[src_v.at[0, 1]], rows1, sg1)

        def body(p, _):
            t = p // ppb
            cur = lax.rem(t, 2)
            jj = lax.rem(p, ppb) * 2
            nb = base_w + (t + 1) * IB

            @pl.when(jnp.logical_and(jj == 0, (t + 1) * IB < rows_w))
            def _():
                nxt = 1 - cur
                pltpu.async_copy(src_hbm.at[pl.ds(nb, IB)],
                                 src_v.at[nxt], si)
                pltpu.async_copy(dst_hbm.at[pl.ds(nb, IB)],
                                 dst_v.at[nxt], si)

            pltpu.make_async_copy(y_hbm.at[src_v.at[cur, jj]], rows0, sg0).wait()
            pltpu.async_copy(rows0, z_sh.at[dst_v.at[cur, jj]], ss0, add=True)
            pltpu.make_async_copy(y_hbm.at[src_v.at[cur, jj + 1]], rows1, sg1).wait()
            pltpu.async_copy(rows1, z_sh.at[dst_v.at[cur, jj + 1]], ss1, add=True)

            pn = jnp.minimum(p + 1, npairs - 1)
            tn = pn // ppb
            curn = lax.rem(tn, 2)
            jn = lax.rem(pn, ppb) * 2

            @pl.when(tn != t)
            def _():
                pltpu.make_async_copy(src_hbm.at[pl.ds(nb, IB)],
                                      src_v.at[curn], si).wait()
                pltpu.make_async_copy(dst_hbm.at[pl.ds(nb, IB)],
                                      dst_v.at[curn], si).wait()

            pltpu.make_async_copy(rows0, z_sh.at[dst_v.at[cur, jj]], ss0).wait()
            pltpu.async_copy(y_hbm.at[src_v.at[curn, jn]], rows0, sg0)
            pltpu.make_async_copy(rows1, z_sh.at[dst_v.at[cur, jj + 1]], ss1).wait()
            pltpu.async_copy(y_hbm.at[src_v.at[curn, jn + 1]], rows1, sg1)
            return 0

        lax.fori_loop(0, npairs, body, 0)
        last = npairs - 1
        tl = last // ppb
        curl = lax.rem(tl, 2)
        jl = lax.rem(last, ppb) * 2
        pltpu.make_async_copy(y_hbm.at[src_v.at[curl, jl]], rows0, sg0).wait()
        pltpu.make_async_copy(y_hbm.at[src_v.at[curl, jl + 1]], rows1, sg1).wait()

        plsc.subcore_barrier()
        pltpu.sync_copy(
            z_sh.at[pl.ds(sid * rpt, rpt)],
            z_out.at[cid].at[pl.ds(sid * rpt, rpt)],
        )

    return agg_kernel



def _dinv_block(d0_ref, d1_ref):
    i = pl.program_id(0)
    deg = d0_ref[pl.ds(i * BR, BR)] + d1_ref[pl.ds(i * BR, BR)] + 1.0
    return lax.rsqrt(deg)[:, None]


def _tc1_body(x_ref, w_ref, d0_ref, d1_ref, y_ref):
    dinv = _dinv_block(d0_ref, d1_ref)
    y_ref[...] = jnp.dot(x_ref[...], w_ref[...],
                         preferred_element_type=jnp.float32) * dinv


def _tc2_body(z0_ref, z1_ref, y1_ref, d0_ref, d1_ref, b1_ref, w2_ref,
              emb_ref, y2_ref):
    dinv = _dinv_block(d0_ref, d1_ref)
    emb = (z0_ref[0] + z1_ref[0] - y1_ref[...]) * dinv + b1_ref[...][None, :]
    emb_ref[...] = emb
    h = jnp.maximum(emb, 0.0)
    y2_ref[...] = jnp.dot(h, w2_ref[...],
                          preferred_element_type=jnp.float32) * dinv


def _tc3_body(c_real, z0_ref, z1_ref, y2_ref, d0_ref, d1_ref, b2_ref, out_ref):
    dinv = _dinv_block(d0_ref, d1_ref)
    t = (z0_ref[0] + z1_ref[0] - y2_ref[...]) * dinv + b2_ref[...][None, :]
    col = lax.broadcasted_iota(jnp.int32, t.shape, 1)
    t = jnp.where(col < c_real, t, -jnp.inf)
    m = jnp.max(t, axis=1, keepdims=True)
    s = jnp.sum(jnp.exp(t - m), axis=1, keepdims=True)
    out_ref[...] = (t - m - jnp.log(s))[:, :c_real]



def kernel(x, edge_index, W1, b1, W2, b2):
    n, f_in = x.shape
    hid = W1.shape[1]
    c = W2.shape[1]
    e = edge_index.shape[1]
    assert e % CHUNK == 0

    n_pad = 20 * BR
    assert n_pad >= n and n_pad % (NS * 8) == 0
    n_deg = n_pad
    assert n_deg % (NS * 16) == 0
    d2 = 64
    assert c <= d2

    rows, u, rem, leftover, max_rows = _part(e)

    rows_pad = rows + 12
    edge_pad = jnp.pad(edge_index, ((0, 0), (0, (rows_pad - rows) * CHUNK)))
    edge3 = edge_pad.reshape(2, rows_pad, CHUNK)
    w2p = jnp.pad(W2, ((0, 0), (0, d2 - c)))
    b2p = jnp.pad(b2, (0, d2 - c))

    grid = n_pad // BR
    row_spec = pl.BlockSpec((BR, hid), lambda i: (i, 0))
    row_spec2 = pl.BlockSpec((BR, d2), lambda i: (i, 0))
    deg_spec = pl.BlockSpec((n_deg,), lambda i: (0,))

    deg0, deg1 = _make_deg_kernel(n_deg, rows, max_rows, u, rem, leftover)(
        edge_pad)

    y1 = pl.pallas_call(
        _tc1_body,
        grid=(grid,),
        in_specs=[
            pl.BlockSpec((BR, f_in), lambda i: (i, 0)),
            pl.BlockSpec((f_in, hid), lambda i: (0, 0)),
            deg_spec, deg_spec,
        ],
        out_specs=row_spec,
        out_shape=jax.ShapeDtypeStruct((n_pad, hid), jnp.float32),
    )(x, W1, deg0, deg1)

    z1 = _make_agg_kernel(n_pad, hid, True, rows, u, rem, leftover)(y1, edge3)

    emb, y2 = pl.pallas_call(
        _tc2_body,
        grid=(grid,),
        in_specs=[
            pl.BlockSpec((1, BR, hid), lambda i: (0, i, 0)),
            pl.BlockSpec((1, BR, hid), lambda i: (1, i, 0)),
            row_spec, deg_spec, deg_spec,
            pl.BlockSpec((hid,), lambda i: (0,)),
            pl.BlockSpec((hid, d2), lambda i: (0, 0)),
        ],
        out_specs=[row_spec, row_spec2],
        out_shape=[
            jax.ShapeDtypeStruct((n, hid), jnp.float32),
            jax.ShapeDtypeStruct((n_pad, d2), jnp.float32),
        ],
    )(z1, z1, y1, deg0, deg1, b1, w2p)

    z2 = _make_agg_kernel(n_pad, d2, False, rows, u, rem, leftover)(y2, edge3)

    out = pl.pallas_call(
        functools.partial(_tc3_body, c),
        grid=(grid,),
        in_specs=[
            pl.BlockSpec((1, BR, d2), lambda i: (0, i, 0)),
            pl.BlockSpec((1, BR, d2), lambda i: (1, i, 0)),
            row_spec2, deg_spec, deg_spec,
            pl.BlockSpec((d2,), lambda i: (0,)),
        ],
        out_specs=pl.BlockSpec((BR, c), lambda i: (i, 0)),
        out_shape=jax.ShapeDtypeStruct((n, c), jnp.float32),
    )(z2, z2, y2, deg0, deg1, b2p)

    return (out, emb)

# --- scband reference (transcript-rebuilt; emitter-appended) ---
"""Pipeline reference for scband-gcn-67817533604372 (READ-ONLY COPY).

The authoritative reference and input builder live on the scoring server;
editing this copy changes nothing except your own understanding.
"""

import jax, jax.numpy as jnp
import numpy as np

N = 10000
E = 320000
F_IN = 128
HID = 128
C = 40


def setup_inputs(seed: int = 0) -> dict:
    key = jax.random.key(seed)
    ks = jax.random.split(key, 6)
    x = jax.random.normal(ks[0], (N, F_IN), dtype=jnp.float32)
    edge_index = jax.random.randint(ks[1], (2, E), 0, N, dtype=jnp.int32)
    W1 = jax.random.normal(ks[2], (F_IN, HID), dtype=jnp.float32) * (1.0 / np.sqrt(F_IN))
    b1 = jnp.zeros((HID,), dtype=jnp.float32)
    W2 = jax.random.normal(ks[3], (HID, C), dtype=jnp.float32) * (1.0 / np.sqrt(HID))
    b2 = jnp.zeros((C,), dtype=jnp.float32)
    return {"x": x, "edge_index": edge_index, "W1": W1, "b1": b1, "W2": W2, "b2": b2}


def _gcn_conv(x, edge_index, W, b):
    # PyG GCNConv: add self-loops, symmetric D^{-1/2}(A+I)D^{-1/2} normalization
    xw = x @ W
    src = edge_index[0]
    dst = edge_index[1]
    loop = jnp.arange(N, dtype=src.dtype)
    src_f = jnp.concatenate([src, loop])
    dst_f = jnp.concatenate([dst, loop])
    deg = jnp.zeros((N,), dtype=x.dtype).at[dst_f].add(1.0)
    dinv = jnp.where(deg > 0, jax.lax.rsqrt(deg), 0.0)
    norm = dinv[src_f] * dinv[dst_f]
    msgs = jnp.take(xw, src_f, axis=0) * norm[:, None]
    out = jnp.zeros((N, W.shape[1]), dtype=x.dtype).at[dst_f].add(msgs)
    return out + b


def reference(x, edge_index, W1, b1, W2, b2):
    h = _gcn_conv(x, edge_index, W1, b1)
    embeddings = h
    h = jax.nn.relu(h)
    # dropout is identity in eval mode (training=False)
    h = _gcn_conv(h, edge_index, W2, b2)
    return (jax.nn.log_softmax(h, axis=1), embeddings)

if __name__ == "__main__":
    import jax
    _d = setup_inputs()
    print(jax.jit(kernel)(*tuple(_d.values())))

</pallas_src>

<mosaic_0001>
#map = affine_map<(d0, d1) -> (0, 0)>
#map1 = affine_map<(d0, d1) -> (0)>
module attributes {stable_mosaic.version = 14 : i64} {
  func.func @deg_kernel(%arg0: i32, %arg1: i32, %arg2: memref<2x321536xi32, #tpu.memory_space<hbm>>, %arg3: memref<10240xf32, #tpu.memory_space<hbm>>, %arg4: memref<10240xf32, #tpu.memory_space<hbm>>, %arg5: memref<10752xi32, #tpu.memory_space<vmem>>, %arg6: memref<10240xf32, #tpu.memory_space<vmem>>, %arg7: memref<640xf32, #tpu.memory_space<vmem>>, %arg8: memref<640xf32, #tpu.memory_space<vmem>>, %arg9: memref<163840xf32, #tpu.memory_space<vmem_shared>>) attributes {dimension_semantics = [#tpu.dimension_semantics<core_parallel>, #tpu.dimension_semantics<subcore_parallel>], iteration_bounds = array<i64: 2, 16>, scalar_prefetch = 0 : i64, scratch_operands = 5 : i64, tpu.core_type = #tpu.core_type<sc_vector_subcore>, window_params = [{transform_indices = #map}, {transform_indices = #map1}, {transform_indices = #map1}]} {
    %mul3A = arith.constant 16 : i32
    %mul3A_0 = arith.muli %arg0, %mul3A : i32
    %add3A = arith.addi %mul3A_0, %arg1 : i32
    %lt3A = arith.constant 24 : i32
    %lt3A_1 = arith.cmpi slt, %add3A, %lt3A : i32
    %jit3A = arith.constant 1 : i32
    %jit3A_2 = arith.constant 0 : i32
    %select_n3A = arith.select %lt3A_1, %jit3A, %jit3A_2 : i32
    %add3A_3 = arith.constant 9 : i32
    %add3A_4 = arith.addi %add3A_3, %select_n3A : i32
    %mul3A_5 = arith.constant 8 : i32
    %mul3A_6 = arith.muli %mul3A_5, %add3A_4 : i32
    %eq3A = arith.constant 31 : i32
    %eq3A_7 = arith.cmpi eq, %add3A, %eq3A : i32
    %jit3A_8 = arith.constant 4 : i32
    %jit3A_9 = arith.constant 0 : i32
    %select_n3A_10 = arith.select %eq3A_7, %jit3A_8, %jit3A_9 : i32
    %add3A_11 = arith.addi %mul3A_6, %select_n3A_10 : i32
    %mul3A_12 = arith.constant 9 : i32
    %mul3A_13 = arith.muli %mul3A_12, %add3A : i32
    %min3A = arith.constant 24 : i32
    %min3A_14 = arith.minsi %add3A, %min3A : i32
    %add3A_15 = arith.addi %mul3A_13, %min3A_14 : i32
    %mul3A_16 = arith.constant 8 : i32
    %mul3A_17 = arith.muli %mul3A_16, %add3A_15 : i32
    %mul3A_18 = arith.constant 128 : i32
    %mul3A_19 = arith.muli %mul3A_17, %mul3A_18 : i32
    %run_scoped3A = arith.constant 1 : i32
    "tpu.region"() ({
      %run_scoped3A_57 = tpu.sem_alloc : memref<!tpu.dma_semaphore, #tpu.memory_space<semaphore_mem>>
      %dma_start3A = arith.constant 0 : i32
      %dma_start3A_58 = tpu.memref_slice %arg2[%run_scoped3A, %dma_start3A] : memref<2x321536xi32, #tpu.memory_space<hbm>> -> memref<1x321536xi32, #tpu.memory_space<hbm>>
      %dma_start3A_59 = tpu.memref_squeeze %dma_start3A_58 : memref<1x321536xi32, #tpu.memory_space<hbm>> -> memref<321536xi32, #tpu.memory_space<hbm>>
      %dma_start3A_60 = tpu.memref_slice %dma_start3A_59[%mul3A_19] : memref<321536xi32, #tpu.memory_space<hbm>> -> memref<10752xi32, #tpu.memory_space<hbm>>
      %dma_start3A_61 = arith.constant 0 : i32
      %dma_start3A_62 = tpu.memref_slice %arg2[%run_scoped3A, %dma_start3A_61] : memref<2x321536xi32, #tpu.memory_space<hbm>> -> memref<1x321536xi32, #tpu.memory_space<hbm>>
      %dma_start3A_63 = tpu.memref_squeeze %dma_start3A_62 : memref<1x321536xi32, #tpu.memory_space<hbm>> -> memref<321536xi32, #tpu.memory_space<hbm>>
      %dma_start3A_64 = tpu.memref_slice %dma_start3A_63[%mul3A_19] : memref<321536xi32, #tpu.memory_space<hbm>> -> memref<10752xi32, #tpu.memory_space<hbm>>
      tpu.enqueue_dma source(%dma_start3A_64 : memref<10752xi32, #tpu.memory_space<hbm>>) target(%arg5 : memref<10752xi32, #tpu.memory_space<vmem>>) target_semaphore(%run_scoped3A_57 : memref<!tpu.dma_semaphore, #tpu.memory_space<semaphore_mem>>)
      %dma_wait3A = arith.constant 0 : i32
      %dma_wait3A_65 = tpu.memref_slice %arg2[%run_scoped3A, %dma_wait3A] : memref<2x321536xi32, #tpu.memory_space<hbm>> -> memref<1x321536xi32, #tpu.memory_space<hbm>>
      %dma_wait3A_66 = tpu.memref_squeeze %dma_wait3A_65 : memref<1x321536xi32, #tpu.memory_space<hbm>> -> memref<321536xi32, #tpu.memory_space<hbm>>
      %dma_wait3A_67 = tpu.memref_slice %dma_wait3A_66[%mul3A_19] : memref<321536xi32, #tpu.memory_space<hbm>> -> memref<10752xi32, #tpu.memory_space<hbm>>
      %dma_wait3A_68 = arith.constant 0 : i32
      %dma_wait3A_69 = tpu.memref_slice %arg2[%run_scoped3A, %dma_wait3A_68] : memref<2x321536xi32, #tpu.memory_space<hbm>> -> memref<1x321536xi32, #tpu.memory_space<hbm>>
      %dma_wait3A_70 = tpu.memref_squeeze %dma_wait3A_69 : memref<1x321536xi32, #tpu.memory_space<hbm>> -> memref<321536xi32, #tpu.memory_space<hbm>>
      %dma_wait3A_71 = tpu.memref_slice %dma_wait3A_70[%mul3A_19] : memref<321536xi32, #tpu.memory_space<hbm>> -> memref<10752xi32, #tpu.memory_space<hbm>>
      tpu.wait_dma2 semaphore(%run_scoped3A_57 : memref<!tpu.dma_semaphore, #tpu.memory_space<semaphore_mem>>) src(%dma_wait3A_71 : memref<10752xi32, #tpu.memory_space<hbm>>) dst(%arg5 : memref<10752xi32, #tpu.memory_space<vmem>>)
      tpu.yield
    }) : () -> ()
    %scan3A = arith.constant 0 : i32
    %scan3A_20 = arith.constant 0 : i32
    %scan3A_21 = arith.constant 640 : i32
    %scan3A_22 = arith.addi %scan3A_20, %scan3A_21 : i32
    %scan3A_23 = arith.constant 1 : i32
    %scan3A_24 = scf.for %scan3A_57 = %scan3A_20 to %scan3A_22 step %scan3A_23 iter_args(%scan3A_58 = %scan3A) -> (i32)  : i32 {
      %broadcast_in_dim3A_59 = arith.constant 0.000000e+00 : f32
      %broadcast_in_dim3A_60 = vector.broadcast %broadcast_in_dim3A_59 : f32 to vector<16xf32>
      %mul3A_61 = arith.constant 16 : i32
      %mul3A_62 = arith.muli %scan3A_57, %mul3A_61 : i32
      %swap3A = arith.index_cast %mul3A_62 : i32 to index
      %swap3A_63 = tpu.vector_load %arg6[%swap3A] {strides = array<i32>} : memref<10240xf32, #tpu.memory_space<vmem>>, vector<16xf32>,
      tpu.vector_store %arg6[%swap3A], %broadcast_in_dim3A_60 {strides = array<i32>} : memref<10240xf32, #tpu.memory_space<vmem>>, vector<16xf32>,
      %scan3A_64 = arith.constant 0 : i32
      scf.yield %scan3A_64 : i32
    }
    %scan3A_25 = arith.constant 640 : i32
    %broadcast_in_dim3A = arith.constant 1.000000e+00 : f32
    %broadcast_in_dim3A_26 = vector.broadcast %broadcast_in_dim3A : f32 to vector<16xf32>
    %while3A = arith.constant 0 : i32
    %while3A_27 = arith.constant 0 : i32
    %while3A_28 = arith.subi %add3A_11, %while3A : i32
    %while3A_29 = arith.addi %while3A, %while3A_28 : i32
    %while3A_30 = arith.constant 1 : i32
    %while3A_31 = arith.divsi %while3A_28, %while3A_30 : i32
    %while3A_32 = arith.muli %while3A_31, %while3A_30 : i32
    %while3A_33 = arith.addi %while3A, %while3A_32 : i32
    %while3A_34 = arith.constant 1 : i32
    %while3A_35 = scf.for %while3A_57 = %while3A to %while3A_33 step %while3A_34 iter_args(%while3A_58 = %while3A_27) -> (i32)  : i32 {
      %mul3A_59 = arith.constant 128 : i32
      %mul3A_60 = arith.muli %while3A_57, %mul3A_59 : i32
      %add3A_61 = arith.constant 0 : i32
      %add3A_62 = arith.addi %mul3A_60, %add3A_61 : i32
      %get3A = arith.index_cast %add3A_62 : i32 to index
      %get3A_63 = tpu.vector_load %arg5[%get3A] {strides = array<i32>} : memref<10752xi32, #tpu.memory_space<vmem>>, vector<16xi32>,
      tpu.vector_store_idx %arg6[%get3A_63], %broadcast_in_dim3A_26 {add = true} : memref<10240xf32, #tpu.memory_space<vmem>>[vector<16xi32>], vector<16xf32>,
      %add3A_64 = arith.constant 16 : i32
      %add3A_65 = arith.addi %mul3A_60, %add3A_64 : i32
      %get3A_66 = arith.index_cast %add3A_65 : i32 to index
      %get3A_67 = tpu.vector_load %arg5[%get3A_66] {strides = array<i32>} : memref<10752xi32, #tpu.memory_space<vmem>>, vector<16xi32>,
      tpu.vector_store_idx %arg6[%get3A_67], %broadcast_in_dim3A_26 {add = true} : memref<10240xf32, #tpu.memory_space<vmem>>[vector<16xi32>], vector<16xf32>,
      %add3A_68 = arith.constant 32 : i32
      %add3A_69 = arith.addi %mul3A_60, %add3A_68 : i32
      %get3A_70 = arith.index_cast %add3A_69 : i32 to index
      %get3A_71 = tpu.vector_load %arg5[%get3A_70] {strides = array<i32>} : memref<10752xi32, #tpu.memory_space<vmem>>, vector<16xi32>,
      tpu.vector_store_idx %arg6[%get3A_71], %broadcast_in_dim3A_26 {add = true} : memref<10240xf32, #tpu.memory_space<vmem>>[vector<16xi32>], vector<16xf32>,
      %add3A_72 = arith.constant 48 : i32
      %add3A_73 = arith.addi %mul3A_60, %add3A_72 : i32
      %get3A_74 = arith.index_cast %add3A_73 : i32 to index
      %get3A_75 = tpu.vector_load %arg5[%get3A_74] {strides = array<i32>} : memref<10752xi32, #tpu.memory_space<vmem>>, vector<16xi32>,
      tpu.vector_store_idx %arg6[%get3A_75], %broadcast_in_dim3A_26 {add = true} : memref<10240xf32, #tpu.memory_space<vmem>>[vector<16xi32>], vector<16xf32>,
      %add3A_76 = arith.constant 64 : i32
      %add3A_77 = arith.addi %mul3A_60, %add3A_76 : i32
      %get3A_78 = arith.index_cast %add3A_77 : i32 to index
      %get3A_79 = tpu.vector_load %arg5[%get3A_78] {strides = array<i32>} : memref<10752xi32, #tpu.memory_space<vmem>>, vector<16xi32>,
      tpu.vector_store_idx %arg6[%get3A_79], %broadcast_in_dim3A_26 {add = true} : memref<10240xf32, #tpu.memory_space<vmem>>[vector<16xi32>], vector<16xf32>,
      %add3A_80 = arith.constant 80 : i32
      %add3A_81 = arith.addi %mul3A_60, %add3A_80 : i32
      %get3A_82 = arith.index_cast %add3A_81 : i32 to index
      %get3A_83 = tpu.vector_load %arg5[%get3A_82] {strides = array<i32>} : memref<10752xi32, #tpu.memory_space<vmem>>, vector<16xi32>,
      tpu.vector_store_idx %arg6[%get3A_83], %broadcast_in_dim3A_26 {add = true} : memref<10240xf32, #tpu.memory_space<vmem>>[vector<16xi32>], vector<16xf32>,
      %add3A_84 = arith.constant 96 : i32
      %add3A_85 = arith.addi %mul3A_60, %add3A_84 : i32
      %get3A_86 = arith.index_cast %add3A_85 : i32 to index
      %get3A_87 = tpu.vector_load %arg5[%get3A_86] {strides = array<i32>} : memref<10752xi32, #tpu.memory_space<vmem>>, vector<16xi32>,
      tpu.vector_store_idx %arg6[%get3A_87], %broadcast_in_dim3A_26 {add = true} : memref<10240xf32, #tpu.memory_space<vmem>>[vector<16xi32>], vector<16xf32>,
      %add3A_88 = arith.constant 112 : i32
      %add3A_89 = arith.addi %mul3A_60, %add3A_88 : i32
      %get3A_90 = arith.index_cast %add3A_89 : i32 to index
      %get3A_91 = tpu.vector_load %arg5[%get3A_90] {strides = array<i32>} : memref<10752xi32, #tpu.memory_space<vmem>>, vector<16xi32>,
      tpu.vector_store_idx %arg6[%get3A_91], %broadcast_in_dim3A_26 {add = true} : memref<10240xf32, #tpu.memory_space<vmem>>[vector<16xi32>], vector<16xf32>,
      %while3A_92 = arith.constant 0 : i32
      scf.yield %while3A_92 : i32
    }
    %while3A_36 = arith.constant 1 : i32
    %while3A_37 = scf.for %while3A_57 = %while3A_33 to %while3A_29 step %while3A_36 iter_args(%while3A_58 = %while3A_35) -> (i32)  : i32 {
      %mul3A_59 = arith.constant 128 : i32
      %mul3A_60 = arith.muli %while3A_57, %mul3A_59 : i32
      %add3A_61 = arith.constant 0 : i32
      %add3A_62 = arith.addi %mul3A_60, %add3A_61 : i32
      %get3A = arith.index_cast %add3A_62 : i32 to index
      %get3A_63 = tpu.vector_load %arg5[%get3A] {strides = array<i32>} : memref<10752xi32, #tpu.memory_space<vmem>>, vector<16xi32>,
      tpu.vector_store_idx %arg6[%get3A_63], %broadcast_in_dim3A_26 {add = true} : memref<10240xf32, #tpu.memory_space<vmem>>[vector<16xi32>], vector<16xf32>,
      %add3A_64 = arith.constant 16 : i32
      %add3A_65 = arith.addi %mul3A_60, %add3A_64 : i32
      %get3A_66 = arith.index_cast %add3A_65 : i32 to index
      %get3A_67 = tpu.vector_load %arg5[%get3A_66] {strides = array<i32>} : memref<10752xi32, #tpu.memory_space<vmem>>, vector<16xi32>,
      tpu.vector_store_idx %arg6[%get3A_67], %broadcast_in_dim3A_26 {add = true} : memref<10240xf32, #tpu.memory_space<vmem>>[vector<16xi32>], vector<16xf32>,
      %add3A_68 = arith.constant 32 : i32
      %add3A_69 = arith.addi %mul3A_60, %add3A_68 : i32
      %get3A_70 = arith.index_cast %add3A_69 : i32 to index
      %get3A_71 = tpu.vector_load %arg5[%get3A_70] {strides = array<i32>} : memref<10752xi32, #tpu.memory_space<vmem>>, vector<16xi32>,
      tpu.vector_store_idx %arg6[%get3A_71], %broadcast_in_dim3A_26 {add = true} : memref<10240xf32, #tpu.memory_space<vmem>>[vector<16xi32>], vector<16xf32>,
      %add3A_72 = arith.constant 48 : i32
      %add3A_73 = arith.addi %mul3A_60, %add3A_72 : i32
      %get3A_74 = arith.index_cast %add3A_73 : i32 to index
      %get3A_75 = tpu.vector_load %arg5[%get3A_74] {strides = array<i32>} : memref<10752xi32, #tpu.memory_space<vmem>>, vector<16xi32>,
      tpu.vector_store_idx %arg6[%get3A_75], %broadcast_in_dim3A_26 {add = true} : memref<10240xf32, #tpu.memory_space<vmem>>[vector<16xi32>], vector<16xf32>,
      %add3A_76 = arith.constant 64 : i32
      %add3A_77 = arith.addi %mul3A_60, %add3A_76 : i32
      %get3A_78 = arith.index_cast %add3A_77 : i32 to index
      %get3A_79 = tpu.vector_load %arg5[%get3A_78] {strides = array<i32>} : memref<10752xi32, #tpu.memory_space<vmem>>, vector<16xi32>,
      tpu.vector_store_idx %arg6[%get3A_79], %broadcast_in_dim3A_26 {add = true} : memref<10240xf32, #tpu.memory_space<vmem>>[vector<16xi32>], vector<16xf32>,
      %add3A_80 = arith.constant 80 : i32
      %add3A_81 = arith.addi %mul3A_60, %add3A_80 : i32
      %get3A_82 = arith.index_cast %add3A_81 : i32 to index
      %get3A_83 = tpu.vector_load %arg5[%get3A_82] {strides = array<i32>} : memref<10752xi32, #tpu.memory_space<vmem>>, vector<16xi32>,
      tpu.vector_store_idx %arg6[%get3A_83], %broadcast_in_dim3A_26 {add = true} : memref<10240xf32, #tpu.memory_space<vmem>>[vector<16xi32>], vector<16xf32>,
      %add3A_84 = arith.constant 96 : i32
      %add3A_85 = arith.addi %mul3A_60, %add3A_84 : i32
      %get3A_86 = arith.index_cast %add3A_85 : i32 to index
      %get3A_87 = tpu.vector_load %arg5[%get3A_86] {strides = array<i32>} : memref<10752xi32, #tpu.memory_space<vmem>>, vector<16xi32>,
      tpu.vector_store_idx %arg6[%get3A_87], %broadcast_in_dim3A_26 {add = true} : memref<10240xf32, #tpu.memory_space<vmem>>[vector<16xi32>], vector<16xf32>,
      %add3A_88 = arith.constant 112 : i32
      %add3A_89 = arith.addi %mul3A_60, %add3A_88 : i32
      %get3A_90 = arith.index_cast %add3A_89 : i32 to index
      %get3A_91 = tpu.vector_load %arg5[%get3A_90] {strides = array<i32>} : memref<10752xi32, #tpu.memory_space<vmem>>, vector<16xi32>,
      tpu.vector_store_idx %arg6[%get3A_91], %broadcast_in_dim3A_26 {add = true} : memref<10240xf32, #tpu.memory_space<vmem>>[vector<16xi32>], vector<16xf32>,
      %while3A_92 = arith.constant 0 : i32
      scf.yield %while3A_92 : i32
    }
    %mul3A_38 = arith.constant 10240 : i32
    %mul3A_39 = arith.muli %arg1, %mul3A_38 : i32
    "tpu.region"() ({
      %run_scoped3A_57 = tpu.sem_alloc : memref<!tpu.dma_semaphore, #tpu.memory_space<semaphore_mem>>
      %dma_start3A = tpu.memref_slice %arg9[%mul3A_39] : memref<163840xf32, #tpu.memory_space<vmem_shared>> -> memref<10240xf32, #tpu.memory_space<vmem_shared>>
      %dma_start3A_58 = tpu.memref_slice %arg9[%mul3A_39] : memref<163840xf32, #tpu.memory_space<vmem_shared>> -> memref<10240xf32, #tpu.memory_space<vmem_shared>>
      tpu.enqueue_dma source(%arg6 : memref<10240xf32, #tpu.memory_space<vmem>>) target(%dma_start3A_58 : memref<10240xf32, #tpu.memory_space<vmem_shared>>) target_semaphore(%run_scoped3A_57 : memref<!tpu.dma_semaphore, #tpu.memory_space<semaphore_mem>>)
      %dma_wait3A = tpu.memref_slice %arg9[%mul3A_39] : memref<163840xf32, #tpu.memory_space<vmem_shared>> -> memref<10240xf32, #tpu.memory_space<vmem_shared>>
      %dma_wait3A_59 = tpu.memref_slice %arg9[%mul3A_39] : memref<163840xf32, #tpu.memory_space<vmem_shared>> -> memref<10240xf32, #tpu.memory_space<vmem_shared>>
      tpu.wait_dma2 semaphore(%run_scoped3A_57 : memref<!tpu.dma_semaphore, #tpu.memory_space<semaphore_mem>>) src(%arg6 : memref<10240xf32, #tpu.memory_space<vmem>>) dst(%dma_wait3A_59 : memref<10240xf32, #tpu.memory_space<vmem_shared>>)
      tpu.yield
    }) : () -> ()
    %barrier3A = arith.constant 0 : index
    tpu.barrier barrier_id(%barrier3A)
    %mul3A_40 = arith.constant 640 : i32
    %mul3A_41 = arith.muli %arg1, %mul3A_40 : i32
    "tpu.region"() ({
      %run_scoped3A_57 = tpu.sem_alloc : memref<!tpu.dma_semaphore, #tpu.memory_space<semaphore_mem>>
      %dma_start3A = tpu.memref_slice %arg9[%mul3A_41] : memref<163840xf32, #tpu.memory_space<vmem_shared>> -> memref<640xf32, #tpu.memory_space<vmem_shared>>
      %dma_start3A_58 = tpu.memref_slice %arg9[%mul3A_41] : memref<163840xf32, #tpu.memory_space<vmem_shared>> -> memref<640xf32, #tpu.memory_space<vmem_shared>>
      tpu.enqueue_dma source(%dma_start3A_58 : memref<640xf32, #tpu.memory_space<vmem_shared>>) target(%arg7 : memref<640xf32, #tpu.memory_space<vmem>>) target_semaphore(%run_scoped3A_57 : memref<!tpu.dma_semaphore, #tpu.memory_space<semaphore_mem>>)
      %dma_wait3A = tpu.memref_slice %arg9[%mul3A_41] : memref<163840xf32, #tpu.memory_space<vmem_shared>> -> memref<640xf32, #tpu.memory_space<vmem_shared>>
      %dma_wait3A_59 = tpu.memref_slice %arg9[%mul3A_41] : memref<163840xf32, #tpu.memory_space<vmem_shared>> -> memref<640xf32, #tpu.memory_space<vmem_shared>>
      tpu.wait_dma2 semaphore(%run_scoped3A_57 : memref<!tpu.dma_semaphore, #tpu.memory_space<semaphore_mem>>) src(%dma_wait3A_59 : memref<640xf32, #tpu.memory_space<vmem_shared>>) dst(%arg7 : memref<640xf32, #tpu.memory_space<vmem>>)
      tpu.yield
    }) : () -> ()
    %scan3A_42 = arith.constant 0 : i32
    %scan3A_43 = arith.constant 1 : i32
    %scan3A_44 = arith.constant 15 : i32
    %scan3A_45 = arith.addi %scan3A_43, %scan3A_44 : i32
    %scan3A_46 = arith.constant 1 : i32
    %scan3A_47 = scf.for %scan3A_57 = %scan3A_43 to %scan3A_45 step %scan3A_46 iter_args(%scan3A_58 = %scan3A_42) -> (i32)  : i32 {
      %mul3A_59 = arith.constant 10240 : i32
      %mul3A_60 = arith.muli %scan3A_57, %mul3A_59 : i32
      %mul3A_61 = arith.constant 640 : i32
      %mul3A_62 = arith.muli %arg1, %mul3A_61 : i32
      %add3A_63 = arith.addi %mul3A_60, %mul3A_62 : i32
      "tpu.region"() ({
        %run_scoped3A_72 = tpu.sem_alloc : memref<!tpu.dma_semaphore, #tpu.memory_space<semaphore_mem>>
        %dma_start3A = tpu.memref_slice %arg9[%add3A_63] : memref<163840xf32, #tpu.memory_space<vmem_shared>> -> memref<640xf32, #tpu.memory_space<vmem_shared>>
        %dma_start3A_73 = tpu.memref_slice %arg9[%add3A_63] : memref<163840xf32, #tpu.memory_space<vmem_shared>> -> memref<640xf32, #tpu.memory_space<vmem_shared>>
        tpu.enqueue_dma source(%dma_start3A_73 : memref<640xf32, #tpu.memory_space<vmem_shared>>) target(%arg8 : memref<640xf32, #tpu.memory_space<vmem>>) target_semaphore(%run_scoped3A_72 : memref<!tpu.dma_semaphore, #tpu.memory_space<semaphore_mem>>)
        %dma_wait3A = tpu.memref_slice %arg9[%add3A_63] : memref<163840xf32, #tpu.memory_space<vmem_shared>> -> memref<640xf32, #tpu.memory_space<vmem_shared>>
        %dma_wait3A_74 = tpu.memref_slice %arg9[%add3A_63] : memref<163840xf32, #tpu.memory_space<vmem_shared>> -> memref<640xf32, #tpu.memory_space<vmem_shared>>
        tpu.wait_dma2 semaphore(%run_scoped3A_72 : memref<!tpu.dma_semaphore, #tpu.memory_space<semaphore_mem>>) src(%dma_wait3A_74 : memref<640xf32, #tpu.memory_space<vmem_shared>>) dst(%arg8 : memref<640xf32, #tpu.memory_space<vmem>>)
        tpu.yield
      }) : () -> ()
      %scan3A_64 = arith.constant 0 : i32
      %scan3A_65 = arith.constant 0 : i32
      %scan3A_66 = arith.constant 40 : i32
      %scan3A_67 = arith.addi %scan3A_65, %scan3A_66 : i32
      %scan3A_68 = arith.constant 1 : i32
      %scan3A_69 = scf.for %scan3A_72 = %scan3A_65 to %scan3A_67 step %scan3A_68 iter_args(%scan3A_73 = %scan3A_64) -> (i32)  : i32 {
        %mul3A_74 = arith.constant 16 : i32
        %mul3A_75 = arith.muli %scan3A_72, %mul3A_74 : i32
        %get3A = arith.index_cast %mul3A_75 : i32 to index
        %get3A_76 = tpu.vector_load %arg7[%get3A] {strides = array<i32>} : memref<640xf32, #tpu.memory_space<vmem>>, vector<16xf32>,
        %mul3A_77 = arith.constant 16 : i32
        %mul3A_78 = arith.muli %scan3A_72, %mul3A_77 : i32
        %get3A_79 = arith.index_cast %mul3A_78 : i32 to index
        %get3A_80 = tpu.vector_load %arg8[%get3A_79] {strides = array<i32>} : memref<640xf32, #tpu.memory_space<vmem>>, vector<16xf32>,
        %add3A_81 = arith.addf %get3A_76, %get3A_80 : vector<16xf32>
        %mul3A_82 = arith.constant 16 : i32
        %mul3A_83 = arith.muli %scan3A_72, %mul3A_82 : i32
        %swap3A = arith.index_cast %mul3A_83 : i32 to index
        %swap3A_84 = tpu.vector_load %arg7[%swap3A] {strides = array<i32>} : memref<640xf32, #tpu.memory_space<vmem>>, vector<16xf32>,
        tpu.vector_store %arg7[%swap3A], %add3A_81 {strides = array<i32>} : memref<640xf32, #tpu.memory_space<vmem>>, vector<16xf32>,
        %scan3A_85 = arith.constant 0 : i32
        scf.yield %scan3A_85 : i32
      }
      %scan3A_70 = arith.constant 40 : i32
      %scan3A_71 = arith.constant 0 : i32
      scf.yield %scan3A_71 : i32
    }
    %scan3A_48 = arith.constant 15 : i32
    %eq3A_49 = arith.constant 0 : i32
    %eq3A_50 = arith.cmpi eq, %arg0, %eq3A_49 : i32
    %convert_element_type3A = arith.extui %eq3A_50 : i1 to i32
    %cond3A = arith.constant 0 : i32
    %cond3A_51 = arith.cmpi ne, %convert_element_type3A, %cond3A : i32
    scf.if %cond3A_51 {
      %mul3A_57 = arith.constant 640 : i32
      %mul3A_58 = arith.muli %arg1, %mul3A_57 : i32
      "tpu.region"() ({
        %run_scoped3A_59 = tpu.sem_alloc : memref<!tpu.dma_semaphore, #tpu.memory_space<semaphore_mem>>
        %dma_start3A = tpu.memref_slice %arg3[%mul3A_58] : memref<10240xf32, #tpu.memory_space<hbm>> -> memref<640xf32, #tpu.memory_space<hbm>>
        %dma_start3A_60 = tpu.memref_slice %arg3[%mul3A_58] : memref<10240xf32, #tpu.memory_space<hbm>> -> memref<640xf32, #tpu.memory_space<hbm>>
        tpu.enqueue_dma source(%arg7 : memref<640xf32, #tpu.memory_space<vmem>>) target(%dma_start3A_60 : memref<640xf32, #tpu.memory_space<hbm>>) target_semaphore(%run_scoped3A_59 : memref<!tpu.dma_semaphore, #tpu.memory_space<semaphore_mem>>)
        %dma_wait3A = tpu.memref_slice %arg3[%mul3A_58] : memref<10240xf32, #tpu.memory_space<hbm>> -> memref<640xf32, #tpu.memory_space<hbm>>
        %dma_wait3A_61 = tpu.memref_slice %arg3[%mul3A_58] : memref<10240xf32, #tpu.memory_space<hbm>> -> memref<640xf32, #tpu.memory_space<hbm>>
        tpu.wait_dma2 semaphore(%run_scoped3A_59 : memref<!tpu.dma_semaphore, #tpu.memory_space<semaphore_mem>>) src(%arg7 : memref<640xf32, #tpu.memory_space<vmem>>) dst(%dma_wait3A_61 : memref<640xf32, #tpu.memory_space<hbm>>)
        tpu.yield
      }) : () -> ()
    } else {
    }
    %eq3A_52 = arith.constant 1 : i32
    %eq3A_53 = arith.cmpi eq, %arg0, %eq3A_52 : i32
    %convert_element_type3A_54 = arith.extui %eq3A_53 : i1 to i32
    %cond3A_55 = arith.constant 0 : i32
    %cond3A_56 = arith.cmpi ne, %convert_element_type3A_54, %cond3A_55 : i32
    scf.if %cond3A_56 {
      %mul3A_57 = arith.constant 640 : i32
      %mul3A_58 = arith.muli %arg1, %mul3A_57 : i32
      "tpu.region"() ({
        %run_scoped3A_59 = tpu.sem_alloc : memref<!tpu.dma_semaphore, #tpu.memory_space<semaphore_mem>>
        %dma_start3A = tpu.memref_slice %arg4[%mul3A_58] : memref<10240xf32, #tpu.memory_space<hbm>> -> memref<640xf32, #tpu.memory_space<hbm>>
        %dma_start3A_60 = tpu.memref_slice %arg4[%mul3A_58] : memref<10240xf32, #tpu.memory_space<hbm>> -> memref<640xf32, #tpu.memory_space<hbm>>
        tpu.enqueue_dma source(%arg7 : memref<640xf32, #tpu.memory_space<vmem>>) target(%dma_start3A_60 : memref<640xf32, #tpu.memory_space<hbm>>) target_semaphore(%run_scoped3A_59 : memref<!tpu.dma_semaphore, #tpu.memory_space<semaphore_mem>>)
        %dma_wait3A = tpu.memref_slice %arg4[%mul3A_58] : memref<10240xf32, #tpu.memory_space<hbm>> -> memref<640xf32, #tpu.memory_space<hbm>>
        %dma_wait3A_61 = tpu.memref_slice %arg4[%mul3A_58] : memref<10240xf32, #tpu.memory_space<hbm>> -> memref<640xf32, #tpu.memory_space<hbm>>
        tpu.wait_dma2 semaphore(%run_scoped3A_59 : memref<!tpu.dma_semaphore, #tpu.memory_space<semaphore_mem>>) src(%arg7 : memref<640xf32, #tpu.memory_space<vmem>>) dst(%dma_wait3A_61 : memref<640xf32, #tpu.memory_space<hbm>>)
        tpu.yield
      }) : () -> ()
    } else {
    }
    return
  }
}

#map = affine_map<(d0, d1) -> (0, 0)>
#map1 = affine_map<(d0, d1) -> (0, 0, 0)>
module attributes {stable_mosaic.version = 14 : i64} {
  func.func @agg_kernel(%arg0: i32, %arg1: i32, %arg2: memref<10240x128xf32, #tpu.memory_space<hbm>>, %arg3: memref<2x2512x128xi32, #tpu.memory_space<hbm>>, %arg4: memref<2x10240x128xf32, #tpu.memory_space<hbm>>, %arg5: memref<2x16x128xi32, #tpu.memory_space<vmem>>, %arg6: memref<2x16x128xi32, #tpu.memory_space<vmem>>, %arg7: memref<128x128xf32, #tpu.memory_space<vmem>>, %arg8: memref<128x128xf32, #tpu.memory_space<vmem>>, %arg9: memref<10240x128xf32, #tpu.memory_space<vmem_shared>>, %arg10: memref<!tpu.dma_semaphore, #tpu.memory_space<semaphore_mem>>, %arg11: memref<!tpu.dma_semaphore, #tpu.memory_space<semaphore_mem>>, %arg12: memref<!tpu.dma_semaphore, #tpu.memory_space<semaphore_mem>>, %arg13: memref<!tpu.dma_semaphore, #tpu.memory_space<semaphore_mem>>, %arg14: memref<!tpu.dma_semaphore, #tpu.memory_space<semaphore_mem>>) attributes {dimension_semantics = [#tpu.dimension_semantics<core_parallel>, #tpu.dimension_semantics<subcore_parallel>], iteration_bounds = array<i64: 2, 16>, scalar_prefetch = 0 : i64, scratch_operands = 10 : i64, tpu.core_type = #tpu.core_type<sc_vector_subcore>, window_params = [{transform_indices = #map}, {transform_indices = #map1}, {transform_indices = #map1}]} {
    %mul3A = arith.constant 16 : i32
    %mul3A_0 = arith.muli %arg0, %mul3A : i32
    %add3A = arith.addi %mul3A_0, %arg1 : i32
    %lt3A = arith.constant 24 : i32
    %lt3A_1 = arith.cmpi slt, %add3A, %lt3A : i32
    %jit3A = arith.constant 1 : i32
    %jit3A_2 = arith.constant 0 : i32
    %select_n3A = arith.select %lt3A_1, %jit3A, %jit3A_2 : i32
    %add3A_3 = arith.constant 9 : i32
    %add3A_4 = arith.addi %add3A_3, %select_n3A : i32
    %mul3A_5 = arith.constant 8 : i32
    %mul3A_6 = arith.muli %mul3A_5, %add3A_4 : i32
    %eq3A = arith.constant 31 : i32
    %eq3A_7 = arith.cmpi eq, %add3A, %eq3A : i32
    %jit3A_8 = arith.constant 4 : i32
    %jit3A_9 = arith.constant 0 : i32
    %select_n3A_10 = arith.select %eq3A_7, %jit3A_8, %jit3A_9 : i32
    %add3A_11 = arith.addi %mul3A_6, %select_n3A_10 : i32
    %mul3A_12 = arith.constant 9 : i32
    %mul3A_13 = arith.muli %mul3A_12, %add3A : i32
    %min3A = arith.constant 24 : i32
    %min3A_14 = arith.minsi %add3A, %min3A : i32
    %add3A_15 = arith.addi %mul3A_13, %min3A_14 : i32
    %mul3A_16 = arith.constant 8 : i32
    %mul3A_17 = arith.muli %mul3A_16, %add3A_15 : i32
    %jit3A_18 = arith.constant 2 : i32
    %div3A = arith.divsi %add3A_11, %jit3A_18 : i32
    %sign3A = arith.constant 0 : i32
    %sign3A_19 = arith.cmpi sgt, %add3A_11, %sign3A : i32
    %sign3A_20 = arith.extui %sign3A_19 : i1 to i32
    %sign3A_21 = arith.constant 0 : i32
    %sign3A_22 = arith.cmpi slt, %add3A_11, %sign3A_21 : i32
    %sign3A_23 = arith.extui %sign3A_22 : i1 to i32
    %sign3A_24 = arith.subi %sign3A_20, %sign3A_23 : i32
    %sign3A_25 = arith.constant 0 : i32
    %sign3A_26 = arith.cmpi sgt, %jit3A_18, %sign3A_25 : i32
    %sign3A_27 = arith.extui %sign3A_26 : i1 to i32
    %sign3A_28 = arith.constant 0 : i32
    %sign3A_29 = arith.cmpi slt, %jit3A_18, %sign3A_28 : i32
    %sign3A_30 = arith.extui %sign3A_29 : i1 to i32
    %sign3A_31 = arith.subi %sign3A_27, %sign3A_30 : i32
    %ne3A = arith.cmpi ne, %sign3A_24, %sign3A_31 : i32
    %rem3A = arith.remsi %add3A_11, %jit3A_18 : i32
    %ne3A_32 = arith.constant 0 : i32
    %ne3A_33 = arith.cmpi ne, %rem3A, %ne3A_32 : i32
    %and3A = arith.andi %ne3A, %ne3A_33 : i1
    %sub3A = arith.constant 1 : i32
    %sub3A_34 = arith.subi %div3A, %sub3A : i32
    %select_n3A_35 = arith.select %and3A, %sub3A_34, %div3A : i32
    %mul3A_36 = arith.constant 640 : i32
    %mul3A_37 = arith.muli %arg1, %mul3A_36 : i32
    %mul3A_38 = arith.constant 640 : i32
    %mul3A_39 = arith.muli %arg1, %mul3A_38 : i32
    "tpu.region"() ({
      %run_scoped3A_121 = tpu.sem_alloc : memref<!tpu.dma_semaphore, #tpu.memory_space<semaphore_mem>>
      %dma_start3A_122 = arith.constant 0 : i32
      %dma_start3A_123 = tpu.memref_slice %arg9[%mul3A_39, %dma_start3A_122] : memref<10240x128xf32, #tpu.memory_space<vmem_shared>> -> memref<640x128xf32, #tpu.memory_space<vmem_shared>>
      %dma_start3A_124 = arith.constant 0 : i32
      %dma_start3A_125 = tpu.memref_slice %arg2[%mul3A_37, %dma_start3A_124] : memref<10240x128xf32, #tpu.memory_space<hbm>> -> memref<640x128xf32, #tpu.memory_space<hbm>>
      tpu.enqueue_dma source(%dma_start3A_125 : memref<640x128xf32, #tpu.memory_space<hbm>>) target(%dma_start3A_123 : memref<640x128xf32, #tpu.memory_space<vmem_shared>>) target_semaphore(%run_scoped3A_121 : memref<!tpu.dma_semaphore, #tpu.memory_space<semaphore_mem>>)
      %dma_wait3A_126 = arith.constant 0 : i32
      %dma_wait3A_127 = tpu.memref_slice %arg9[%mul3A_39, %dma_wait3A_126] : memref<10240x128xf32, #tpu.memory_space<vmem_shared>> -> memref<640x128xf32, #tpu.memory_space<vmem_shared>>
      %dma_wait3A_128 = arith.constant 0 : i32
      %dma_wait3A_129 = tpu.memref_slice %arg2[%mul3A_37, %dma_wait3A_128] : memref<10240x128xf32, #tpu.memory_space<hbm>> -> memref<640x128xf32, #tpu.memory_space<hbm>>
      tpu.wait_dma2 semaphore(%run_scoped3A_121 : memref<!tpu.dma_semaphore, #tpu.memory_space<semaphore_mem>>) src(%dma_wait3A_129 : memref<640x128xf32, #tpu.memory_space<hbm>>) dst(%dma_wait3A_127 : memref<640x128xf32, #tpu.memory_space<vmem_shared>>)
      tpu.yield
    }) : () -> ()
    %run_scoped3A = arith.constant 0 : i32
    %run_scoped3A_40 = arith.constant 0 : i32
    "tpu.region"() ({
      %run_scoped3A_121 = tpu.sem_alloc : memref<!tpu.dma_semaphore, #tpu.memory_space<semaphore_mem>>
      %dma_start3A_122 = arith.constant 0 : i32
      %dma_start3A_123 = arith.constant 0 : i32
      %dma_start3A_124 = tpu.memref_slice %arg5[%run_scoped3A_40, %dma_start3A_122, %dma_start3A_123] : memref<2x16x128xi32, #tpu.memory_space<vmem>> -> memref<1x16x128xi32, #tpu.memory_space<vmem>>
      %dma_start3A_125 = tpu.memref_squeeze %dma_start3A_124 : memref<1x16x128xi32, #tpu.memory_space<vmem>> -> memref<16x128xi32, #tpu.memory_space<vmem>>
      %dma_start3A_126 = arith.constant 0 : i32
      %dma_start3A_127 = arith.constant 0 : i32
      %dma_start3A_128 = tpu.memref_slice %arg3[%run_scoped3A, %dma_start3A_126, %dma_start3A_127] : memref<2x2512x128xi32, #tpu.memory_space<hbm>> -> memref<1x2512x128xi32, #tpu.memory_space<hbm>>
      %dma_start3A_129 = tpu.memref_squeeze %dma_start3A_128 : memref<1x2512x128xi32, #tpu.memory_space<hbm>> -> memref<2512x128xi32, #tpu.memory_space<hbm>>
      %dma_start3A_130 = arith.constant 0 : i32
      %dma_start3A_131 = tpu.memref_slice %dma_start3A_129[%mul3A_17, %dma_start3A_130] : memref<2512x128xi32, #tpu.memory_space<hbm>> -> memref<16x128xi32, #tpu.memory_space<hbm>>
      %dma_start3A_132 = arith.constant 0 : i32
      %dma_start3A_133 = arith.constant 0 : i32
      %dma_start3A_134 = tpu.memref_slice %arg5[%run_scoped3A_40, %dma_start3A_132, %dma_start3A_133] : memref<2x16x128xi32, #tpu.memory_space<vmem>> -> memref<1x16x128xi32, #tpu.memory_space<vmem>>
      %dma_start3A_135 = tpu.memref_squeeze %dma_start3A_134 : memref<1x16x128xi32, #tpu.memory_space<vmem>> -> memref<16x128xi32, #tpu.memory_space<vmem>>
      %dma_start3A_136 = arith.constant 0 : i32
      %dma_start3A_137 = arith.constant 0 : i32
      %dma_start3A_138 = tpu.memref_slice %arg3[%run_scoped3A, %dma_start3A_136, %dma_start3A_137] : memref<2x2512x128xi32, #tpu.memory_space<hbm>> -> memref<1x2512x128xi32, #tpu.memory_space<hbm>>
      %dma_start3A_139 = tpu.memref_squeeze %dma_start3A_138 : memref<1x2512x128xi32, #tpu.memory_space<hbm>> -> memref<2512x128xi32, #tpu.memory_space<hbm>>
      %dma_start3A_140 = arith.constant 0 : i32
      %dma_start3A_141 = tpu.memref_slice %dma_start3A_139[%mul3A_17, %dma_start3A_140] : memref<2512x128xi32, #tpu.memory_space<hbm>> -> memref<16x128xi32, #tpu.memory_space<hbm>>
      tpu.enqueue_dma source(%dma_start3A_141 : memref<16x128xi32, #tpu.memory_space<hbm>>) target(%dma_start3A_135 : memref<16x128xi32, #tpu.memory_space<vmem>>) target_semaphore(%run_scoped3A_121 : memref<!tpu.dma_semaphore, #tpu.memory_space<semaphore_mem>>)
      %dma_wait3A_142 = arith.constant 0 : i32
      %dma_wait3A_143 = arith.constant 0 : i32
      %dma_wait3A_144 = tpu.memref_slice %arg5[%run_scoped3A_40, %dma_wait3A_142, %dma_wait3A_143] : memref<2x16x128xi32, #tpu.memory_space<vmem>> -> memref<1x16x128xi32, #tpu.memory_space<vmem>>
      %dma_wait3A_145 = tpu.memref_squeeze %dma_wait3A_144 : memref<1x16x128xi32, #tpu.memory_space<vmem>> -> memref<16x128xi32, #tpu.memory_space<vmem>>
      %dma_wait3A_146 = arith.constant 0 : i32
      %dma_wait3A_147 = arith.constant 0 : i32
      %dma_wait3A_148 = tpu.memref_slice %arg3[%run_scoped3A, %dma_wait3A_146, %dma_wait3A_147] : memref<2x2512x128xi32, #tpu.memory_space<hbm>> -> memref<1x2512x128xi32, #tpu.memory_space<hbm>>
      %dma_wait3A_149 = tpu.memref_squeeze %dma_wait3A_148 : memref<1x2512x128xi32, #tpu.memory_space<hbm>> -> memref<2512x128xi32, #tpu.memory_space<hbm>>
      %dma_wait3A_150 = arith.constant 0 : i32
      %dma_wait3A_151 = tpu.memref_slice %dma_wait3A_149[%mul3A_17, %dma_wait3A_150] : memref<2512x128xi32, #tpu.memory_space<hbm>> -> memref<16x128xi32, #tpu.memory_space<hbm>>
      %dma_wait3A_152 = arith.constant 0 : i32
      %dma_wait3A_153 = arith.constant 0 : i32
      %dma_wait3A_154 = tpu.memref_slice %arg5[%run_scoped3A_40, %dma_wait3A_152, %dma_wait3A_153] : memref<2x16x128xi32, #tpu.memory_space<vmem>> -> memref<1x16x128xi32, #tpu.memory_space<vmem>>
      %dma_wait3A_155 = tpu.memref_squeeze %dma_wait3A_154 : memref<1x16x128xi32, #tpu.memory_space<vmem>> -> memref<16x128xi32, #tpu.memory_space<vmem>>
      %dma_wait3A_156 = arith.constant 0 : i32
      %dma_wait3A_157 = arith.constant 0 : i32
      %dma_wait3A_158 = tpu.memref_slice %arg3[%run_scoped3A, %dma_wait3A_156, %dma_wait3A_157] : memref<2x2512x128xi32, #tpu.memory_space<hbm>> -> memref<1x2512x128xi32, #tpu.memory_space<hbm>>
      %dma_wait3A_159 = tpu.memref_squeeze %dma_wait3A_158 : memref<1x2512x128xi32, #tpu.memory_space<hbm>> -> memref<2512x128xi32, #tpu.memory_space<hbm>>
      %dma_wait3A_160 = arith.constant 0 : i32
      %dma_wait3A_161 = tpu.memref_slice %dma_wait3A_159[%mul3A_17, %dma_wait3A_160] : memref<2512x128xi32, #tpu.memory_space<hbm>> -> memref<16x128xi32, #tpu.memory_space<hbm>>
      tpu.wait_dma2 semaphore(%run_scoped3A_121 : memref<!tpu.dma_semaphore, #tpu.memory_space<semaphore_mem>>) src(%dma_wait3A_161 : memref<16x128xi32, #tpu.memory_space<hbm>>) dst(%dma_wait3A_155 : memref<16x128xi32, #tpu.memory_space<vmem>>)
      tpu.yield
    }) : () -> ()
    %run_scoped3A_41 = arith.constant 1 : i32
    %run_scoped3A_42 = arith.constant 0 : i32
    "tpu.region"() ({
      %run_scoped3A_121 = tpu.sem_alloc : memref<!tpu.dma_semaphore, #tpu.memory_space<semaphore_mem>>
      %dma_start3A_122 = arith.constant 0 : i32
      %dma_start3A_123 = arith.constant 0 : i32
      %dma_start3A_124 = tpu.memref_slice %arg6[%run_scoped3A_42, %dma_start3A_122, %dma_start3A_123] : memref<2x16x128xi32, #tpu.memory_space<vmem>> -> memref<1x16x128xi32, #tpu.memory_space<vmem>>
      %dma_start3A_125 = tpu.memref_squeeze %dma_start3A_124 : memref<1x16x128xi32, #tpu.memory_space<vmem>> -> memref<16x128xi32, #tpu.memory_space<vmem>>
      %dma_start3A_126 = arith.constant 0 : i32
      %dma_start3A_127 = arith.constant 0 : i32
      %dma_start3A_128 = tpu.memref_slice %arg3[%run_scoped3A_41, %dma_start3A_126, %dma_start3A_127] : memref<2x2512x128xi32, #tpu.memory_space<hbm>> -> memref<1x2512x128xi32, #tpu.memory_space<hbm>>
      %dma_start3A_129 = tpu.memref_squeeze %dma_start3A_128 : memref<1x2512x128xi32, #tpu.memory_space<hbm>> -> memref<2512x128xi32, #tpu.memory_space<hbm>>
      %dma_start3A_130 = arith.constant 0 : i32
      %dma_start3A_131 = tpu.memref_slice %dma_start3A_129[%mul3A_17, %dma_start3A_130] : memref<2512x128xi32, #tpu.memory_space<hbm>> -> memref<16x128xi32, #tpu.memory_space<hbm>>
      %dma_start3A_132 = arith.constant 0 : i32
      %dma_start3A_133 = arith.constant 0 : i32
      %dma_start3A_134 = tpu.memref_slice %arg6[%run_scoped3A_42, %dma_start3A_132, %dma_start3A_133] : memref<2x16x128xi32, #tpu.memory_space<vmem>> -> memref<1x16x128xi32, #tpu.memory_space<vmem>>
      %dma_start3A_135 = tpu.memref_squeeze %dma_start3A_134 : memref<1x16x128xi32, #tpu.memory_space<vmem>> -> memref<16x128xi32, #tpu.memory_space<vmem>>
      %dma_start3A_136 = arith.constant 0 : i32
      %dma_start3A_137 = arith.constant 0 : i32
      %dma_start3A_138 = tpu.memref_slice %arg3[%run_scoped3A_41, %dma_start3A_136, %dma_start3A_137] : memref<2x2512x128xi32, #tpu.memory_space<hbm>> -> memref<1x2512x128xi32, #tpu.memory_space<hbm>>
      %dma_start3A_139 = tpu.memref_squeeze %dma_start3A_138 : memref<1x2512x128xi32, #tpu.memory_space<hbm>> -> memref<2512x128xi32, #tpu.memory_space<hbm>>
      %dma_start3A_140 = arith.constant 0 : i32
      %dma_start3A_141 = tpu.memref_slice %dma_start3A_139[%mul3A_17, %dma_start3A_140] : memref<2512x128xi32, #tpu.memory_space<hbm>> -> memref<16x128xi32, #tpu.memory_space<hbm>>
      tpu.enqueue_dma source(%dma_start3A_141 : memref<16x128xi32, #tpu.memory_space<hbm>>) target(%dma_start3A_135 : memref<16x128xi32, #tpu.memory_space<vmem>>) target_semaphore(%run_scoped3A_121 : memref<!tpu.dma_semaphore, #tpu.memory_space<semaphore_mem>>)
      %dma_wait3A_142 = arith.constant 0 : i32
      %dma_wait3A_143 = arith.constant 0 : i32
      %dma_wait3A_144 = tpu.memref_slice %arg6[%run_scoped3A_42, %dma_wait3A_142, %dma_wait3A_143] : memref<2x16x128xi32, #tpu.memory_space<vmem>> -> memref<1x16x128xi32, #tpu.memory_space<vmem>>
      %dma_wait3A_145 = tpu.memref_squeeze %dma_wait3A_144 : memref<1x16x128xi32, #tpu.memory_space<vmem>> -> memref<16x128xi32, #tpu.memory_space<vmem>>
      %dma_wait3A_146 = arith.constant 0 : i32
      %dma_wait3A_147 = arith.constant 0 : i32
      %dma_wait3A_148 = tpu.memref_slice %arg3[%run_scoped3A_41, %dma_wait3A_146, %dma_wait3A_147] : memref<2x2512x128xi32, #tpu.memory_space<hbm>> -> memref<1x2512x128xi32, #tpu.memory_space<hbm>>
      %dma_wait3A_149 = tpu.memref_squeeze %dma_wait3A_148 : memref<1x2512x128xi32, #tpu.memory_space<hbm>> -> memref<2512x128xi32, #tpu.memory_space<hbm>>
      %dma_wait3A_150 = arith.constant 0 : i32
      %dma_wait3A_151 = tpu.memref_slice %dma_wait3A_149[%mul3A_17, %dma_wait3A_150] : memref<2512x128xi32, #tpu.memory_space<hbm>> -> memref<16x128xi32, #tpu.memory_space<hbm>>
      %dma_wait3A_152 = arith.constant 0 : i32
      %dma_wait3A_153 = arith.constant 0 : i32
      %dma_wait3A_154 = tpu.memref_slice %arg6[%run_scoped3A_42, %dma_wait3A_152, %dma_wait3A_153] : memref<2x16x128xi32, #tpu.memory_space<vmem>> -> memref<1x16x128xi32, #tpu.memory_space<vmem>>
      %dma_wait3A_155 = tpu.memref_squeeze %dma_wait3A_154 : memref<1x16x128xi32, #tpu.memory_space<vmem>> -> memref<16x128xi32, #tpu.memory_space<vmem>>
      %dma_wait3A_156 = arith.constant 0 : i32
      %dma_wait3A_157 = arith.constant 0 : i32
      %dma_wait3A_158 = tpu.memref_slice %arg3[%run_scoped3A_41, %dma_wait3A_156, %dma_wait3A_157] : memref<2x2512x128xi32, #tpu.memory_space<hbm>> -> memref<1x2512x128xi32, #tpu.memory_space<hbm>>
      %dma_wait3A_159 = tpu.memref_squeeze %dma_wait3A_158 : memref<1x2512x128xi32, #tpu.memory_space<hbm>> -> memref<2512x128xi32, #tpu.memory_space<hbm>>
      %dma_wait3A_160 = arith.constant 0 : i32
      %dma_wait3A_161 = tpu.memref_slice %dma_wait3A_159[%mul3A_17, %dma_wait3A_160] : memref<2512x128xi32, #tpu.memory_space<hbm>> -> memref<16x128xi32, #tpu.memory_space<hbm>>
      tpu.wait_dma2 semaphore(%run_scoped3A_121 : memref<!tpu.dma_semaphore, #tpu.memory_space<semaphore_mem>>) src(%dma_wait3A_161 : memref<16x128xi32, #tpu.memory_space<hbm>>) dst(%dma_wait3A_155 : memref<16x128xi32, #tpu.memory_space<vmem>>)
      tpu.yield
    }) : () -> ()
    %barrier3A = arith.constant 0 : index
    tpu.barrier barrier_id(%barrier3A)
    %dma_start3A = arith.constant 0 : i32
    %dma_start3A_43 = arith.constant 0 : i32
    %dma_start3A_44 = arith.constant 0 : i32
    %dma_start3A_45 = tpu.memref_slice %arg5[%dma_start3A, %dma_start3A_43, %dma_start3A_44] : memref<2x16x128xi32, #tpu.memory_space<vmem>> -> memref<1x1x128xi32, #tpu.memory_space<vmem>>
    %dma_start3A_46 = tpu.memref_squeeze %dma_start3A_45 : memref<1x1x128xi32, #tpu.memory_space<vmem>> -> memref<128xi32, #tpu.memory_space<vmem>>
    %dma_start3A_47 = arith.constant 0 : i32
    %dma_start3A_48 = arith.constant 0 : i32
    %dma_start3A_49 = tpu.memref_slice %arg2[%dma_start3A_47, %dma_start3A_48] : memref<10240x128xf32, #tpu.memory_space<hbm>> -> memref<10240x128xf32, #tpu.memory_space<hbm>>
    tpu.enqueue_indirect_dma source(%dma_start3A_49 : memref<10240x128xf32, #tpu.memory_space<hbm>>) target(%arg7 : memref<128x128xf32, #tpu.memory_space<vmem>>) offsets(%dma_start3A_46 : memref<128xi32, #tpu.memory_space<vmem>>) semaphore(%arg10 : memref<!tpu.dma_semaphore, #tpu.memory_space<semaphore_mem>>)
    %dma_start3A_50 = arith.constant 0 : i32
    %dma_start3A_51 = arith.constant 1 : i32
    %dma_start3A_52 = arith.constant 0 : i32
    %dma_start3A_53 = tpu.memref_slice %arg5[%dma_start3A_50, %dma_start3A_51, %dma_start3A_52] : memref<2x16x128xi32, #tpu.memory_space<vmem>> -> memref<1x1x128xi32, #tpu.memory_space<vmem>>
    %dma_start3A_54 = tpu.memref_squeeze %dma_start3A_53 : memref<1x1x128xi32, #tpu.memory_space<vmem>> -> memref<128xi32, #tpu.memory_space<vmem>>
    %dma_start3A_55 = arith.constant 0 : i32
    %dma_start3A_56 = arith.constant 0 : i32
    %dma_start3A_57 = tpu.memref_slice %arg2[%dma_start3A_55, %dma_start3A_56] : memref<10240x128xf32, #tpu.memory_space<hbm>> -> memref<10240x128xf32, #tpu.memory_space<hbm>>
    tpu.enqueue_indirect_dma source(%dma_start3A_57 : memref<10240x128xf32, #tpu.memory_space<hbm>>) target(%arg8 : memref<128x128xf32, #tpu.memory_space<vmem>>) offsets(%dma_start3A_54 : memref<128xi32, #tpu.memory_space<vmem>>) semaphore(%arg11 : memref<!tpu.dma_semaphore, #tpu.memory_space<semaphore_mem>>)
    %while3A = arith.constant 0 : i32
    %while3A_58 = arith.constant 1 : i32
    %while3A_59 = arith.constant 0 : i32
    %while3A_60 = arith.constant 0 : i32
    %while3A_61 = arith.subi %select_n3A_35, %while3A_59 : i32
    %while3A_62 = arith.addi %while3A_59, %while3A_61 : i32
    %while3A_63 = arith.constant 1 : i32
    %while3A_64 = arith.divsi %while3A_61, %while3A_63 : i32
    %while3A_65 = arith.muli %while3A_64, %while3A_63 : i32
    %while3A_66 = arith.addi %while3A_59, %while3A_65 : i32
    %while3A_67 = arith.constant 1 : i32
    %while3A_68 = scf.for %while3A_121 = %while3A_59 to %while3A_66 step %while3A_67 iter_args(%while3A_122 = %while3A_60) -> (i32)  : i32 {
      %jit3A_123 = arith.constant 8 : i32
      %div3A_124 = arith.divsi %while3A_121, %jit3A_123 : i32
      %sign3A_125 = arith.constant 0 : i32
      %sign3A_126 = arith.cmpi sgt, %while3A_121, %sign3A_125 : i32
      %sign3A_127 = arith.extui %sign3A_126 : i1 to i32
      %sign3A_128 = arith.constant 0 : i32
      %sign3A_129 = arith.cmpi slt, %while3A_121, %sign3A_128 : i32
      %sign3A_130 = arith.extui %sign3A_129 : i1 to i32
      %sign3A_131 = arith.subi %sign3A_127, %sign3A_130 : i32
      %sign3A_132 = arith.constant 0 : i32
      %sign3A_133 = arith.cmpi sgt, %jit3A_123, %sign3A_132 : i32
      %sign3A_134 = arith.extui %sign3A_133 : i1 to i32
      %sign3A_135 = arith.constant 0 : i32
      %sign3A_136 = arith.cmpi slt, %jit3A_123, %sign3A_135 : i32
      %sign3A_137 = arith.extui %sign3A_136 : i1 to i32
      %sign3A_138 = arith.subi %sign3A_134, %sign3A_137 : i32
      %ne3A_139 = arith.cmpi ne, %sign3A_131, %sign3A_138 : i32
      %rem3A_140 = arith.remsi %while3A_121, %jit3A_123 : i32
      %ne3A_141 = arith.constant 0 : i32
      %ne3A_142 = arith.cmpi ne, %rem3A_140, %ne3A_141 : i32
      %and3A_143 = arith.andi %ne3A_139, %ne3A_142 : i1
      %sub3A_144 = arith.constant 1 : i32
      %sub3A_145 = arith.subi %div3A_124, %sub3A_144 : i32
      %select_n3A_146 = arith.select %and3A_143, %sub3A_145, %div3A_124 : i32
      %rem3A_147 = arith.constant 2 : i32
      %rem3A_148 = arith.remsi %select_n3A_146, %rem3A_147 : i32
      %rem3A_149 = arith.constant 8 : i32
      %rem3A_150 = arith.remsi %while3A_121, %rem3A_149 : i32
      %mul3A_151 = arith.constant 2 : i32
      %mul3A_152 = arith.muli %rem3A_150, %mul3A_151 : i32
      %add3A_153 = arith.constant 1 : i32
      %add3A_154 = arith.addi %select_n3A_146, %add3A_153 : i32
      %mul3A_155 = arith.constant 16 : i32
      %mul3A_156 = arith.muli %add3A_154, %mul3A_155 : i32
      %add3A_157 = arith.addi %mul3A_17, %mul3A_156 : i32
      %eq3A_158 = arith.constant 0 : i32
      %eq3A_159 = arith.cmpi eq, %mul3A_152, %eq3A_158 : i32
      %add3A_160 = arith.constant 1 : i32
      %add3A_161 = arith.addi %select_n3A_146, %add3A_160 : i32
      %mul3A_162 = arith.constant 16 : i32
      %mul3A_163 = arith.muli %add3A_161, %mul3A_162 : i32
      %lt3A_164 = arith.cmpi slt, %mul3A_163, %add3A_11 : i32
      %and3A_165 = arith.andi %eq3A_159, %lt3A_164 : i1
      %convert_element_type3A = arith.extui %and3A_165 : i1 to i32
      %cond3A = arith.constant 0 : i32
      %cond3A_166 = arith.cmpi ne, %convert_element_type3A, %cond3A : i32
      scf.if %cond3A_166 {
        %sub3A_263 = arith.constant 1 : i32
        %sub3A_264 = arith.subi %sub3A_263, %rem3A_148 : i32
        %dma_start3A_265 = arith.constant 0 : i32
        %dma_start3A_266 = arith.constant 0 : i32
        %dma_start3A_267 = tpu.memref_slice %arg5[%sub3A_264, %dma_start3A_265, %dma_start3A_266] : memref<2x16x128xi32, #tpu.memory_space<vmem>> -> memref<1x16x128xi32, #tpu.memory_space<vmem>>
        %dma_start3A_268 = tpu.memref_squeeze %dma_start3A_267 : memref<1x16x128xi32, #tpu.memory_space<vmem>> -> memref<16x128xi32, #tpu.memory_space<vmem>>
        %dma_start3A_269 = arith.constant 0 : i32
        %dma_start3A_270 = arith.constant 0 : i32
        %dma_start3A_271 = tpu.memref_slice %arg3[%while3A, %dma_start3A_269, %dma_start3A_270] : memref<2x2512x128xi32, #tpu.memory_space<hbm>> -> memref<1x2512x128xi32, #tpu.memory_space<hbm>>
        %dma_start3A_272 = tpu.memref_squeeze %dma_start3A_271 : memref<1x2512x128xi32, #tpu.memory_space<hbm>> -> memref<2512x128xi32, #tpu.memory_space<hbm>>
        %dma_start3A_273 = arith.constant 0 : i32
        %dma_start3A_274 = tpu.memref_slice %dma_start3A_272[%add3A_157, %dma_start3A_273] : memref<2512x128xi32, #tpu.memory_space<hbm>> -> memref<16x128xi32, #tpu.memory_space<hbm>>
        %dma_start3A_275 = arith.constant 0 : i32
        %dma_start3A_276 = arith.constant 0 : i32
        %dma_start3A_277 = tpu.memref_slice %arg5[%sub3A_264, %dma_start3A_275, %dma_start3A_276] : memref<2x16x128xi32, #tpu.memory_space<vmem>> -> memref<1x16x128xi32, #tpu.memory_space<vmem>>
        %dma_start3A_278 = tpu.memref_squeeze %dma_start3A_277 : memref<1x16x128xi32, #tpu.memory_space<vmem>> -> memref<16x128xi32, #tpu.memory_space<vmem>>
        %dma_start3A_279 = arith.constant 0 : i32
        %dma_start3A_280 = arith.constant 0 : i32
        %dma_start3A_281 = tpu.memref_slice %arg3[%while3A, %dma_start3A_279, %dma_start3A_280] : memref<2x2512x128xi32, #tpu.memory_space<hbm>> -> memref<1x2512x128xi32, #tpu.memory_space<hbm>>
        %dma_start3A_282 = tpu.memref_squeeze %dma_start3A_281 : memref<1x2512x128xi32, #tpu.memory_space<hbm>> -> memref<2512x128xi32, #tpu.memory_space<hbm>>
        %dma_start3A_283 = arith.constant 0 : i32
        %dma_start3A_284 = tpu.memref_slice %dma_start3A_282[%add3A_157, %dma_start3A_283] : memref<2512x128xi32, #tpu.memory_space<hbm>> -> memref<16x128xi32, #tpu.memory_space<hbm>>
        tpu.enqueue_dma source(%dma_start3A_284 : memref<16x128xi32, #tpu.memory_space<hbm>>) target(%dma_start3A_278 : memref<16x128xi32, #tpu.memory_space<vmem>>) target_semaphore(%arg14 : memref<!tpu.dma_semaphore, #tpu.memory_space<semaphore_mem>>)
        %dma_start3A_285 = arith.constant 0 : i32
        %dma_start3A_286 = arith.constant 0 : i32
        %dma_start3A_287 = tpu.memref_slice %arg6[%sub3A_264, %dma_start3A_285, %dma_start3A_286] : memref<2x16x128xi32, #tpu.memory_space<vmem>> -> memref<1x16x128xi32, #tpu.memory_space<vmem>>
        %dma_start3A_288 = tpu.memref_squeeze %dma_start3A_287 : memref<1x16x128xi32, #tpu.memory_space<vmem>> -> memref<16x128xi32, #tpu.memory_space<vmem>>
        %dma_start3A_289 = arith.constant 0 : i32
        %dma_start3A_290 = arith.constant 0 : i32
        %dma_start3A_291 = tpu.memref_slice %arg3[%while3A_58, %dma_start3A_289, %dma_start3A_290] : memref<2x2512x128xi32, #tpu.memory_space<hbm>> -> memref<1x2512x128xi32, #tpu.memory_space<hbm>>
        %dma_start3A_292 = tpu.memref_squeeze %dma_start3A_291 : memref<1x2512x128xi32, #tpu.memory_space<hbm>> -> memref<2512x128xi32, #tpu.memory_space<hbm>>
        %dma_start3A_293 = arith.constant 0 : i32
        %dma_start3A_294 = tpu.memref_slice %dma_start3A_292[%add3A_157, %dma_start3A_293] : memref<2512x128xi32, #tpu.memory_space<hbm>> -> memref<16x128xi32, #tpu.memory_space<hbm>>
        %dma_start3A_295 = arith.constant 0 : i32
        %dma_start3A_296 = arith.constant 0 : i32
        %dma_start3A_297 = tpu.memref_slice %arg6[%sub3A_264, %dma_start3A_295, %dma_start3A_296] : memref<2x16x128xi32, #tpu.memory_space<vmem>> -> memref<1x16x128xi32, #tpu.memory_space<vmem>>
        %dma_start3A_298 = tpu.memref_squeeze %dma_start3A_297 : memref<1x16x128xi32, #tpu.memory_space<vmem>> -> memref<16x128xi32, #tpu.memory_space<vmem>>
        %dma_start3A_299 = arith.constant 0 : i32
        %dma_start3A_300 = arith.constant 0 : i32
        %dma_start3A_301 = tpu.memref_slice %arg3[%while3A_58, %dma_start3A_299, %dma_start3A_300] : memref<2x2512x128xi32, #tpu.memory_space<hbm>> -> memref<1x2512x128xi32, #tpu.memory_space<hbm>>
        %dma_start3A_302 = tpu.memref_squeeze %dma_start3A_301 : memref<1x2512x128xi32, #tpu.memory_space<hbm>> -> memref<2512x128xi32, #tpu.memory_space<hbm>>
        %dma_start3A_303 = arith.constant 0 : i32
        %dma_start3A_304 = tpu.memref_slice %dma_start3A_302[%add3A_157, %dma_start3A_303] : memref<2512x128xi32, #tpu.memory_space<hbm>> -> memref<16x128xi32, #tpu.memory_space<hbm>>
        tpu.enqueue_dma source(%dma_start3A_304 : memref<16x128xi32, #tpu.memory_space<hbm>>) target(%dma_start3A_298 : memref<16x128xi32, #tpu.memory_space<vmem>>) target_semaphore(%arg14 : memref<!tpu.dma_semaphore, #tpu.memory_space<semaphore_mem>>)
      } else {
      }
      %dma_wait3A_167 = arith.constant 0 : i32
      %dma_wait3A_168 = tpu.memref_slice %arg5[%rem3A_148, %mul3A_152, %dma_wait3A_167] : memref<2x16x128xi32, #tpu.memory_space<vmem>> -> memref<1x1x128xi32, #tpu.memory_space<vmem>>
      %dma_wait3A_169 = tpu.memref_squeeze %dma_wait3A_168 : memref<1x1x128xi32, #tpu.memory_space<vmem>> -> memref<128xi32, #tpu.memory_space<vmem>>
      %dma_wait3A_170 = arith.constant 0 : i32
      %dma_wait3A_171 = arith.constant 0 : i32
      %dma_wait3A_172 = tpu.memref_slice %arg2[%dma_wait3A_170, %dma_wait3A_171] : memref<10240x128xf32, #tpu.memory_space<hbm>> -> memref<10240x128xf32, #tpu.memory_space<hbm>>
      tpu.wait_indirect_dma semaphore(%arg10 : memref<!tpu.dma_semaphore, #tpu.memory_space<semaphore_mem>>) src(%dma_wait3A_172 : memref<10240x128xf32, #tpu.memory_space<hbm>>) dst(%arg7 : memref<128x128xf32, #tpu.memory_space<vmem>>)
      %dma_start3A_173 = arith.constant 0 : i32
      %dma_start3A_174 = tpu.memref_slice %arg6[%rem3A_148, %mul3A_152, %dma_start3A_173] : memref<2x16x128xi32, #tpu.memory_space<vmem>> -> memref<1x1x128xi32, #tpu.memory_space<vmem>>
      %dma_start3A_175 = tpu.memref_squeeze %dma_start3A_174 : memref<1x1x128xi32, #tpu.memory_space<vmem>> -> memref<128xi32, #tpu.memory_space<vmem>>
      %dma_start3A_176 = arith.constant 0 : i32
      %dma_start3A_177 = arith.constant 0 : i32
      %dma_start3A_178 = tpu.memref_slice %arg9[%dma_start3A_176, %dma_start3A_177] : memref<10240x128xf32, #tpu.memory_space<vmem_shared>> -> memref<10240x128xf32, #tpu.memory_space<vmem_shared>>
      tpu.enqueue_indirect_dma source(%arg7 : memref<128x128xf32, #tpu.memory_space<vmem>>) target(%dma_start3A_178 : memref<10240x128xf32, #tpu.memory_space<vmem_shared>>) offsets(%dma_start3A_175 : memref<128xi32, #tpu.memory_space<vmem>>) semaphore(%arg12 : memref<!tpu.dma_semaphore, #tpu.memory_space<semaphore_mem>>) {add = true}
      %add3A_179 = arith.constant 1 : i32
      %add3A_180 = arith.addi %mul3A_152, %add3A_179 : i32
      %dma_wait3A_181 = arith.constant 0 : i32
      %dma_wait3A_182 = tpu.memref_slice %arg5[%rem3A_148, %add3A_180, %dma_wait3A_181] : memref<2x16x128xi32, #tpu.memory_space<vmem>> -> memref<1x1x128xi32, #tpu.memory_space<vmem>>
      %dma_wait3A_183 = tpu.memref_squeeze %dma_wait3A_182 : memref<1x1x128xi32, #tpu.memory_space<vmem>> -> memref<128xi32, #tpu.memory_space<vmem>>
      %dma_wait3A_184 = arith.constant 0 : i32
      %dma_wait3A_185 = arith.constant 0 : i32
      %dma_wait3A_186 = tpu.memref_slice %arg2[%dma_wait3A_184, %dma_wait3A_185] : memref<10240x128xf32, #tpu.memory_space<hbm>> -> memref<10240x128xf32, #tpu.memory_space<hbm>>
      tpu.wait_indirect_dma semaphore(%arg11 : memref<!tpu.dma_semaphore, #tpu.memory_space<semaphore_mem>>) src(%dma_wait3A_186 : memref<10240x128xf32, #tpu.memory_space<hbm>>) dst(%arg8 : memref<128x128xf32, #tpu.memory_space<vmem>>)
      %add3A_187 = arith.constant 1 : i32
      %add3A_188 = arith.addi %mul3A_152, %add3A_187 : i32
      %dma_start3A_189 = arith.constant 0 : i32
      %dma_start3A_190 = tpu.memref_slice %arg6[%rem3A_148, %add3A_188, %dma_start3A_189] : memref<2x16x128xi32, #tpu.memory_space<vmem>> -> memref<1x1x128xi32, #tpu.memory_space<vmem>>
      %dma_start3A_191 = tpu.memref_squeeze %dma_start3A_190 : memref<1x1x128xi32, #tpu.memory_space<vmem>> -> memref<128xi32, #tpu.memory_space<vmem>>
      %dma_start3A_192 = arith.constant 0 : i32
      %dma_start3A_193 = arith.constant 0 : i32
      %dma_start3A_194 = tpu.memref_slice %arg9[%dma_start3A_192, %dma_start3A_193] : memref<10240x128xf32, #tpu.memory_space<vmem_shared>> -> memref<10240x128xf32, #tpu.memory_space<vmem_shared>>
      tpu.enqueue_indirect_dma source(%arg8 : memref<128x128xf32, #tpu.memory_space<vmem>>) target(%dma_start3A_194 : memref<10240x128xf32, #tpu.memory_space<vmem_shared>>) offsets(%dma_start3A_191 : memref<128xi32, #tpu.memory_space<vmem>>) semaphore(%arg13 : memref<!tpu.dma_semaphore, #tpu.memory_space<semaphore_mem>>) {add = true}
      %add3A_195 = arith.constant 1 : i32
      %add3A_196 = arith.addi %while3A_121, %add3A_195 : i32
      %sub3A_197 = arith.constant 1 : i32
      %sub3A_198 = arith.subi %select_n3A_35, %sub3A_197 : i32
      %min3A_199 = arith.minsi %add3A_196, %sub3A_198 : i32
      %jit3A_200 = arith.constant 8 : i32
      %div3A_201 = arith.divsi %min3A_199, %jit3A_200 : i32
      %sign3A_202 = arith.constant 0 : i32
      %sign3A_203 = arith.cmpi sgt, %min3A_199, %sign3A_202 : i32
      %sign3A_204 = arith.extui %sign3A_203 : i1 to i32
      %sign3A_205 = arith.constant 0 : i32
      %sign3A_206 = arith.cmpi slt, %min3A_199, %sign3A_205 : i32
      %sign3A_207 = arith.extui %sign3A_206 : i1 to i32
      %sign3A_208 = arith.subi %sign3A_204, %sign3A_207 : i32
      %sign3A_209 = arith.constant 0 : i32
      %sign3A_210 = arith.cmpi sgt, %jit3A_200, %sign3A_209 : i32
      %sign3A_211 = arith.extui %sign3A_210 : i1 to i32
      %sign3A_212 = arith.constant 0 : i32
      %sign3A_213 = arith.cmpi slt, %jit3A_200, %sign3A_212 : i32
      %sign3A_214 = arith.extui %sign3A_213 : i1 to i32
      %sign3A_215 = arith.subi %sign3A_211, %sign3A_214 : i32
      %ne3A_216 = arith.cmpi ne, %sign3A_208, %sign3A_215 : i32
      %rem3A_217 = arith.remsi %min3A_199, %jit3A_200 : i32
      %ne3A_218 = arith.constant 0 : i32
      %ne3A_219 = arith.cmpi ne, %rem3A_217, %ne3A_218 : i32
      %and3A_220 = arith.andi %ne3A_216, %ne3A_219 : i1
      %sub3A_221 = arith.constant 1 : i32
      %sub3A_222 = arith.subi %div3A_201, %sub3A_221 : i32
      %select_n3A_223 = arith.select %and3A_220, %sub3A_222, %div3A_201 : i32
      %rem3A_224 = arith.constant 2 : i32
      %rem3A_225 = arith.remsi %select_n3A_223, %rem3A_224 : i32
      %rem3A_226 = arith.constant 8 : i32
      %rem3A_227 = arith.remsi %min3A_199, %rem3A_226 : i32
      %mul3A_228 = arith.constant 2 : i32
      %mul3A_229 = arith.muli %rem3A_227, %mul3A_228 : i32
      %ne3A_230 = arith.cmpi ne, %select_n3A_223, %select_n3A_146 : i32
      %convert_element_type3A_231 = arith.extui %ne3A_230 : i1 to i32
      %cond3A_232 = arith.constant 0 : i32
      %cond3A_233 = arith.cmpi ne, %convert_element_type3A_231, %cond3A_232 : i32
      scf.if %cond3A_233 {
        %dma_wait3A_263 = arith.constant 0 : i32
        %dma_wait3A_264 = arith.constant 0 : i32
        %dma_wait3A_265 = tpu.memref_slice %arg5[%rem3A_225, %dma_wait3A_263, %dma_wait3A_264] : memref<2x16x128xi32, #tpu.memory_space<vmem>> -> memref<1x16x128xi32, #tpu.memory_space<vmem>>
        %dma_wait3A_266 = tpu.memref_squeeze %dma_wait3A_265 : memref<1x16x128xi32, #tpu.memory_space<vmem>> -> memref<16x128xi32, #tpu.memory_space<vmem>>
        %dma_wait3A_267 = arith.constant 0 : i32
        %dma_wait3A_268 = arith.constant 0 : i32
        %dma_wait3A_269 = tpu.memref_slice %arg3[%while3A, %dma_wait3A_267, %dma_wait3A_268] : memref<2x2512x128xi32, #tpu.memory_space<hbm>> -> memref<1x2512x128xi32, #tpu.memory_space<hbm>>
        %dma_wait3A_270 = tpu.memref_squeeze %dma_wait3A_269 : memref<1x2512x128xi32, #tpu.memory_space<hbm>> -> memref<2512x128xi32, #tpu.memory_space<hbm>>
        %dma_wait3A_271 = arith.constant 0 : i32
        %dma_wait3A_272 = tpu.memref_slice %dma_wait3A_270[%add3A_157, %dma_wait3A_271] : memref<2512x128xi32, #tpu.memory_space<hbm>> -> memref<16x128xi32, #tpu.memory_space<hbm>>
        %dma_wait3A_273 = arith.constant 0 : i32
        %dma_wait3A_274 = arith.constant 0 : i32
        %dma_wait3A_275 = tpu.memref_slice %arg5[%rem3A_225, %dma_wait3A_273, %dma_wait3A_274] : memref<2x16x128xi32, #tpu.memory_space<vmem>> -> memref<1x16x128xi32, #tpu.memory_space<vmem>>
        %dma_wait3A_276 = tpu.memref_squeeze %dma_wait3A_275 : memref<1x16x128xi32, #tpu.memory_space<vmem>> -> memref<16x128xi32, #tpu.memory_space<vmem>>
        %dma_wait3A_277 = arith.constant 0 : i32
        %dma_wait3A_278 = arith.constant 0 : i32
        %dma_wait3A_279 = tpu.memref_slice %arg3[%while3A, %dma_wait3A_277, %dma_wait3A_278] : memref<2x2512x128xi32, #tpu.memory_space<hbm>> -> memref<1x2512x128xi32, #tpu.memory_space<hbm>>
        %dma_wait3A_280 = tpu.memref_squeeze %dma_wait3A_279 : memref<1x2512x128xi32, #tpu.memory_space<hbm>> -> memref<2512x128xi32, #tpu.memory_space<hbm>>
        %dma_wait3A_281 = arith.constant 0 : i32
        %dma_wait3A_282 = tpu.memref_slice %dma_wait3A_280[%add3A_157, %dma_wait3A_281] : memref<2512x128xi32, #tpu.memory_space<hbm>> -> memref<16x128xi32, #tpu.memory_space<hbm>>
        tpu.wait_dma2 semaphore(%arg14 : memref<!tpu.dma_semaphore, #tpu.memory_space<semaphore_mem>>) src(%dma_wait3A_282 : memref<16x128xi32, #tpu.memory_space<hbm>>) dst(%dma_wait3A_276 : memref<16x128xi32, #tpu.memory_space<vmem>>)
        %dma_wait3A_283 = arith.constant 0 : i32
        %dma_wait3A_284 = arith.constant 0 : i32
        %dma_wait3A_285 = tpu.memref_slice %arg6[%rem3A_225, %dma_wait3A_283, %dma_wait3A_284] : memref<2x16x128xi32, #tpu.memory_space<vmem>> -> memref<1x16x128xi32, #tpu.memory_space<vmem>>
        %dma_wait3A_286 = tpu.memref_squeeze %dma_wait3A_285 : memref<1x16x128xi32, #tpu.memory_space<vmem>> -> memref<16x128xi32, #tpu.memory_space<vmem>>
        %dma_wait3A_287 = arith.constant 0 : i32
        %dma_wait3A_288 = arith.constant 0 : i32
        %dma_wait3A_289 = tpu.memref_slice %arg3[%while3A_58, %dma_wait3A_287, %dma_wait3A_288] : memref<2x2512x128xi32, #tpu.memory_space<hbm>> -> memref<1x2512x128xi32, #tpu.memory_space<hbm>>
        %dma_wait3A_290 = tpu.memref_squeeze %dma_wait3A_289 : memref<1x2512x128xi32, #tpu.memory_space<hbm>> -> memref<2512x128xi32, #tpu.memory_space<hbm>>
        %dma_wait3A_291 = arith.constant 0 : i32
        %dma_wait3A_292 = tpu.memref_slice %dma_wait3A_290[%add3A_157, %dma_wait3A_291] : memref<2512x128xi32, #tpu.memory_space<hbm>> -> memref<16x128xi32, #tpu.memory_space<hbm>>
        %dma_wait3A_293 = arith.constant 0 : i32
        %dma_wait3A_294 = arith.constant 0 : i32
        %dma_wait3A_295 = tpu.memref_slice %arg6[%rem3A_225, %dma_wait3A_293, %dma_wait3A_294] : memref<2x16x128xi32, #tpu.memory_space<vmem>> -> memref<1x16x128xi32, #tpu.memory_space<vmem>>
        %dma_wait3A_296 = tpu.memref_squeeze %dma_wait3A_295 : memref<1x16x128xi32, #tpu.memory_space<vmem>> -> memref<16x128xi32, #tpu.memory_space<vmem>>
        %dma_wait3A_297 = arith.constant 0 : i32
        %dma_wait3A_298 = arith.constant 0 : i32
        %dma_wait3A_299 = tpu.memref_slice %arg3[%while3A_58, %dma_wait3A_297, %dma_wait3A_298] : memref<2x2512x128xi32, #tpu.memory_space<hbm>> -> memref<1x2512x128xi32, #tpu.memory_space<hbm>>
        %dma_wait3A_300 = tpu.memref_squeeze %dma_wait3A_299 : memref<1x2512x128xi32, #tpu.memory_space<hbm>> -> memref<2512x128xi32, #tpu.memory_space<hbm>>
        %dma_wait3A_301 = arith.constant 0 : i32
        %dma_wait3A_302 = tpu.memref_slice %dma_wait3A_300[%add3A_157, %dma_wait3A_301] : memref<2512x128xi32, #tpu.memory_space<hbm>> -> memref<16x128xi32, #tpu.memory_space<hbm>>
        tpu.wait_dma2 semaphore(%arg14 : memref<!tpu.dma_semaphore, #tpu.memory_space<semaphore_mem>>) src(%dma_wait3A_302 : memref<16x128xi32, #tpu.memory_space<hbm>>) dst(%dma_wait3A_296 : memref<16x128xi32, #tpu.memory_space<vmem>>)
      } else {
      }
      %dma_wait3A_234 = arith.constant 0 : i32
      %dma_wait3A_235 = tpu.memref_slice %arg6[%rem3A_148, %mul3A_152, %dma_wait3A_234] : memref<2x16x128xi32, #tpu.memory_space<vmem>> -> memref<1x1x128xi32, #tpu.memory_space<vmem>>
      %dma_wait3A_236 = tpu.memref_squeeze %dma_wait3A_235 : memref<1x1x128xi32, #tpu.memory_space<vmem>> -> memref<128xi32, #tpu.memory_space<vmem>>
      %dma_wait3A_237 = arith.constant 0 : i32
      %dma_wait3A_238 = arith.constant 0 : i32
      %dma_wait3A_239 = tpu.memref_slice %arg9[%dma_wait3A_237, %dma_wait3A_238] : memref<10240x128xf32, #tpu.memory_space<vmem_shared>> -> memref<10240x128xf32, #tpu.memory_space<vmem_shared>>
      tpu.wait_indirect_dma semaphore(%arg12 : memref<!tpu.dma_semaphore, #tpu.memory_space<semaphore_mem>>) src(%arg7 : memref<128x128xf32, #tpu.memory_space<vmem>>) dst(%dma_wait3A_239 : memref<10240x128xf32, #tpu.memory_space<vmem_shared>>)
      %dma_start3A_240 = arith.constant 0 : i32
      %dma_start3A_241 = tpu.memref_slice %arg5[%rem3A_225, %mul3A_229, %dma_start3A_240] : memref<2x16x128xi32, #tpu.memory_space<vmem>> -> memref<1x1x128xi32, #tpu.memory_space<vmem>>
      %dma_start3A_242 = tpu.memref_squeeze %dma_start3A_241 : memref<1x1x128xi32, #tpu.memory_space<vmem>> -> memref<128xi32, #tpu.memory_space<vmem>>
      %dma_start3A_243 = arith.constant 0 : i32
      %dma_start3A_244 = arith.constant 0 : i32
      %dma_start3A_245 = tpu.memref_slice %arg2[%dma_start3A_243, %dma_start3A_244] : memref<10240x128xf32, #tpu.memory_space<hbm>> -> memref<10240x128xf32, #tpu.memory_space<hbm>>
      tpu.enqueue_indirect_dma source(%dma_start3A_245 : memref<10240x128xf32, #tpu.memory_space<hbm>>) target(%arg7 : memref<128x128xf32, #tpu.memory_space<vmem>>) offsets(%dma_start3A_242 : memref<128xi32, #tpu.memory_space<vmem>>) semaphore(%arg10 : memref<!tpu.dma_semaphore, #tpu.memory_space<semaphore_mem>>)
      %add3A_246 = arith.constant 1 : i32
      %add3A_247 = arith.addi %mul3A_152, %add3A_246 : i32
      %dma_wait3A_248 = arith.constant 0 : i32
      %dma_wait3A_249 = tpu.memref_slice %arg6[%rem3A_148, %add3A_247, %dma_wait3A_248] : memref<2x16x128xi32, #tpu.memory_space<vmem>> -> memref<1x1x128xi32, #tpu.memory_space<vmem>>
      %dma_wait3A_250 = tpu.memref_squeeze %dma_wait3A_249 : memref<1x1x128xi32, #tpu.memory_space<vmem>> -> memref<128xi32, #tpu.memory_space<vmem>>
      %dma_wait3A_251 = arith.constant 0 : i32
      %dma_wait3A_252 = arith.constant 0 : i32
      %dma_wait3A_253 = tpu.memref_slice %arg9[%dma_wait3A_251, %dma_wait3A_252] : memref<10240x128xf32, #tpu.memory_space<vmem_shared>> -> memref<10240x128xf32, #tpu.memory_space<vmem_shared>>
      tpu.wait_indirect_dma semaphore(%arg13 : memref<!tpu.dma_semaphore, #tpu.memory_space<semaphore_mem>>) src(%arg8 : memref<128x128xf32, #tpu.memory_space<vmem>>) dst(%dma_wait3A_253 : memref<10240x128xf32, #tpu.memory_space<vmem_shared>>)
      %add3A_254 = arith.constant 1 : i32
      %add3A_255 = arith.addi %mul3A_229, %add3A_254 : i32
      %dma_start3A_256 = arith.constant 0 : i32
      %dma_start3A_257 = tpu.memref_slice %arg5[%rem3A_225, %add3A_255, %dma_start3A_256] : memref<2x16x128xi32, #tpu.memory_space<vmem>> -> memref<1x1x128xi32, #tpu.memory_space<vmem>>
      %dma_start3A_258 = tpu.memref_squeeze %dma_start3A_257 : memref<1x1x128xi32, #tpu.memory_space<vmem>> -> memref<128xi32, #tpu.memory_space<vmem>>
      %dma_start3A_259 = arith.constant 0 : i32
      %dma_start3A_260 = arith.constant 0 : i32
      %dma_start3A_261 = tpu.memref_slice %arg2[%dma_start3A_259, %dma_start3A_260] : memref<10240x128xf32, #tpu.memory_space<hbm>> -> memref<10240x128xf32, #tpu.memory_space<hbm>>
      tpu.enqueue_indirect_dma source(%dma_start3A_261 : memref<10240x128xf32, #tpu.memory_space<hbm>>) target(%arg8 : memref<128x128xf32, #tpu.memory_space<vmem>>) offsets(%dma_start3A_258 : memref<128xi32, #tpu.memory_space<vmem>>) semaphore(%arg11 : memref<!tpu.dma_semaphore, #tpu.memory_space<semaphore_mem>>)
      %while3A_262 = arith.constant 0 : i32
      scf.yield %while3A_262 : i32
    }
    %while3A_69 = arith.constant 1 : i32
    %while3A_70 = scf.for %while3A_121 = %while3A_66 to %while3A_62 step %while3A_69 iter_args(%while3A_122 = %while3A_68) -> (i32)  : i32 {
      %jit3A_123 = arith.constant 8 : i32
      %div3A_124 = arith.divsi %while3A_121, %jit3A_123 : i32
      %sign3A_125 = arith.constant 0 : i32
      %sign3A_126 = arith.cmpi sgt, %while3A_121, %sign3A_125 : i32
      %sign3A_127 = arith.extui %sign3A_126 : i1 to i32
      %sign3A_128 = arith.constant 0 : i32
      %sign3A_129 = arith.cmpi slt, %while3A_121, %sign3A_128 : i32
      %sign3A_130 = arith.extui %sign3A_129 : i1 to i32
      %sign3A_131 = arith.subi %sign3A_127, %sign3A_130 : i32
      %sign3A_132 = arith.constant 0 : i32
      %sign3A_133 = arith.cmpi sgt, %jit3A_123, %sign3A_132 : i32
      %sign3A_134 = arith.extui %sign3A_133 : i1 to i32
      %sign3A_135 = arith.constant 0 : i32
      %sign3A_136 = arith.cmpi slt, %jit3A_123, %sign3A_135 : i32
      %sign3A_137 = arith.extui %sign3A_136 : i1 to i32
      %sign3A_138 = arith.subi %sign3A_134, %sign3A_137 : i32
      %ne3A_139 = arith.cmpi ne, %sign3A_131, %sign3A_138 : i32
      %rem3A_140 = arith.remsi %while3A_121, %jit3A_123 : i32
      %ne3A_141 = arith.constant 0 : i32
      %ne3A_142 = arith.cmpi ne, %rem3A_140, %ne3A_141 : i32
      %and3A_143 = arith.andi %ne3A_139, %ne3A_142 : i1
      %sub3A_144 = arith.constant 1 : i32
      %sub3A_145 = arith.subi %div3A_124, %sub3A_144 : i32
      %select_n3A_146 = arith.select %and3A_143, %sub3A_145, %div3A_124 : i32
      %rem3A_147 = arith.constant 2 : i32
      %rem3A_148 = arith.remsi %select_n3A_146, %rem3A_147 : i32
      %rem3A_149 = arith.constant 8 : i32
      %rem3A_150 = arith.remsi %while3A_121, %rem3A_149 : i32
      %mul3A_151 = arith.constant 2 : i32
      %mul3A_152 = arith.muli %rem3A_150, %mul3A_151 : i32
      %add3A_153 = arith.constant 1 : i32
      %add3A_154 = arith.addi %select_n3A_146, %add3A_153 : i32
      %mul3A_155 = arith.constant 16 : i32
      %mul3A_156 = arith.muli %add3A_154, %mul3A_155 : i32
      %add3A_157 = arith.addi %mul3A_17, %mul3A_156 : i32
      %eq3A_158 = arith.constant 0 : i32
      %eq3A_159 = arith.cmpi eq, %mul3A_152, %eq3A_158 : i32
      %add3A_160 = arith.constant 1 : i32
      %add3A_161 = arith.addi %select_n3A_146, %add3A_160 : i32
      %mul3A_162 = arith.constant 16 : i32
      %mul3A_163 = arith.muli %add3A_161, %mul3A_162 : i32
      %lt3A_164 = arith.cmpi slt, %mul3A_163, %add3A_11 : i32
      %and3A_165 = arith.andi %eq3A_159, %lt3A_164 : i1
      %convert_element_type3A = arith.extui %and3A_165 : i1 to i32
      %cond3A = arith.constant 0 : i32
      %cond3A_166 = arith.cmpi ne, %convert_element_type3A, %cond3A : i32
      scf.if %cond3A_166 {
        %sub3A_263 = arith.constant 1 : i32
        %sub3A_264 = arith.subi %sub3A_263, %rem3A_148 : i32
        %dma_start3A_265 = arith.constant 0 : i32
        %dma_start3A_266 = arith.constant 0 : i32
        %dma_start3A_267 = tpu.memref_slice %arg5[%sub3A_264, %dma_start3A_265, %dma_start3A_266] : memref<2x16x128xi32, #tpu.memory_space<vmem>> -> memref<1x16x128xi32, #tpu.memory_space<vmem>>
        %dma_start3A_268 = tpu.memref_squeeze %dma_start3A_267 : memref<1x16x128xi32, #tpu.memory_space<vmem>> -> memref<16x128xi32, #tpu.memory_space<vmem>>
        %dma_start3A_269 = arith.constant 0 : i32
        %dma_start3A_270 = arith.constant 0 : i32
        %dma_start3A_271 = tpu.memref_slice %arg3[%while3A, %dma_start3A_269, %dma_start3A_270] : memref<2x2512x128xi32, #tpu.memory_space<hbm>> -> memref<1x2512x128xi32, #tpu.memory_space<hbm>>
        %dma_start3A_272 = tpu.memref_squeeze %dma_start3A_271 : memref<1x2512x128xi32, #tpu.memory_space<hbm>> -> memref<2512x128xi32, #tpu.memory_space<hbm>>
        %dma_start3A_273 = arith.constant 0 : i32
        %dma_start3A_274 = tpu.memref_slice %dma_start3A_272[%add3A_157, %dma_start3A_273] : memref<2512x128xi32, #tpu.memory_space<hbm>> -> memref<16x128xi32, #tpu.memory_space<hbm>>
        %dma_start3A_275 = arith.constant 0 : i32
        %dma_start3A_276 = arith.constant 0 : i32
        %dma_start3A_277 = tpu.memref_slice %arg5[%sub3A_264, %dma_start3A_275, %dma_start3A_276] : memref<2x16x128xi32, #tpu.memory_space<vmem>> -> memref<1x16x128xi32, #tpu.memory_space<vmem>>
        %dma_start3A_278 = tpu.memref_squeeze %dma_start3A_277 : memref<1x16x128xi32, #tpu.memory_space<vmem>> -> memref<16x128xi32, #tpu.memory_space<vmem>>
        %dma_start3A_279 = arith.constant 0 : i32
        %dma_start3A_280 = arith.constant 0 : i32
        %dma_start3A_281 = tpu.memref_slice %arg3[%while3A, %dma_start3A_279, %dma_start3A_280] : memref<2x2512x128xi32, #tpu.memory_space<hbm>> -> memref<1x2512x128xi32, #tpu.memory_space<hbm>>
        %dma_start3A_282 = tpu.memref_squeeze %dma_start3A_281 : memref<1x2512x128xi32, #tpu.memory_space<hbm>> -> memref<2512x128xi32, #tpu.memory_space<hbm>>
        %dma_start3A_283 = arith.constant 0 : i32
        %dma_start3A_284 = tpu.memref_slice %dma_start3A_282[%add3A_157, %dma_start3A_283] : memref<2512x128xi32, #tpu.memory_space<hbm>> -> memref<16x128xi32, #tpu.memory_space<hbm>>
        tpu.enqueue_dma source(%dma_start3A_284 : memref<16x128xi32, #tpu.memory_space<hbm>>) target(%dma_start3A_278 : memref<16x128xi32, #tpu.memory_space<vmem>>) target_semaphore(%arg14 : memref<!tpu.dma_semaphore, #tpu.memory_space<semaphore_mem>>)
        %dma_start3A_285 = arith.constant 0 : i32
        %dma_start3A_286 = arith.constant 0 : i32
        %dma_start3A_287 = tpu.memref_slice %arg6[%sub3A_264, %dma_start3A_285, %dma_start3A_286] : memref<2x16x128xi32, #tpu.memory_space<vmem>> -> memref<1x16x128xi32, #tpu.memory_space<vmem>>
        %dma_start3A_288 = tpu.memref_squeeze %dma_start3A_287 : memref<1x16x128xi32, #tpu.memory_space<vmem>> -> memref<16x128xi32, #tpu.memory_space<vmem>>
        %dma_start3A_289 = arith.constant 0 : i32
        %dma_start3A_290 = arith.constant 0 : i32
        %dma_start3A_291 = tpu.memref_slice %arg3[%while3A_58, %dma_start3A_289, %dma_start3A_290] : memref<2x2512x128xi32, #tpu.memory_space<hbm>> -> memref<1x2512x128xi32, #tpu.memory_space<hbm>>
        %dma_start3A_292 = tpu.memref_squeeze %dma_start3A_291 : memref<1x2512x128xi32, #tpu.memory_space<hbm>> -> memref<2512x128xi32, #tpu.memory_space<hbm>>
        %dma_start3A_293 = arith.constant 0 : i32
        %dma_start3A_294 = tpu.memref_slice %dma_start3A_292[%add3A_157, %dma_start3A_293] : memref<2512x128xi32, #tpu.memory_space<hbm>> -> memref<16x128xi32, #tpu.memory_space<hbm>>
        %dma_start3A_295 = arith.constant 0 : i32
        %dma_start3A_296 = arith.constant 0 : i32
        %dma_start3A_297 = tpu.memref_slice %arg6[%sub3A_264, %dma_start3A_295, %dma_start3A_296] : memref<2x16x128xi32, #tpu.memory_space<vmem>> -> memref<1x16x128xi32, #tpu.memory_space<vmem>>
        %dma_start3A_298 = tpu.memref_squeeze %dma_start3A_297 : memref<1x16x128xi32, #tpu.memory_space<vmem>> -> memref<16x128xi32, #tpu.memory_space<vmem>>
        %dma_start3A_299 = arith.constant 0 : i32
        %dma_start3A_300 = arith.constant 0 : i32
        %dma_start3A_301 = tpu.memref_slice %arg3[%while3A_58, %dma_start3A_299, %dma_start3A_300] : memref<2x2512x128xi32, #tpu.memory_space<hbm>> -> memref<1x2512x128xi32, #tpu.memory_space<hbm>>
        %dma_start3A_302 = tpu.memref_squeeze %dma_start3A_301 : memref<1x2512x128xi32, #tpu.memory_space<hbm>> -> memref<2512x128xi32, #tpu.memory_space<hbm>>
        %dma_start3A_303 = arith.constant 0 : i32
        %dma_start3A_304 = tpu.memref_slice %dma_start3A_302[%add3A_157, %dma_start3A_303] : memref<2512x128xi32, #tpu.memory_space<hbm>> -> memref<16x128xi32, #tpu.memory_space<hbm>>
        tpu.enqueue_dma source(%dma_start3A_304 : memref<16x128xi32, #tpu.memory_space<hbm>>) target(%dma_start3A_298 : memref<16x128xi32, #tpu.memory_space<vmem>>) target_semaphore(%arg14 : memref<!tpu.dma_semaphore, #tpu.memory_space<semaphore_mem>>)
      } else {
      }
      %dma_wait3A_167 = arith.constant 0 : i32
      %dma_wait3A_168 = tpu.memref_slice %arg5[%rem3A_148, %mul3A_152, %dma_wait3A_167] : memref<2x16x128xi32, #tpu.memory_space<vmem>> -> memref<1x1x128xi32, #tpu.memory_space<vmem>>
      %dma_wait3A_169 = tpu.memref_squeeze %dma_wait3A_168 : memref<1x1x128xi32, #tpu.memory_space<vmem>> -> memref<128xi32, #tpu.memory_space<vmem>>
      %dma_wait3A_170 = arith.constant 0 : i32
      %dma_wait3A_171 = arith.constant 0 : i32
      %dma_wait3A_172 = tpu.memref_slice %arg2[%dma_wait3A_170, %dma_wait3A_171] : memref<10240x128xf32, #tpu.memory_space<hbm>> -> memref<10240x128xf32, #tpu.memory_space<hbm>>
      tpu.wait_indirect_dma semaphore(%arg10 : memref<!tpu.dma_semaphore, #tpu.memory_space<semaphore_mem>>) src(%dma_wait3A_172 : memref<10240x128xf32, #tpu.memory_space<hbm>>) dst(%arg7 : memref<128x128xf32, #tpu.memory_space<vmem>>)
      %dma_start3A_173 = arith.constant 0 : i32
      %dma_start3A_174 = tpu.memref_slice %arg6[%rem3A_148, %mul3A_152, %dma_start3A_173] : memref<2x16x128xi32, #tpu.memory_space<vmem>> -> memref<1x1x128xi32, #tpu.memory_space<vmem>>
      %dma_start3A_175 = tpu.memref_squeeze %dma_start3A_174 : memref<1x1x128xi32, #tpu.memory_space<vmem>> -> memref<128xi32, #tpu.memory_space<vmem>>
      %dma_start3A_176 = arith.constant 0 : i32
      %dma_start3A_177 = arith.constant 0 : i32
      %dma_start3A_178 = tpu.memref_slice %arg9[%dma_start3A_176, %dma_start3A_177] : memref<10240x128xf32, #tpu.memory_space<vmem_shared>> -> memref<10240x128xf32, #tpu.memory_space<vmem_shared>>
      tpu.enqueue_indirect_dma source(%arg7 : memref<128x128xf32, #tpu.memory_space<vmem>>) target(%dma_start3A_178 : memref<10240x128xf32, #tpu.memory_space<vmem_shared>>) offsets(%dma_start3A_175 : memref<128xi32, #tpu.memory_space<vmem>>) semaphore(%arg12 : memref<!tpu.dma_semaphore, #tpu.memory_space<semaphore_mem>>) {add = true}
      %add3A_179 = arith.constant 1 : i32
      %add3A_180 = arith.addi %mul3A_152, %add3A_179 : i32
      %dma_wait3A_181 = arith.constant 0 : i32
      %dma_wait3A_182 = tpu.memref_slice %arg5[%rem3A_148, %add3A_180, %dma_wait3A_181] : memref<2x16x128xi32, #tpu.memory_space<vmem>> -> memref<1x1x128xi32, #tpu.memory_space<vmem>>
      %dma_wait3A_183 = tpu.memref_squeeze %dma_wait3A_182 : memref<1x1x128xi32, #tpu.memory_space<vmem>> -> memref<128xi32, #tpu.memory_space<vmem>>
      %dma_wait3A_184 = arith.constant 0 : i32
      %dma_wait3A_185 = arith.constant 0 : i32
      %dma_wait3A_186 = tpu.memref_slice %arg2[%dma_wait3A_184, %dma_wait3A_185] : memref<10240x128xf32, #tpu.memory_space<hbm>> -> memref<10240x128xf32, #tpu.memory_space<hbm>>
      tpu.wait_indirect_dma semaphore(%arg11 : memref<!tpu.dma_semaphore, #tpu.memory_space<semaphore_mem>>) src(%dma_wait3A_186 : memref<10240x128xf32, #tpu.memory_space<hbm>>) dst(%arg8 : memref<128x128xf32, #tpu.memory_space<vmem>>)
      %add3A_187 = arith.constant 1 : i32
      %add3A_188 = arith.addi %mul3A_152, %add3A_187 : i32
      %dma_start3A_189 = arith.constant 0 : i32
      %dma_start3A_190 = tpu.memref_slice %arg6[%rem3A_148, %add3A_188, %dma_start3A_189] : memref<2x16x128xi32, #tpu.memory_space<vmem>> -> memref<1x1x128xi32, #tpu.memory_space<vmem>>
      %dma_start3A_191 = tpu.memref_squeeze %dma_start3A_190 : memref<1x1x128xi32, #tpu.memory_space<vmem>> -> memref<128xi32, #tpu.memory_space<vmem>>
      %dma_start3A_192 = arith.constant 0 : i32
      %dma_start3A_193 = arith.constant 0 : i32
      %dma_start3A_194 = tpu.memref_slice %arg9[%dma_start3A_192, %dma_start3A_193] : memref<10240x128xf32, #tpu.memory_space<vmem_shared>> -> memref<10240x128xf32, #tpu.memory_space<vmem_shared>>
      tpu.enqueue_indirect_dma source(%arg8 : memref<128x128xf32, #tpu.memory_space<vmem>>) target(%dma_start3A_194 : memref<10240x128xf32, #tpu.memory_space<vmem_shared>>) offsets(%dma_start3A_191 : memref<128xi32, #tpu.memory_space<vmem>>) semaphore(%arg13 : memref<!tpu.dma_semaphore, #tpu.memory_space<semaphore_mem>>) {add = true}
      %add3A_195 = arith.constant 1 : i32
      %add3A_196 = arith.addi %while3A_121, %add3A_195 : i32
      %sub3A_197 = arith.constant 1 : i32
      %sub3A_198 = arith.subi %select_n3A_35, %sub3A_197 : i32
      %min3A_199 = arith.minsi %add3A_196, %sub3A_198 : i32
      %jit3A_200 = arith.constant 8 : i32
      %div3A_201 = arith.divsi %min3A_199, %jit3A_200 : i32
      %sign3A_202 = arith.constant 0 : i32
      %sign3A_203 = arith.cmpi sgt, %min3A_199, %sign3A_202 : i32
      %sign3A_204 = arith.extui %sign3A_203 : i1 to i32
      %sign3A_205 = arith.constant 0 : i32
      %sign3A_206 = arith.cmpi slt, %min3A_199, %sign3A_205 : i32
      %sign3A_207 = arith.extui %sign3A_206 : i1 to i32
      %sign3A_208 = arith.subi %sign3A_204, %sign3A_207 : i32
      %sign3A_209 = arith.constant 0 : i32
      %sign3A_210 = arith.cmpi sgt, %jit3A_200, %sign3A_209 : i32
      %sign3A_211 = arith.extui %sign3A_210 : i1 to i32
      %sign3A_212 = arith.constant 0 : i32
      %sign3A_213 = arith.cmpi slt, %jit3A_200, %sign3A_212 : i32
      %sign3A_214 = arith.extui %sign3A_213 : i1 to i32
      %sign3A_215 = arith.subi %sign3A_211, %sign3A_214 : i32
      %ne3A_216 = arith.cmpi ne, %sign3A_208, %sign3A_215 : i32
      %rem3A_217 = arith.remsi %min3A_199, %jit3A_200 : i32
      %ne3A_218 = arith.constant 0 : i32
      %ne3A_219 = arith.cmpi ne, %rem3A_217, %ne3A_218 : i32
      %and3A_220 = arith.andi %ne3A_216, %ne3A_219 : i1
      %sub3A_221 = arith.constant 1 : i32
      %sub3A_222 = arith.subi %div3A_201, %sub3A_221 : i32
      %select_n3A_223 = arith.select %and3A_220, %sub3A_222, %div3A_201 : i32
      %rem3A_224 = arith.constant 2 : i32
      %rem3A_225 = arith.remsi %select_n3A_223, %rem3A_224 : i32
      %rem3A_226 = arith.constant 8 : i32
      %rem3A_227 = arith.remsi %min3A_199, %rem3A_226 : i32
      %mul3A_228 = arith.constant 2 : i32
      %mul3A_229 = arith.muli %rem3A_227, %mul3A_228 : i32
      %ne3A_230 = arith.cmpi ne, %select_n3A_223, %select_n3A_146 : i32
      %convert_element_type3A_231 = arith.extui %ne3A_230 : i1 to i32
      %cond3A_232 = arith.constant 0 : i32
      %cond3A_233 = arith.cmpi ne, %convert_element_type3A_231, %cond3A_232 : i32
      scf.if %cond3A_233 {
        %dma_wait3A_263 = arith.constant 0 : i32
        %dma_wait3A_264 = arith.constant 0 : i32
        %dma_wait3A_265 = tpu.memref_slice %arg5[%rem3A_225, %dma_wait3A_263, %dma_wait3A_264] : memref<2x16x128xi32, #tpu.memory_space<vmem>> -> memref<1x16x128xi32, #tpu.memory_space<vmem>>
        %dma_wait3A_266 = tpu.memref_squeeze %dma_wait3A_265 : memref<1x16x128xi32, #tpu.memory_space<vmem>> -> memref<16x128xi32, #tpu.memory_space<vmem>>
        %dma_wait3A_267 = arith.constant 0 : i32
        %dma_wait3A_268 = arith.constant 0 : i32
        %dma_wait3A_269 = tpu.memref_slice %arg3[%while3A, %dma_wait3A_267, %dma_wait3A_268] : memref<2x2512x128xi32, #tpu.memory_space<hbm>> -> memref<1x2512x128xi32, #tpu.memory_space<hbm>>
        %dma_wait3A_270 = tpu.memref_squeeze %dma_wait3A_269 : memref<1x2512x128xi32, #tpu.memory_space<hbm>> -> memref<2512x128xi32, #tpu.memory_space<hbm>>
        %dma_wait3A_271 = arith.constant 0 : i32
        %dma_wait3A_272 = tpu.memref_slice %dma_wait3A_270[%add3A_157, %dma_wait3A_271] : memref<2512x128xi32, #tpu.memory_space<hbm>> -> memref<16x128xi32, #tpu.memory_space<hbm>>
        %dma_wait3A_273 = arith.constant 0 : i32
        %dma_wait3A_274 = arith.constant 0 : i32
        %dma_wait3A_275 = tpu.memref_slice %arg5[%rem3A_225, %dma_wait3A_273, %dma_wait3A_274] : memref<2x16x128xi32, #tpu.memory_space<vmem>> -> memref<1x16x128xi32, #tpu.memory_space<vmem>>
        %dma_wait3A_276 = tpu.memref_squeeze %dma_wait3A_275 : memref<1x16x128xi32, #tpu.memory_space<vmem>> -> memref<16x128xi32, #tpu.memory_space<vmem>>
        %dma_wait3A_277 = arith.constant 0 : i32
        %dma_wait3A_278 = arith.constant 0 : i32
        %dma_wait3A_279 = tpu.memref_slice %arg3[%while3A, %dma_wait3A_277, %dma_wait3A_278] : memref<2x2512x128xi32, #tpu.memory_space<hbm>> -> memref<1x2512x128xi32, #tpu.memory_space<hbm>>
        %dma_wait3A_280 = tpu.memref_squeeze %dma_wait3A_279 : memref<1x2512x128xi32, #tpu.memory_space<hbm>> -> memref<2512x128xi32, #tpu.memory_space<hbm>>
        %dma_wait3A_281 = arith.constant 0 : i32
        %dma_wait3A_282 = tpu.memref_slice %dma_wait3A_280[%add3A_157, %dma_wait3A_281] : memref<2512x128xi32, #tpu.memory_space<hbm>> -> memref<16x128xi32, #tpu.memory_space<hbm>>
        tpu.wait_dma2 semaphore(%arg14 : memref<!tpu.dma_semaphore, #tpu.memory_space<semaphore_mem>>) src(%dma_wait3A_282 : memref<16x128xi32, #tpu.memory_space<hbm>>) dst(%dma_wait3A_276 : memref<16x128xi32, #tpu.memory_space<vmem>>)
        %dma_wait3A_283 = arith.constant 0 : i32
        %dma_wait3A_284 = arith.constant 0 : i32
        %dma_wait3A_285 = tpu.memref_slice %arg6[%rem3A_225, %dma_wait3A_283, %dma_wait3A_284] : memref<2x16x128xi32, #tpu.memory_space<vmem>> -> memref<1x16x128xi32, #tpu.memory_space<vmem>>
        %dma_wait3A_286 = tpu.memref_squeeze %dma_wait3A_285 : memref<1x16x128xi32, #tpu.memory_space<vmem>> -> memref<16x128xi32, #tpu.memory_space<vmem>>
        %dma_wait3A_287 = arith.constant 0 : i32
        %dma_wait3A_288 = arith.constant 0 : i32
        %dma_wait3A_289 = tpu.memref_slice %arg3[%while3A_58, %dma_wait3A_287, %dma_wait3A_288] : memref<2x2512x128xi32, #tpu.memory_space<hbm>> -> memref<1x2512x128xi32, #tpu.memory_space<hbm>>
        %dma_wait3A_290 = tpu.memref_squeeze %dma_wait3A_289 : memref<1x2512x128xi32, #tpu.memory_space<hbm>> -> memref<2512x128xi32, #tpu.memory_space<hbm>>
        %dma_wait3A_291 = arith.constant 0 : i32
        %dma_wait3A_292 = tpu.memref_slice %dma_wait3A_290[%add3A_157, %dma_wait3A_291] : memref<2512x128xi32, #tpu.memory_space<hbm>> -> memref<16x128xi32, #tpu.memory_space<hbm>>
        %dma_wait3A_293 = arith.constant 0 : i32
        %dma_wait3A_294 = arith.constant 0 : i32
        %dma_wait3A_295 = tpu.memref_slice %arg6[%rem3A_225, %dma_wait3A_293, %dma_wait3A_294] : memref<2x16x128xi32, #tpu.memory_space<vmem>> -> memref<1x16x128xi32, #tpu.memory_space<vmem>>
        %dma_wait3A_296 = tpu.memref_squeeze %dma_wait3A_295 : memref<1x16x128xi32, #tpu.memory_space<vmem>> -> memref<16x128xi32, #tpu.memory_space<vmem>>
        %dma_wait3A_297 = arith.constant 0 : i32
        %dma_wait3A_298 = arith.constant 0 : i32
        %dma_wait3A_299 = tpu.memref_slice %arg3[%while3A_58, %dma_wait3A_297, %dma_wait3A_298] : memref<2x2512x128xi32, #tpu.memory_space<hbm>> -> memref<1x2512x128xi32, #tpu.memory_space<hbm>>
        %dma_wait3A_300 = tpu.memref_squeeze %dma_wait3A_299 : memref<1x2512x128xi32, #tpu.memory_space<hbm>> -> memref<2512x128xi32, #tpu.memory_space<hbm>>
        %dma_wait3A_301 = arith.constant 0 : i32
        %dma_wait3A_302 = tpu.memref_slice %dma_wait3A_300[%add3A_157, %dma_wait3A_301] : memref<2512x128xi32, #tpu.memory_space<hbm>> -> memref<16x128xi32, #tpu.memory_space<hbm>>
        tpu.wait_dma2 semaphore(%arg14 : memref<!tpu.dma_semaphore, #tpu.memory_space<semaphore_mem>>) src(%dma_wait3A_302 : memref<16x128xi32, #tpu.memory_space<hbm>>) dst(%dma_wait3A_296 : memref<16x128xi32, #tpu.memory_space<vmem>>)
      } else {
      }
      %dma_wait3A_234 = arith.constant 0 : i32
      %dma_wait3A_235 = tpu.memref_slice %arg6[%rem3A_148, %mul3A_152, %dma_wait3A_234] : memref<2x16x128xi32, #tpu.memory_space<vmem>> -> memref<1x1x128xi32, #tpu.memory_space<vmem>>
      %dma_wait3A_236 = tpu.memref_squeeze %dma_wait3A_235 : memref<1x1x128xi32, #tpu.memory_space<vmem>> -> memref<128xi32, #tpu.memory_space<vmem>>
      %dma_wait3A_237 = arith.constant 0 : i32
      %dma_wait3A_238 = arith.constant 0 : i32
      %dma_wait3A_239 = tpu.memref_slice %arg9[%dma_wait3A_237, %dma_wait3A_238] : memref<10240x128xf32, #tpu.memory_space<vmem_shared>> -> memref<10240x128xf32, #tpu.memory_space<vmem_shared>>
      tpu.wait_indirect_dma semaphore(%arg12 : memref<!tpu.dma_semaphore, #tpu.memory_space<semaphore_mem>>) src(%arg7 : memref<128x128xf32, #tpu.memory_space<vmem>>) dst(%dma_wait3A_239 : memref<10240x128xf32, #tpu.memory_space<vmem_shared>>)
      %dma_start3A_240 = arith.constant 0 : i32
      %dma_start3A_241 = tpu.memref_slice %arg5[%rem3A_225, %mul3A_229, %dma_start3A_240] : memref<2x16x128xi32, #tpu.memory_space<vmem>> -> memref<1x1x128xi32, #tpu.memory_space<vmem>>
      %dma_start3A_242 = tpu.memref_squeeze %dma_start3A_241 : memref<1x1x128xi32, #tpu.memory_space<vmem>> -> memref<128xi32, #tpu.memory_space<vmem>>
      %dma_start3A_243 = arith.constant 0 : i32
      %dma_start3A_244 = arith.constant 0 : i32
      %dma_start3A_245 = tpu.memref_slice %arg2[%dma_start3A_243, %dma_start3A_244] : memref<10240x128xf32, #tpu.memory_space<hbm>> -> memref<10240x128xf32, #tpu.memory_space<hbm>>
      tpu.enqueue_indirect_dma source(%dma_start3A_245 : memref<10240x128xf32, #tpu.memory_space<hbm>>) target(%arg7 : memref<128x128xf32, #tpu.memory_space<vmem>>) offsets(%dma_start3A_242 : memref<128xi32, #tpu.memory_space<vmem>>) semaphore(%arg10 : memref<!tpu.dma_semaphore, #tpu.memory_space<semaphore_mem>>)
      %add3A_246 = arith.constant 1 : i32
      %add3A_247 = arith.addi %mul3A_152, %add3A_246 : i32
      %dma_wait3A_248 = arith.constant 0 : i32
      %dma_wait3A_249 = tpu.memref_slice %arg6[%rem3A_148, %add3A_247, %dma_wait3A_248] : memref<2x16x128xi32, #tpu.memory_space<vmem>> -> memref<1x1x128xi32, #tpu.memory_space<vmem>>
      %dma_wait3A_250 = tpu.memref_squeeze %dma_wait3A_249 : memref<1x1x128xi32, #tpu.memory_space<vmem>> -> memref<128xi32, #tpu.memory_space<vmem>>
      %dma_wait3A_251 = arith.constant 0 : i32
      %dma_wait3A_252 = arith.constant 0 : i32
      %dma_wait3A_253 = tpu.memref_slice %arg9[%dma_wait3A_251, %dma_wait3A_252] : memref<10240x128xf32, #tpu.memory_space<vmem_shared>> -> memref<10240x128xf32, #tpu.memory_space<vmem_shared>>
      tpu.wait_indirect_dma semaphore(%arg13 : memref<!tpu.dma_semaphore, #tpu.memory_space<semaphore_mem>>) src(%arg8 : memref<128x128xf32, #tpu.memory_space<vmem>>) dst(%dma_wait3A_253 : memref<10240x128xf32, #tpu.memory_space<vmem_shared>>)
      %add3A_254 = arith.constant 1 : i32
      %add3A_255 = arith.addi %mul3A_229, %add3A_254 : i32
      %dma_start3A_256 = arith.constant 0 : i32
      %dma_start3A_257 = tpu.memref_slice %arg5[%rem3A_225, %add3A_255, %dma_start3A_256] : memref<2x16x128xi32, #tpu.memory_space<vmem>> -> memref<1x1x128xi32, #tpu.memory_space<vmem>>
      %dma_start3A_258 = tpu.memref_squeeze %dma_start3A_257 : memref<1x1x128xi32, #tpu.memory_space<vmem>> -> memref<128xi32, #tpu.memory_space<vmem>>
      %dma_start3A_259 = arith.constant 0 : i32
      %dma_start3A_260 = arith.constant 0 : i32
      %dma_start3A_261 = tpu.memref_slice %arg2[%dma_start3A_259, %dma_start3A_260] : memref<10240x128xf32, #tpu.memory_space<hbm>> -> memref<10240x128xf32, #tpu.memory_space<hbm>>
      tpu.enqueue_indirect_dma source(%dma_start3A_261 : memref<10240x128xf32, #tpu.memory_space<hbm>>) target(%arg8 : memref<128x128xf32, #tpu.memory_space<vmem>>) offsets(%dma_start3A_258 : memref<128xi32, #tpu.memory_space<vmem>>) semaphore(%arg11 : memref<!tpu.dma_semaphore, #tpu.memory_space<semaphore_mem>>)
      %while3A_262 = arith.constant 0 : i32
      scf.yield %while3A_262 : i32
    }
    %sub3A_71 = arith.constant 1 : i32
    %sub3A_72 = arith.subi %select_n3A_35, %sub3A_71 : i32
    %jit3A_73 = arith.constant 8 : i32
    %div3A_74 = arith.divsi %sub3A_72, %jit3A_73 : i32
    %sign3A_75 = arith.constant 0 : i32
    %sign3A_76 = arith.cmpi sgt, %sub3A_72, %sign3A_75 : i32
    %sign3A_77 = arith.extui %sign3A_76 : i1 to i32
    %sign3A_78 = arith.constant 0 : i32
    %sign3A_79 = arith.cmpi slt, %sub3A_72, %sign3A_78 : i32
    %sign3A_80 = arith.extui %sign3A_79 : i1 to i32
    %sign3A_81 = arith.subi %sign3A_77, %sign3A_80 : i32
    %sign3A_82 = arith.constant 0 : i32
    %sign3A_83 = arith.cmpi sgt, %jit3A_73, %sign3A_82 : i32
    %sign3A_84 = arith.extui %sign3A_83 : i1 to i32
    %sign3A_85 = arith.constant 0 : i32
    %sign3A_86 = arith.cmpi slt, %jit3A_73, %sign3A_85 : i32
    %sign3A_87 = arith.extui %sign3A_86 : i1 to i32
    %sign3A_88 = arith.subi %sign3A_84, %sign3A_87 : i32
    %ne3A_89 = arith.cmpi ne, %sign3A_81, %sign3A_88 : i32
    %rem3A_90 = arith.remsi %sub3A_72, %jit3A_73 : i32
    %ne3A_91 = arith.constant 0 : i32
    %ne3A_92 = arith.cmpi ne, %rem3A_90, %ne3A_91 : i32
    %and3A_93 = arith.andi %ne3A_89, %ne3A_92 : i1
    %sub3A_94 = arith.constant 1 : i32
    %sub3A_95 = arith.subi %div3A_74, %sub3A_94 : i32
    %select_n3A_96 = arith.select %and3A_93, %sub3A_95, %div3A_74 : i32
    %rem3A_97 = arith.constant 2 : i32
    %rem3A_98 = arith.remsi %select_n3A_96, %rem3A_97 : i32
    %rem3A_99 = arith.constant 8 : i32
    %rem3A_100 = arith.remsi %sub3A_72, %rem3A_99 : i32
    %mul3A_101 = arith.constant 2 : i32
    %mul3A_102 = arith.muli %rem3A_100, %mul3A_101 : i32
    %dma_wait3A = arith.constant 0 : i32
    %dma_wait3A_103 = tpu.memref_slice %arg5[%rem3A_98, %mul3A_102, %dma_wait3A] : memref<2x16x128xi32, #tpu.memory_space<vmem>> -> memref<1x1x128xi32, #tpu.memory_space<vmem>>
    %dma_wait3A_104 = tpu.memref_squeeze %dma_wait3A_103 : memref<1x1x128xi32, #tpu.memory_space<vmem>> -> memref<128xi32, #tpu.memory_space<vmem>>
    %dma_wait3A_105 = arith.constant 0 : i32
    %dma_wait3A_106 = arith.constant 0 : i32
    %dma_wait3A_107 = tpu.memref_slice %arg2[%dma_wait3A_105, %dma_wait3A_106] : memref<10240x128xf32, #tpu.memory_space<hbm>> -> memref<10240x128xf32, #tpu.memory_space<hbm>>
    tpu.wait_indirect_dma semaphore(%arg10 : memref<!tpu.dma_semaphore, #tpu.memory_space<semaphore_mem>>) src(%dma_wait3A_107 : memref<10240x128xf32, #tpu.memory_space<hbm>>) dst(%arg7 : memref<128x128xf32, #tpu.memory_space<vmem>>)
    %add3A_108 = arith.constant 1 : i32
    %add3A_109 = arith.addi %mul3A_102, %add3A_108 : i32
    %dma_wait3A_110 = arith.constant 0 : i32
    %dma_wait3A_111 = tpu.memref_slice %arg5[%rem3A_98, %add3A_109, %dma_wait3A_110] : memref<2x16x128xi32, #tpu.memory_space<vmem>> -> memref<1x1x128xi32, #tpu.memory_space<vmem>>
    %dma_wait3A_112 = tpu.memref_squeeze %dma_wait3A_111 : memref<1x1x128xi32, #tpu.memory_space<vmem>> -> memref<128xi32, #tpu.memory_space<vmem>>
    %dma_wait3A_113 = arith.constant 0 : i32
    %dma_wait3A_114 = arith.constant 0 : i32
    %dma_wait3A_115 = tpu.memref_slice %arg2[%dma_wait3A_113, %dma_wait3A_114] : memref<10240x128xf32, #tpu.memory_space<hbm>> -> memref<10240x128xf32, #tpu.memory_space<hbm>>
    tpu.wait_indirect_dma semaphore(%arg11 : memref<!tpu.dma_semaphore, #tpu.memory_space<semaphore_mem>>) src(%dma_wait3A_115 : memref<10240x128xf32, #tpu.memory_space<hbm>>) dst(%arg8 : memref<128x128xf32, #tpu.memory_space<vmem>>)
    %barrier3A_116 = arith.constant 0 : index
    tpu.barrier barrier_id(%barrier3A_116)
    %mul3A_117 = arith.constant 640 : i32
    %mul3A_118 = arith.muli %arg1, %mul3A_117 : i32
    %mul3A_119 = arith.constant 640 : i32
    %mul3A_120 = arith.muli %arg1, %mul3A_119 : i32
    "tpu.region"() ({
      %run_scoped3A_121 = tpu.sem_alloc : memref<!tpu.dma_semaphore, #tpu.memory_space<semaphore_mem>>
      %dma_start3A_122 = arith.constant 0 : i32
      %dma_start3A_123 = arith.constant 0 : i32
      %dma_start3A_124 = tpu.memref_slice %arg4[%arg0, %dma_start3A_122, %dma_start3A_123] : memref<2x10240x128xf32, #tpu.memory_space<hbm>> -> memref<1x10240x128xf32, #tpu.memory_space<hbm>>
      %dma_start3A_125 = tpu.memref_squeeze %dma_start3A_124 : memref<1x10240x128xf32, #tpu.memory_space<hbm>> -> memref<10240x128xf32, #tpu.memory_space<hbm>>
      %dma_start3A_126 = arith.constant 0 : i32
      %dma_start3A_127 = tpu.memref_slice %dma_start3A_125[%mul3A_120, %dma_start3A_126] : memref<10240x128xf32, #tpu.memory_space<hbm>> -> memref<640x128xf32, #tpu.memory_space<hbm>>
      %dma_start3A_128 = arith.constant 0 : i32
      %dma_start3A_129 = tpu.memref_slice %arg9[%mul3A_118, %dma_start3A_128] : memref<10240x128xf32, #tpu.memory_space<vmem_shared>> -> memref<640x128xf32, #tpu.memory_space<vmem_shared>>
      tpu.enqueue_dma source(%dma_start3A_129 : memref<640x128xf32, #tpu.memory_space<vmem_shared>>) target(%dma_start3A_127 : memref<640x128xf32, #tpu.memory_space<hbm>>) target_semaphore(%run_scoped3A_121 : memref<!tpu.dma_semaphore, #tpu.memory_space<semaphore_mem>>)
      %dma_wait3A_130 = arith.constant 0 : i32
      %dma_wait3A_131 = arith.constant 0 : i32
      %dma_wait3A_132 = tpu.memref_slice %arg4[%arg0, %dma_wait3A_130, %dma_wait3A_131] : memref<2x10240x128xf32, #tpu.memory_space<hbm>> -> memref<1x10240x128xf32, #tpu.memory_space<hbm>>
      %dma_wait3A_133 = tpu.memref_squeeze %dma_wait3A_132 : memref<1x10240x128xf32, #tpu.memory_space<hbm>> -> memref<10240x128xf32, #tpu.memory_space<hbm>>
      %dma_wait3A_134 = arith.constant 0 : i32
      %dma_wait3A_135 = tpu.memref_slice %dma_wait3A_133[%mul3A_120, %dma_wait3A_134] : memref<10240x128xf32, #tpu.memory_space<hbm>> -> memref<640x128xf32, #tpu.memory_space<hbm>>
      %dma_wait3A_136 = arith.constant 0 : i32
      %dma_wait3A_137 = tpu.memref_slice %arg9[%mul3A_118, %dma_wait3A_136] : memref<10240x128xf32, #tpu.memory_space<vmem_shared>> -> memref<640x128xf32, #tpu.memory_space<vmem_shared>>
      tpu.wait_dma2 semaphore(%run_scoped3A_121 : memref<!tpu.dma_semaphore, #tpu.memory_space<semaphore_mem>>) src(%dma_wait3A_137 : memref<640x128xf32, #tpu.memory_space<vmem_shared>>) dst(%dma_wait3A_135 : memref<640x128xf32, #tpu.memory_space<hbm>>)
      tpu.yield
    }) : () -> ()
    return
  }
}

#map = affine_map<(d0, d1) -> (0, 0)>
#map1 = affine_map<(d0, d1) -> (0, 0, 0)>
module attributes {stable_mosaic.version = 14 : i64} {
  func.func @agg_kernel(%arg0: i32, %arg1: i32, %arg2: memref<10240x64xf32, #tpu.memory_space<hbm>>, %arg3: memref<2x2512x128xi32, #tpu.memory_space<hbm>>, %arg4: memref<2x10240x64xf32, #tpu.memory_space<hbm>>, %arg5: memref<2x16x128xi32, #tpu.memory_space<vmem>>, %arg6: memref<2x16x128xi32, #tpu.memory_space<vmem>>, %arg7: memref<128x64xf32, #tpu.memory_space<vmem>>, %arg8: memref<128x64xf32, #tpu.memory_space<vmem>>, %arg9: memref<10240x64xf32, #tpu.memory_space<vmem_shared>>, %arg10: memref<!tpu.dma_semaphore, #tpu.memory_space<semaphore_mem>>, %arg11: memref<!tpu.dma_semaphore, #tpu.memory_space<semaphore_mem>>, %arg12: memref<!tpu.dma_semaphore, #tpu.memory_space<semaphore_mem>>, %arg13: memref<!tpu.dma_semaphore, #tpu.memory_space<semaphore_mem>>, %arg14: memref<!tpu.dma_semaphore, #tpu.memory_space<semaphore_mem>>) attributes {dimension_semantics = [#tpu.dimension_semantics<core_parallel>, #tpu.dimension_semantics<subcore_parallel>], iteration_bounds = array<i64: 2, 16>, scalar_prefetch = 0 : i64, scratch_operands = 10 : i64, tpu.core_type = #tpu.core_type<sc_vector_subcore>, window_params = [{transform_indices = #map}, {transform_indices = #map1}, {transform_indices = #map1}]} {
    %mul3A = arith.constant 16 : i32
    %mul3A_0 = arith.muli %arg0, %mul3A : i32
    %add3A = arith.addi %mul3A_0, %arg1 : i32
    %lt3A = arith.constant 24 : i32
    %lt3A_1 = arith.cmpi slt, %add3A, %lt3A : i32
    %jit3A = arith.constant 1 : i32
    %jit3A_2 = arith.constant 0 : i32
    %select_n3A = arith.select %lt3A_1, %jit3A, %jit3A_2 : i32
    %add3A_3 = arith.constant 9 : i32
    %add3A_4 = arith.addi %add3A_3, %select_n3A : i32
    %mul3A_5 = arith.constant 8 : i32
    %mul3A_6 = arith.muli %mul3A_5, %add3A_4 : i32
    %eq3A = arith.constant 31 : i32
    %eq3A_7 = arith.cmpi eq, %add3A, %eq3A : i32
    %jit3A_8 = arith.constant 4 : i32
    %jit3A_9 = arith.constant 0 : i32
    %select_n3A_10 = arith.select %eq3A_7, %jit3A_8, %jit3A_9 : i32
    %add3A_11 = arith.addi %mul3A_6, %select_n3A_10 : i32
    %mul3A_12 = arith.constant 9 : i32
    %mul3A_13 = arith.muli %mul3A_12, %add3A : i32
    %min3A = arith.constant 24 : i32
    %min3A_14 = arith.minsi %add3A, %min3A : i32
    %add3A_15 = arith.addi %mul3A_13, %min3A_14 : i32
    %mul3A_16 = arith.constant 8 : i32
    %mul3A_17 = arith.muli %mul3A_16, %add3A_15 : i32
    %jit3A_18 = arith.constant 2 : i32
    %div3A = arith.divsi %add3A_11, %jit3A_18 : i32
    %sign3A = arith.constant 0 : i32
    %sign3A_19 = arith.cmpi sgt, %add3A_11, %sign3A : i32
    %sign3A_20 = arith.extui %sign3A_19 : i1 to i32
    %sign3A_21 = arith.constant 0 : i32
    %sign3A_22 = arith.cmpi slt, %add3A_11, %sign3A_21 : i32
    %sign3A_23 = arith.extui %sign3A_22 : i1 to i32
    %sign3A_24 = arith.subi %sign3A_20, %sign3A_23 : i32
    %sign3A_25 = arith.constant 0 : i32
    %sign3A_26 = arith.cmpi sgt, %jit3A_18, %sign3A_25 : i32
    %sign3A_27 = arith.extui %sign3A_26 : i1 to i32
    %sign3A_28 = arith.constant 0 : i32
    %sign3A_29 = arith.cmpi slt, %jit3A_18, %sign3A_28 : i32
    %sign3A_30 = arith.extui %sign3A_29 : i1 to i32
    %sign3A_31 = arith.subi %sign3A_27, %sign3A_30 : i32
    %ne3A = arith.cmpi ne, %sign3A_24, %sign3A_31 : i32
    %rem3A = arith.remsi %add3A_11, %jit3A_18 : i32
    %ne3A_32 = arith.constant 0 : i32
    %ne3A_33 = arith.cmpi ne, %rem3A, %ne3A_32 : i32
    %and3A = arith.andi %ne3A, %ne3A_33 : i1
    %sub3A = arith.constant 1 : i32
    %sub3A_34 = arith.subi %div3A, %sub3A : i32
    %select_n3A_35 = arith.select %and3A, %sub3A_34, %div3A : i32
    %mul3A_36 = arith.constant 640 : i32
    %mul3A_37 = arith.muli %arg1, %mul3A_36 : i32
    %mul3A_38 = arith.constant 640 : i32
    %mul3A_39 = arith.muli %arg1, %mul3A_38 : i32
    "tpu.region"() ({
      %run_scoped3A_121 = tpu.sem_alloc : memref<!tpu.dma_semaphore, #tpu.memory_space<semaphore_mem>>
      %dma_start3A_122 = arith.constant 0 : i32
      %dma_start3A_123 = tpu.memref_slice %arg9[%mul3A_39, %dma_start3A_122] : memref<10240x64xf32, #tpu.memory_space<vmem_shared>> -> memref<640x64xf32, #tpu.memory_space<vmem_shared>>
      %dma_start3A_124 = arith.constant 0 : i32
      %dma_start3A_125 = tpu.memref_slice %arg2[%mul3A_37, %dma_start3A_124] : memref<10240x64xf32, #tpu.memory_space<hbm>> -> memref<640x64xf32, #tpu.memory_space<hbm>>
      tpu.enqueue_dma source(%dma_start3A_125 : memref<640x64xf32, #tpu.memory_space<hbm>>) target(%dma_start3A_123 : memref<640x64xf32, #tpu.memory_space<vmem_shared>>) target_semaphore(%run_scoped3A_121 : memref<!tpu.dma_semaphore, #tpu.memory_space<semaphore_mem>>)
      %dma_wait3A_126 = arith.constant 0 : i32
      %dma_wait3A_127 = tpu.memref_slice %arg9[%mul3A_39, %dma_wait3A_126] : memref<10240x64xf32, #tpu.memory_space<vmem_shared>> -> memref<640x64xf32, #tpu.memory_space<vmem_shared>>
      %dma_wait3A_128 = arith.constant 0 : i32
      %dma_wait3A_129 = tpu.memref_slice %arg2[%mul3A_37, %dma_wait3A_128] : memref<10240x64xf32, #tpu.memory_space<hbm>> -> memref<640x64xf32, #tpu.memory_space<hbm>>
      tpu.wait_dma2 semaphore(%run_scoped3A_121 : memref<!tpu.dma_semaphore, #tpu.memory_space<semaphore_mem>>) src(%dma_wait3A_129 : memref<640x64xf32, #tpu.memory_space<hbm>>) dst(%dma_wait3A_127 : memref<640x64xf32, #tpu.memory_space<vmem_shared>>)
      tpu.yield
    }) : () -> ()
    %run_scoped3A = arith.constant 0 : i32
    %run_scoped3A_40 = arith.constant 0 : i32
    "tpu.region"() ({
      %run_scoped3A_121 = tpu.sem_alloc : memref<!tpu.dma_semaphore, #tpu.memory_space<semaphore_mem>>
      %dma_start3A_122 = arith.constant 0 : i32
      %dma_start3A_123 = arith.constant 0 : i32
      %dma_start3A_124 = tpu.memref_slice %arg5[%run_scoped3A_40, %dma_start3A_122, %dma_start3A_123] : memref<2x16x128xi32, #tpu.memory_space<vmem>> -> memref<1x16x128xi32, #tpu.memory_space<vmem>>
      %dma_start3A_125 = tpu.memref_squeeze %dma_start3A_124 : memref<1x16x128xi32, #tpu.memory_space<vmem>> -> memref<16x128xi32, #tpu.memory_space<vmem>>
      %dma_start3A_126 = arith.constant 0 : i32
      %dma_start3A_127 = arith.constant 0 : i32
      %dma_start3A_128 = tpu.memref_slice %arg3[%run_scoped3A, %dma_start3A_126, %dma_start3A_127] : memref<2x2512x128xi32, #tpu.memory_space<hbm>> -> memref<1x2512x128xi32, #tpu.memory_space<hbm>>
      %dma_start3A_129 = tpu.memref_squeeze %dma_start3A_128 : memref<1x2512x128xi32, #tpu.memory_space<hbm>> -> memref<2512x128xi32, #tpu.memory_space<hbm>>
      %dma_start3A_130 = arith.constant 0 : i32
      %dma_start3A_131 = tpu.memref_slice %dma_start3A_129[%mul3A_17, %dma_start3A_130] : memref<2512x128xi32, #tpu.memory_space<hbm>> -> memref<16x128xi32, #tpu.memory_space<hbm>>
      %dma_start3A_132 = arith.constant 0 : i32
      %dma_start3A_133 = arith.constant 0 : i32
      %dma_start3A_134 = tpu.memref_slice %arg5[%run_scoped3A_40, %dma_start3A_132, %dma_start3A_133] : memref<2x16x128xi32, #tpu.memory_space<vmem>> -> memref<1x16x128xi32, #tpu.memory_space<vmem>>
      %dma_start3A_135 = tpu.memref_squeeze %dma_start3A_134 : memref<1x16x128xi32, #tpu.memory_space<vmem>> -> memref<16x128xi32, #tpu.memory_space<vmem>>
      %dma_start3A_136 = arith.constant 0 : i32
      %dma_start3A_137 = arith.constant 0 : i32
      %dma_start3A_138 = tpu.memref_slice %arg3[%run_scoped3A, %dma_start3A_136, %dma_start3A_137] : memref<2x2512x128xi32, #tpu.memory_space<hbm>> -> memref<1x2512x128xi32, #tpu.memory_space<hbm>>
      %dma_start3A_139 = tpu.memref_squeeze %dma_start3A_138 : memref<1x2512x128xi32, #tpu.memory_space<hbm>> -> memref<2512x128xi32, #tpu.memory_space<hbm>>
      %dma_start3A_140 = arith.constant 0 : i32
      %dma_start3A_141 = tpu.memref_slice %dma_start3A_139[%mul3A_17, %dma_start3A_140] : memref<2512x128xi32, #tpu.memory_space<hbm>> -> memref<16x128xi32, #tpu.memory_space<hbm>>
      tpu.enqueue_dma source(%dma_start3A_141 : memref<16x128xi32, #tpu.memory_space<hbm>>) target(%dma_start3A_135 : memref<16x128xi32, #tpu.memory_space<vmem>>) target_semaphore(%run_scoped3A_121 : memref<!tpu.dma_semaphore, #tpu.memory_space<semaphore_mem>>)
      %dma_wait3A_142 = arith.constant 0 : i32
      %dma_wait3A_143 = arith.constant 0 : i32
      %dma_wait3A_144 = tpu.memref_slice %arg5[%run_scoped3A_40, %dma_wait3A_142, %dma_wait3A_143] : memref<2x16x128xi32, #tpu.memory_space<vmem>> -> memref<1x16x128xi32, #tpu.memory_space<vmem>>
      %dma_wait3A_145 = tpu.memref_squeeze %dma_wait3A_144 : memref<1x16x128xi32, #tpu.memory_space<vmem>> -> memref<16x128xi32, #tpu.memory_space<vmem>>
      %dma_wait3A_146 = arith.constant 0 : i32
      %dma_wait3A_147 = arith.constant 0 : i32
      %dma_wait3A_148 = tpu.memref_slice %arg3[%run_scoped3A, %dma_wait3A_146, %dma_wait3A_147] : memref<2x2512x128xi32, #tpu.memory_space<hbm>> -> memref<1x2512x128xi32, #tpu.memory_space<hbm>>
      %dma_wait3A_149 = tpu.memref_squeeze %dma_wait3A_148 : memref<1x2512x128xi32, #tpu.memory_space<hbm>> -> memref<2512x128xi32, #tpu.memory_space<hbm>>
      %dma_wait3A_150 = arith.constant 0 : i32
      %dma_wait3A_151 = tpu.memref_slice %dma_wait3A_149[%mul3A_17, %dma_wait3A_150] : memref<2512x128xi32, #tpu.memory_space<hbm>> -> memref<16x128xi32, #tpu.memory_space<hbm>>
      %dma_wait3A_152 = arith.constant 0 : i32
      %dma_wait3A_153 = arith.constant 0 : i32
      %dma_wait3A_154 = tpu.memref_slice %arg5[%run_scoped3A_40, %dma_wait3A_152, %dma_wait3A_153] : memref<2x16x128xi32, #tpu.memory_space<vmem>> -> memref<1x16x128xi32, #tpu.memory_space<vmem>>
      %dma_wait3A_155 = tpu.memref_squeeze %dma_wait3A_154 : memref<1x16x128xi32, #tpu.memory_space<vmem>> -> memref<16x128xi32, #tpu.memory_space<vmem>>
      %dma_wait3A_156 = arith.constant 0 : i32
      %dma_wait3A_157 = arith.constant 0 : i32
      %dma_wait3A_158 = tpu.memref_slice %arg3[%run_scoped3A, %dma_wait3A_156, %dma_wait3A_157] : memref<2x2512x128xi32, #tpu.memory_space<hbm>> -> memref<1x2512x128xi32, #tpu.memory_space<hbm>>
      %dma_wait3A_159 = tpu.memref_squeeze %dma_wait3A_158 : memref<1x2512x128xi32, #tpu.memory_space<hbm>> -> memref<2512x128xi32, #tpu.memory_space<hbm>>
      %dma_wait3A_160 = arith.constant 0 : i32
      %dma_wait3A_161 = tpu.memref_slice %dma_wait3A_159[%mul3A_17, %dma_wait3A_160] : memref<2512x128xi32, #tpu.memory_space<hbm>> -> memref<16x128xi32, #tpu.memory_space<hbm>>
      tpu.wait_dma2 semaphore(%run_scoped3A_121 : memref<!tpu.dma_semaphore, #tpu.memory_space<semaphore_mem>>) src(%dma_wait3A_161 : memref<16x128xi32, #tpu.memory_space<hbm>>) dst(%dma_wait3A_155 : memref<16x128xi32, #tpu.memory_space<vmem>>)
      tpu.yield
    }) : () -> ()
    %run_scoped3A_41 = arith.constant 1 : i32
    %run_scoped3A_42 = arith.constant 0 : i32
    "tpu.region"() ({
      %run_scoped3A_121 = tpu.sem_alloc : memref<!tpu.dma_semaphore, #tpu.memory_space<semaphore_mem>>
      %dma_start3A_122 = arith.constant 0 : i32
      %dma_start3A_123 = arith.constant 0 : i32
      %dma_start3A_124 = tpu.memref_slice %arg6[%run_scoped3A_42, %dma_start3A_122, %dma_start3A_123] : memref<2x16x128xi32, #tpu.memory_space<vmem>> -> memref<1x16x128xi32, #tpu.memory_space<vmem>>
      %dma_start3A_125 = tpu.memref_squeeze %dma_start3A_124 : memref<1x16x128xi32, #tpu.memory_space<vmem>> -> memref<16x128xi32, #tpu.memory_space<vmem>>
      %dma_start3A_126 = arith.constant 0 : i32
      %dma_start3A_127 = arith.constant 0 : i32
      %dma_start3A_128 = tpu.memref_slice %arg3[%run_scoped3A_41, %dma_start3A_126, %dma_start3A_127] : memref<2x2512x128xi32, #tpu.memory_space<hbm>> -> memref<1x2512x128xi32, #tpu.memory_space<hbm>>
      %dma_start3A_129 = tpu.memref_squeeze %dma_start3A_128 : memref<1x2512x128xi32, #tpu.memory_space<hbm>> -> memref<2512x128xi32, #tpu.memory_space<hbm>>
      %dma_start3A_130 = arith.constant 0 : i32
      %dma_start3A_131 = tpu.memref_slice %dma_start3A_129[%mul3A_17, %dma_start3A_130] : memref<2512x128xi32, #tpu.memory_space<hbm>> -> memref<16x128xi32, #tpu.memory_space<hbm>>
      %dma_start3A_132 = arith.constant 0 : i32
      %dma_start3A_133 = arith.constant 0 : i32
      %dma_start3A_134 = tpu.memref_slice %arg6[%run_scoped3A_42, %dma_start3A_132, %dma_start3A_133] : memref<2x16x128xi32, #tpu.memory_space<vmem>> -> memref<1x16x128xi32, #tpu.memory_space<vmem>>
      %dma_start3A_135 = tpu.memref_squeeze %dma_start3A_134 : memref<1x16x128xi32, #tpu.memory_space<vmem>> -> memref<16x128xi32, #tpu.memory_space<vmem>>
      %dma_start3A_136 = arith.constant 0 : i32
      %dma_start3A_137 = arith.constant 0 : i32
      %dma_start3A_138 = tpu.memref_slice %arg3[%run_scoped3A_41, %dma_start3A_136, %dma_start3A_137] : memref<2x2512x128xi32, #tpu.memory_space<hbm>> -> memref<1x2512x128xi32, #tpu.memory_space<hbm>>
      %dma_start3A_139 = tpu.memref_squeeze %dma_start3A_138 : memref<1x2512x128xi32, #tpu.memory_space<hbm>> -> memref<2512x128xi32, #tpu.memory_space<hbm>>
      %dma_start3A_140 = arith.constant 0 : i32
      %dma_start3A_141 = tpu.memref_slice %dma_start3A_139[%mul3A_17, %dma_start3A_140] : memref<2512x128xi32, #tpu.memory_space<hbm>> -> memref<16x128xi32, #tpu.memory_space<hbm>>
      tpu.enqueue_dma source(%dma_start3A_141 : memref<16x128xi32, #tpu.memory_space<hbm>>) target(%dma_start3A_135 : memref<16x128xi32, #tpu.memory_space<vmem>>) target_semaphore(%run_scoped3A_121 : memref<!tpu.dma_semaphore, #tpu.memory_space<semaphore_mem>>)
      %dma_wait3A_142 = arith.constant 0 : i32
      %dma_wait3A_143 = arith.constant 0 : i32
      %dma_wait3A_144 = tpu.memref_slice %arg6[%run_scoped3A_42, %dma_wait3A_142, %dma_wait3A_143] : memref<2x16x128xi32, #tpu.memory_space<vmem>> -> memref<1x16x128xi32, #tpu.memory_space<vmem>>
      %dma_wait3A_145 = tpu.memref_squeeze %dma_wait3A_144 : memref<1x16x128xi32, #tpu.memory_space<vmem>> -> memref<16x128xi32, #tpu.memory_space<vmem>>
      %dma_wait3A_146 = arith.constant 0 : i32
      %dma_wait3A_147 = arith.constant 0 : i32
      %dma_wait3A_148 = tpu.memref_slice %arg3[%run_scoped3A_41, %dma_wait3A_146, %dma_wait3A_147] : memref<2x2512x128xi32, #tpu.memory_space<hbm>> -> memref<1x2512x128xi32, #tpu.memory_space<hbm>>
      %dma_wait3A_149 = tpu.memref_squeeze %dma_wait3A_148 : memref<1x2512x128xi32, #tpu.memory_space<hbm>> -> memref<2512x128xi32, #tpu.memory_space<hbm>>
      %dma_wait3A_150 = arith.constant 0 : i32
      %dma_wait3A_151 = tpu.memref_slice %dma_wait3A_149[%mul3A_17, %dma_wait3A_150] : memref<2512x128xi32, #tpu.memory_space<hbm>> -> memref<16x128xi32, #tpu.memory_space<hbm>>
      %dma_wait3A_152 = arith.constant 0 : i32
      %dma_wait3A_153 = arith.constant 0 : i32
      %dma_wait3A_154 = tpu.memref_slice %arg6[%run_scoped3A_42, %dma_wait3A_152, %dma_wait3A_153] : memref<2x16x128xi32, #tpu.memory_space<vmem>> -> memref<1x16x128xi32, #tpu.memory_space<vmem>>
      %dma_wait3A_155 = tpu.memref_squeeze %dma_wait3A_154 : memref<1x16x128xi32, #tpu.memory_space<vmem>> -> memref<16x128xi32, #tpu.memory_space<vmem>>
      %dma_wait3A_156 = arith.constant 0 : i32
      %dma_wait3A_157 = arith.constant 0 : i32
      %dma_wait3A_158 = tpu.memref_slice %arg3[%run_scoped3A_41, %dma_wait3A_156, %dma_wait3A_157] : memref<2x2512x128xi32, #tpu.memory_space<hbm>> -> memref<1x2512x128xi32, #tpu.memory_space<hbm>>
      %dma_wait3A_159 = tpu.memref_squeeze %dma_wait3A_158 : memref<1x2512x128xi32, #tpu.memory_space<hbm>> -> memref<2512x128xi32, #tpu.memory_space<hbm>>
      %dma_wait3A_160 = arith.constant 0 : i32
      %dma_wait3A_161 = tpu.memref_slice %dma_wait3A_159[%mul3A_17, %dma_wait3A_160] : memref<2512x128xi32, #tpu.memory_space<hbm>> -> memref<16x128xi32, #tpu.memory_space<hbm>>
      tpu.wait_dma2 semaphore(%run_scoped3A_121 : memref<!tpu.dma_semaphore, #tpu.memory_space<semaphore_mem>>) src(%dma_wait3A_161 : memref<16x128xi32, #tpu.memory_space<hbm>>) dst(%dma_wait3A_155 : memref<16x128xi32, #tpu.memory_space<vmem>>)
      tpu.yield
    }) : () -> ()
    %barrier3A = arith.constant 0 : index
    tpu.barrier barrier_id(%barrier3A)
    %dma_start3A = arith.constant 0 : i32
    %dma_start3A_43 = arith.constant 0 : i32
    %dma_start3A_44 = arith.constant 0 : i32
    %dma_start3A_45 = tpu.memref_slice %arg5[%dma_start3A, %dma_start3A_43, %dma_start3A_44] : memref<2x16x128xi32, #tpu.memory_space<vmem>> -> memref<1x1x128xi32, #tpu.memory_space<vmem>>
    %dma_start3A_46 = tpu.memref_squeeze %dma_start3A_45 : memref<1x1x128xi32, #tpu.memory_space<vmem>> -> memref<128xi32, #tpu.memory_space<vmem>>
    %dma_start3A_47 = arith.constant 0 : i32
    %dma_start3A_48 = arith.constant 0 : i32
    %dma_start3A_49 = tpu.memref_slice %arg2[%dma_start3A_47, %dma_start3A_48] : memref<10240x64xf32, #tpu.memory_space<hbm>> -> memref<10240x64xf32, #tpu.memory_space<hbm>>
    tpu.enqueue_indirect_dma source(%dma_start3A_49 : memref<10240x64xf32, #tpu.memory_space<hbm>>) target(%arg7 : memref<128x64xf32, #tpu.memory_space<vmem>>) offsets(%dma_start3A_46 : memref<128xi32, #tpu.memory_space<vmem>>) semaphore(%arg10 : memref<!tpu.dma_semaphore, #tpu.memory_space<semaphore_mem>>)
    %dma_start3A_50 = arith.constant 0 : i32
    %dma_start3A_51 = arith.constant 1 : i32
    %dma_start3A_52 = arith.constant 0 : i32
    %dma_start3A_53 = tpu.memref_slice %arg5[%dma_start3A_50, %dma_start3A_51, %dma_start3A_52] : memref<2x16x128xi32, #tpu.memory_space<vmem>> -> memref<1x1x128xi32, #tpu.memory_space<vmem>>
    %dma_start3A_54 = tpu.memref_squeeze %dma_start3A_53 : memref<1x1x128xi32, #tpu.memory_space<vmem>> -> memref<128xi32, #tpu.memory_space<vmem>>
    %dma_start3A_55 = arith.constant 0 : i32
    %dma_start3A_56 = arith.constant 0 : i32
    %dma_start3A_57 = tpu.memref_slice %arg2[%dma_start3A_55, %dma_start3A_56] : memref<10240x64xf32, #tpu.memory_space<hbm>> -> memref<10240x64xf32, #tpu.memory_space<hbm>>
    tpu.enqueue_indirect_dma source(%dma_start3A_57 : memref<10240x64xf32, #tpu.memory_space<hbm>>) target(%arg8 : memref<128x64xf32, #tpu.memory_space<vmem>>) offsets(%dma_start3A_54 : memref<128xi32, #tpu.memory_space<vmem>>) semaphore(%arg11 : memref<!tpu.dma_semaphore, #tpu.memory_space<semaphore_mem>>)
    %while3A = arith.constant 0 : i32
    %while3A_58 = arith.constant 1 : i32
    %while3A_59 = arith.constant 0 : i32
    %while3A_60 = arith.constant 0 : i32
    %while3A_61 = arith.subi %select_n3A_35, %while3A_59 : i32
    %while3A_62 = arith.addi %while3A_59, %while3A_61 : i32
    %while3A_63 = arith.constant 1 : i32
    %while3A_64 = arith.divsi %while3A_61, %while3A_63 : i32
    %while3A_65 = arith.muli %while3A_64, %while3A_63 : i32
    %while3A_66 = arith.addi %while3A_59, %while3A_65 : i32
    %while3A_67 = arith.constant 1 : i32
    %while3A_68 = scf.for %while3A_121 = %while3A_59 to %while3A_66 step %while3A_67 iter_args(%while3A_122 = %while3A_60) -> (i32)  : i32 {
      %jit3A_123 = arith.constant 8 : i32
      %div3A_124 = arith.divsi %while3A_121, %jit3A_123 : i32
      %sign3A_125 = arith.constant 0 : i32
      %sign3A_126 = arith.cmpi sgt, %while3A_121, %sign3A_125 : i32
      %sign3A_127 = arith.extui %sign3A_126 : i1 to i32
      %sign3A_128 = arith.constant 0 : i32
      %sign3A_129 = arith.cmpi slt, %while3A_121, %sign3A_128 : i32
      %sign3A_130 = arith.extui %sign3A_129 : i1 to i32
      %sign3A_131 = arith.subi %sign3A_127, %sign3A_130 : i32
      %sign3A_132 = arith.constant 0 : i32
      %sign3A_133 = arith.cmpi sgt, %jit3A_123, %sign3A_132 : i32
      %sign3A_134 = arith.extui %sign3A_133 : i1 to i32
      %sign3A_135 = arith.constant 0 : i32
      %sign3A_136 = arith.cmpi slt, %jit3A_123, %sign3A_135 : i32
      %sign3A_137 = arith.extui %sign3A_136 : i1 to i32
      %sign3A_138 = arith.subi %sign3A_134, %sign3A_137 : i32
      %ne3A_139 = arith.cmpi ne, %sign3A_131, %sign3A_138 : i32
      %rem3A_140 = arith.remsi %while3A_121, %jit3A_123 : i32
      %ne3A_141 = arith.constant 0 : i32
      %ne3A_142 = arith.cmpi ne, %rem3A_140, %ne3A_141 : i32
      %and3A_143 = arith.andi %ne3A_139, %ne3A_142 : i1
      %sub3A_144 = arith.constant 1 : i32
      %sub3A_145 = arith.subi %div3A_124, %sub3A_144 : i32
      %select_n3A_146 = arith.select %and3A_143, %sub3A_145, %div3A_124 : i32
      %rem3A_147 = arith.constant 2 : i32
      %rem3A_148 = arith.remsi %select_n3A_146, %rem3A_147 : i32
      %rem3A_149 = arith.constant 8 : i32
      %rem3A_150 = arith.remsi %while3A_121, %rem3A_149 : i32
      %mul3A_151 = arith.constant 2 : i32
      %mul3A_152 = arith.muli %rem3A_150, %mul3A_151 : i32
      %add3A_153 = arith.constant 1 : i32
      %add3A_154 = arith.addi %select_n3A_146, %add3A_153 : i32
      %mul3A_155 = arith.constant 16 : i32
      %mul3A_156 = arith.muli %add3A_154, %mul3A_155 : i32
      %add3A_157 = arith.addi %mul3A_17, %mul3A_156 : i32
      %eq3A_158 = arith.constant 0 : i32
      %eq3A_159 = arith.cmpi eq, %mul3A_152, %eq3A_158 : i32
      %add3A_160 = arith.constant 1 : i32
      %add3A_161 = arith.addi %select_n3A_146, %add3A_160 : i32
      %mul3A_162 = arith.constant 16 : i32
      %mul3A_163 = arith.muli %add3A_161, %mul3A_162 : i32
      %lt3A_164 = arith.cmpi slt, %mul3A_163, %add3A_11 : i32
      %and3A_165 = arith.andi %eq3A_159, %lt3A_164 : i1
      %convert_element_type3A = arith.extui %and3A_165 : i1 to i32
      %cond3A = arith.constant 0 : i32
      %cond3A_166 = arith.cmpi ne, %convert_element_type3A, %cond3A : i32
      scf.if %cond3A_166 {
        %sub3A_263 = arith.constant 1 : i32
        %sub3A_264 = arith.subi %sub3A_263, %rem3A_148 : i32
        %dma_start3A_265 = arith.constant 0 : i32
        %dma_start3A_266 = arith.constant 0 : i32
        %dma_start3A_267 = tpu.memref_slice %arg5[%sub3A_264, %dma_start3A_265, %dma_start3A_266] : memref<2x16x128xi32, #tpu.memory_space<vmem>> -> memref<1x16x128xi32, #tpu.memory_space<vmem>>
        %dma_start3A_268 = tpu.memref_squeeze %dma_start3A_267 : memref<1x16x128xi32, #tpu.memory_space<vmem>> -> memref<16x128xi32, #tpu.memory_space<vmem>>
        %dma_start3A_269 = arith.constant 0 : i32
        %dma_start3A_270 = arith.constant 0 : i32
        %dma_start3A_271 = tpu.memref_slice %arg3[%while3A, %dma_start3A_269, %dma_start3A_270] : memref<2x2512x128xi32, #tpu.memory_space<hbm>> -> memref<1x2512x128xi32, #tpu.memory_space<hbm>>
        %dma_start3A_272 = tpu.memref_squeeze %dma_start3A_271 : memref<1x2512x128xi32, #tpu.memory_space<hbm>> -> memref<2512x128xi32, #tpu.memory_space<hbm>>
        %dma_start3A_273 = arith.constant 0 : i32
        %dma_start3A_274 = tpu.memref_slice %dma_start3A_272[%add3A_157, %dma_start3A_273] : memref<2512x128xi32, #tpu.memory_space<hbm>> -> memref<16x128xi32, #tpu.memory_space<hbm>>
        %dma_start3A_275 = arith.constant 0 : i32
        %dma_start3A_276 = arith.constant 0 : i32
        %dma_start3A_277 = tpu.memref_slice %arg5[%sub3A_264, %dma_start3A_275, %dma_start3A_276] : memref<2x16x128xi32, #tpu.memory_space<vmem>> -> memref<1x16x128xi32, #tpu.memory_space<vmem>>
        %dma_start3A_278 = tpu.memref_squeeze %dma_start3A_277 : memref<1x16x128xi32, #tpu.memory_space<vmem>> -> memref<16x128xi32, #tpu.memory_space<vmem>>
        %dma_start3A_279 = arith.constant 0 : i32
        %dma_start3A_280 = arith.constant 0 : i32
        %dma_start3A_281 = tpu.memref_slice %arg3[%while3A, %dma_start3A_279, %dma_start3A_280] : memref<2x2512x128xi32, #tpu.memory_space<hbm>> -> memref<1x2512x128xi32, #tpu.memory_space<hbm>>
        %dma_start3A_282 = tpu.memref_squeeze %dma_start3A_281 : memref<1x2512x128xi32, #tpu.memory_space<hbm>> -> memref<2512x128xi32, #tpu.memory_space<hbm>>
        %dma_start3A_283 = arith.constant 0 : i32
        %dma_start3A_284 = tpu.memref_slice %dma_start3A_282[%add3A_157, %dma_start3A_283] : memref<2512x128xi32, #tpu.memory_space<hbm>> -> memref<16x128xi32, #tpu.memory_space<hbm>>
        tpu.enqueue_dma source(%dma_start3A_284 : memref<16x128xi32, #tpu.memory_space<hbm>>) target(%dma_start3A_278 : memref<16x128xi32, #tpu.memory_space<vmem>>) target_semaphore(%arg14 : memref<!tpu.dma_semaphore, #tpu.memory_space<semaphore_mem>>)
        %dma_start3A_285 = arith.constant 0 : i32
        %dma_start3A_286 = arith.constant 0 : i32
        %dma_start3A_287 = tpu.memref_slice %arg6[%sub3A_264, %dma_start3A_285, %dma_start3A_286] : memref<2x16x128xi32, #tpu.memory_space<vmem>> -> memref<1x16x128xi32, #tpu.memory_space<vmem>>
        %dma_start3A_288 = tpu.memref_squeeze %dma_start3A_287 : memref<1x16x128xi32, #tpu.memory_space<vmem>> -> memref<16x128xi32, #tpu.memory_space<vmem>>
        %dma_start3A_289 = arith.constant 0 : i32
        %dma_start3A_290 = arith.constant 0 : i32
        %dma_start3A_291 = tpu.memref_slice %arg3[%while3A_58, %dma_start3A_289, %dma_start3A_290] : memref<2x2512x128xi32, #tpu.memory_space<hbm>> -> memref<1x2512x128xi32, #tpu.memory_space<hbm>>
        %dma_start3A_292 = tpu.memref_squeeze %dma_start3A_291 : memref<1x2512x128xi32, #tpu.memory_space<hbm>> -> memref<2512x128xi32, #tpu.memory_space<hbm>>
        %dma_start3A_293 = arith.constant 0 : i32
        %dma_start3A_294 = tpu.memref_slice %dma_start3A_292[%add3A_157, %dma_start3A_293] : memref<2512x128xi32, #tpu.memory_space<hbm>> -> memref<16x128xi32, #tpu.memory_space<hbm>>
        %dma_start3A_295 = arith.constant 0 : i32
        %dma_start3A_296 = arith.constant 0 : i32
        %dma_start3A_297 = tpu.memref_slice %arg6[%sub3A_264, %dma_start3A_295, %dma_start3A_296] : memref<2x16x128xi32, #tpu.memory_space<vmem>> -> memref<1x16x128xi32, #tpu.memory_space<vmem>>
        %dma_start3A_298 = tpu.memref_squeeze %dma_start3A_297 : memref<1x16x128xi32, #tpu.memory_space<vmem>> -> memref<16x128xi32, #tpu.memory_space<vmem>>
        %dma_start3A_299 = arith.constant 0 : i32
        %dma_start3A_300 = arith.constant 0 : i32
        %dma_start3A_301 = tpu.memref_slice %arg3[%while3A_58, %dma_start3A_299, %dma_start3A_300] : memref<2x2512x128xi32, #tpu.memory_space<hbm>> -> memref<1x2512x128xi32, #tpu.memory_space<hbm>>
        %dma_start3A_302 = tpu.memref_squeeze %dma_start3A_301 : memref<1x2512x128xi32, #tpu.memory_space<hbm>> -> memref<2512x128xi32, #tpu.memory_space<hbm>>
        %dma_start3A_303 = arith.constant 0 : i32
        %dma_start3A_304 = tpu.memref_slice %dma_start3A_302[%add3A_157, %dma_start3A_303] : memref<2512x128xi32, #tpu.memory_space<hbm>> -> memref<16x128xi32, #tpu.memory_space<hbm>>
        tpu.enqueue_dma source(%dma_start3A_304 : memref<16x128xi32, #tpu.memory_space<hbm>>) target(%dma_start3A_298 : memref<16x128xi32, #tpu.memory_space<vmem>>) target_semaphore(%arg14 : memref<!tpu.dma_semaphore, #tpu.memory_space<semaphore_mem>>)
      } else {
      }
      %dma_wait3A_167 = arith.constant 0 : i32
      %dma_wait3A_168 = tpu.memref_slice %arg5[%rem3A_148, %mul3A_152, %dma_wait3A_167] : memref<2x16x128xi32, #tpu.memory_space<vmem>> -> memref<1x1x128xi32, #tpu.memory_space<vmem>>
      %dma_wait3A_169 = tpu.memref_squeeze %dma_wait3A_168 : memref<1x1x128xi32, #tpu.memory_space<vmem>> -> memref<128xi32, #tpu.memory_space<vmem>>
      %dma_wait3A_170 = arith.constant 0 : i32
      %dma_wait3A_171 = arith.constant 0 : i32
      %dma_wait3A_172 = tpu.memref_slice %arg2[%dma_wait3A_170, %dma_wait3A_171] : memref<10240x64xf32, #tpu.memory_space<hbm>> -> memref<10240x64xf32, #tpu.memory_space<hbm>>
      tpu.wait_indirect_dma semaphore(%arg10 : memref<!tpu.dma_semaphore, #tpu.memory_space<semaphore_mem>>) src(%dma_wait3A_172 : memref<10240x64xf32, #tpu.memory_space<hbm>>) dst(%arg7 : memref<128x64xf32, #tpu.memory_space<vmem>>)
      %dma_start3A_173 = arith.constant 0 : i32
      %dma_start3A_174 = tpu.memref_slice %arg6[%rem3A_148, %mul3A_152, %dma_start3A_173] : memref<2x16x128xi32, #tpu.memory_space<vmem>> -> memref<1x1x128xi32, #tpu.memory_space<vmem>>
      %dma_start3A_175 = tpu.memref_squeeze %dma_start3A_174 : memref<1x1x128xi32, #tpu.memory_space<vmem>> -> memref<128xi32, #tpu.memory_space<vmem>>
      %dma_start3A_176 = arith.constant 0 : i32
      %dma_start3A_177 = arith.constant 0 : i32
      %dma_start3A_178 = tpu.memref_slice %arg9[%dma_start3A_176, %dma_start3A_177] : memref<10240x64xf32, #tpu.memory_space<vmem_shared>> -> memref<10240x64xf32, #tpu.memory_space<vmem_shared>>
      tpu.enqueue_indirect_dma source(%arg7 : memref<128x64xf32, #tpu.memory_space<vmem>>) target(%dma_start3A_178 : memref<10240x64xf32, #tpu.memory_space<vmem_shared>>) offsets(%dma_start3A_175 : memref<128xi32, #tpu.memory_space<vmem>>) semaphore(%arg12 : memref<!tpu.dma_semaphore, #tpu.memory_space<semaphore_mem>>) {add = true}
      %add3A_179 = arith.constant 1 : i32
      %add3A_180 = arith.addi %mul3A_152, %add3A_179 : i32
      %dma_wait3A_181 = arith.constant 0 : i32
      %dma_wait3A_182 = tpu.memref_slice %arg5[%rem3A_148, %add3A_180, %dma_wait3A_181] : memref<2x16x128xi32, #tpu.memory_space<vmem>> -> memref<1x1x128xi32, #tpu.memory_space<vmem>>
      %dma_wait3A_183 = tpu.memref_squeeze %dma_wait3A_182 : memref<1x1x128xi32, #tpu.memory_space<vmem>> -> memref<128xi32, #tpu.memory_space<vmem>>
      %dma_wait3A_184 = arith.constant 0 : i32
      %dma_wait3A_185 = arith.constant 0 : i32
      %dma_wait3A_186 = tpu.memref_slice %arg2[%dma_wait3A_184, %dma_wait3A_185] : memref<10240x64xf32, #tpu.memory_space<hbm>> -> memref<10240x64xf32, #tpu.memory_space<hbm>>
      tpu.wait_indirect_dma semaphore(%arg11 : memref<!tpu.dma_semaphore, #tpu.memory_space<semaphore_mem>>) src(%dma_wait3A_186 : memref<10240x64xf32, #tpu.memory_space<hbm>>) dst(%arg8 : memref<128x64xf32, #tpu.memory_space<vmem>>)
      %add3A_187 = arith.constant 1 : i32
      %add3A_188 = arith.addi %mul3A_152, %add3A_187 : i32
      %dma_start3A_189 = arith.constant 0 : i32
      %dma_start3A_190 = tpu.memref_slice %arg6[%rem3A_148, %add3A_188, %dma_start3A_189] : memref<2x16x128xi32, #tpu.memory_space<vmem>> -> memref<1x1x128xi32, #tpu.memory_space<vmem>>
      %dma_start3A_191 = tpu.memref_squeeze %dma_start3A_190 : memref<1x1x128xi32, #tpu.memory_space<vmem>> -> memref<128xi32, #tpu.memory_space<vmem>>
      %dma_start3A_192 = arith.constant 0 : i32
      %dma_start3A_193 = arith.constant 0 : i32
      %dma_start3A_194 = tpu.memref_slice %arg9[%dma_start3A_192, %dma_start3A_193] : memref<10240x64xf32, #tpu.memory_space<vmem_shared>> -> memref<10240x64xf32, #tpu.memory_space<vmem_shared>>
      tpu.enqueue_indirect_dma source(%arg8 : memref<128x64xf32, #tpu.memory_space<vmem>>) target(%dma_start3A_194 : memref<10240x64xf32, #tpu.memory_space<vmem_shared>>) offsets(%dma_start3A_191 : memref<128xi32, #tpu.memory_space<vmem>>) semaphore(%arg13 : memref<!tpu.dma_semaphore, #tpu.memory_space<semaphore_mem>>) {add = true}
      %add3A_195 = arith.constant 1 : i32
      %add3A_196 = arith.addi %while3A_121, %add3A_195 : i32
      %sub3A_197 = arith.constant 1 : i32
      %sub3A_198 = arith.subi %select_n3A_35, %sub3A_197 : i32
      %min3A_199 = arith.minsi %add3A_196, %sub3A_198 : i32
      %jit3A_200 = arith.constant 8 : i32
      %div3A_201 = arith.divsi %min3A_199, %jit3A_200 : i32
      %sign3A_202 = arith.constant 0 : i32
      %sign3A_203 = arith.cmpi sgt, %min3A_199, %sign3A_202 : i32
      %sign3A_204 = arith.extui %sign3A_203 : i1 to i32
      %sign3A_205 = arith.constant 0 : i32
      %sign3A_206 = arith.cmpi slt, %min3A_199, %sign3A_205 : i32
      %sign3A_207 = arith.extui %sign3A_206 : i1 to i32
      %sign3A_208 = arith.subi %sign3A_204, %sign3A_207 : i32
      %sign3A_209 = arith.constant 0 : i32
      %sign3A_210 = arith.cmpi sgt, %jit3A_200, %sign3A_209 : i32
      %sign3A_211 = arith.extui %sign3A_210 : i1 to i32
      %sign3A_212 = arith.constant 0 : i32
      %sign3A_213 = arith.cmpi slt, %jit3A_200, %sign3A_212 : i32
      %sign3A_214 = arith.extui %sign3A_213 : i1 to i32
      %sign3A_215 = arith.subi %sign3A_211, %sign3A_214 : i32
      %ne3A_216 = arith.cmpi ne, %sign3A_208, %sign3A_215 : i32
      %rem3A_217 = arith.remsi %min3A_199, %jit3A_200 : i32
      %ne3A_218 = arith.constant 0 : i32
      %ne3A_219 = arith.cmpi ne, %rem3A_217, %ne3A_218 : i32
      %and3A_220 = arith.andi %ne3A_216, %ne3A_219 : i1
      %sub3A_221 = arith.constant 1 : i32
      %sub3A_222 = arith.subi %div3A_201, %sub3A_221 : i32
      %select_n3A_223 = arith.select %and3A_220, %sub3A_222, %div3A_201 : i32
      %rem3A_224 = arith.constant 2 : i32
      %rem3A_225 = arith.remsi %select_n3A_223, %rem3A_224 : i32
      %rem3A_226 = arith.constant 8 : i32
      %rem3A_227 = arith.remsi %min3A_199, %rem3A_226 : i32
      %mul3A_228 = arith.constant 2 : i32
      %mul3A_229 = arith.muli %rem3A_227, %mul3A_228 : i32
      %ne3A_230 = arith.cmpi ne, %select_n3A_223, %select_n3A_146 : i32
      %convert_element_type3A_231 = arith.extui %ne3A_230 : i1 to i32
      %cond3A_232 = arith.constant 0 : i32
      %cond3A_233 = arith.cmpi ne, %convert_element_type3A_231, %cond3A_232 : i32
      scf.if %cond3A_233 {
        %dma_wait3A_263 = arith.constant 0 : i32
        %dma_wait3A_264 = arith.constant 0 : i32
        %dma_wait3A_265 = tpu.memref_slice %arg5[%rem3A_225, %dma_wait3A_263, %dma_wait3A_264] : memref<2x16x128xi32, #tpu.memory_space<vmem>> -> memref<1x16x128xi32, #tpu.memory_space<vmem>>
        %dma_wait3A_266 = tpu.memref_squeeze %dma_wait3A_265 : memref<1x16x128xi32, #tpu.memory_space<vmem>> -> memref<16x128xi32, #tpu.memory_space<vmem>>
        %dma_wait3A_267 = arith.constant 0 : i32
        %dma_wait3A_268 = arith.constant 0 : i32
        %dma_wait3A_269 = tpu.memref_slice %arg3[%while3A, %dma_wait3A_267, %dma_wait3A_268] : memref<2x2512x128xi32, #tpu.memory_space<hbm>> -> memref<1x2512x128xi32, #tpu.memory_space<hbm>>
        %dma_wait3A_270 = tpu.memref_squeeze %dma_wait3A_269 : memref<1x2512x128xi32, #tpu.memory_space<hbm>> -> memref<2512x128xi32, #tpu.memory_space<hbm>>
        %dma_wait3A_271 = arith.constant 0 : i32
        %dma_wait3A_272 = tpu.memref_slice %dma_wait3A_270[%add3A_157, %dma_wait3A_271] : memref<2512x128xi32, #tpu.memory_space<hbm>> -> memref<16x128xi32, #tpu.memory_space<hbm>>
        %dma_wait3A_273 = arith.constant 0 : i32
        %dma_wait3A_274 = arith.constant 0 : i32
        %dma_wait3A_275 = tpu.memref_slice %arg5[%rem3A_225, %dma_wait3A_273, %dma_wait3A_274] : memref<2x16x128xi32, #tpu.memory_space<vmem>> -> memref<1x16x128xi32, #tpu.memory_space<vmem>>
        %dma_wait3A_276 = tpu.memref_squeeze %dma_wait3A_275 : memref<1x16x128xi32, #tpu.memory_space<vmem>> -> memref<16x128xi32, #tpu.memory_space<vmem>>
        %dma_wait3A_277 = arith.constant 0 : i32
        %dma_wait3A_278 = arith.constant 0 : i32
        %dma_wait3A_279 = tpu.memref_slice %arg3[%while3A, %dma_wait3A_277, %dma_wait3A_278] : memref<2x2512x128xi32, #tpu.memory_space<hbm>> -> memref<1x2512x128xi32, #tpu.memory_space<hbm>>
        %dma_wait3A_280 = tpu.memref_squeeze %dma_wait3A_279 : memref<1x2512x128xi32, #tpu.memory_space<hbm>> -> memref<2512x128xi32, #tpu.memory_space<hbm>>
        %dma_wait3A_281 = arith.constant 0 : i32
        %dma_wait3A_282 = tpu.memref_slice %dma_wait3A_280[%add3A_157, %dma_wait3A_281] : memref<2512x128xi32, #tpu.memory_space<hbm>> -> memref<16x128xi32, #tpu.memory_space<hbm>>
        tpu.wait_dma2 semaphore(%arg14 : memref<!tpu.dma_semaphore, #tpu.memory_space<semaphore_mem>>) src(%dma_wait3A_282 : memref<16x128xi32, #tpu.memory_space<hbm>>) dst(%dma_wait3A_276 : memref<16x128xi32, #tpu.memory_space<vmem>>)
        %dma_wait3A_283 = arith.constant 0 : i32
        %dma_wait3A_284 = arith.constant 0 : i32
        %dma_wait3A_285 = tpu.memref_slice %arg6[%rem3A_225, %dma_wait3A_283, %dma_wait3A_284] : memref<2x16x128xi32, #tpu.memory_space<vmem>> -> memref<1x16x128xi32, #tpu.memory_space<vmem>>
        %dma_wait3A_286 = tpu.memref_squeeze %dma_wait3A_285 : memref<1x16x128xi32, #tpu.memory_space<vmem>> -> memref<16x128xi32, #tpu.memory_space<vmem>>
        %dma_wait3A_287 = arith.constant 0 : i32
        %dma_wait3A_288 = arith.constant 0 : i32
        %dma_wait3A_289 = tpu.memref_slice %arg3[%while3A_58, %dma_wait3A_287, %dma_wait3A_288] : memref<2x2512x128xi32, #tpu.memory_space<hbm>> -> memref<1x2512x128xi32, #tpu.memory_space<hbm>>
        %dma_wait3A_290 = tpu.memref_squeeze %dma_wait3A_289 : memref<1x2512x128xi32, #tpu.memory_space<hbm>> -> memref<2512x128xi32, #tpu.memory_space<hbm>>
        %dma_wait3A_291 = arith.constant 0 : i32
        %dma_wait3A_292 = tpu.memref_slice %dma_wait3A_290[%add3A_157, %dma_wait3A_291] : memref<2512x128xi32, #tpu.memory_space<hbm>> -> memref<16x128xi32, #tpu.memory_space<hbm>>
        %dma_wait3A_293 = arith.constant 0 : i32
        %dma_wait3A_294 = arith.constant 0 : i32
        %dma_wait3A_295 = tpu.memref_slice %arg6[%rem3A_225, %dma_wait3A_293, %dma_wait3A_294] : memref<2x16x128xi32, #tpu.memory_space<vmem>> -> memref<1x16x128xi32, #tpu.memory_space<vmem>>
        %dma_wait3A_296 = tpu.memref_squeeze %dma_wait3A_295 : memref<1x16x128xi32, #tpu.memory_space<vmem>> -> memref<16x128xi32, #tpu.memory_space<vmem>>
        %dma_wait3A_297 = arith.constant 0 : i32
        %dma_wait3A_298 = arith.constant 0 : i32
        %dma_wait3A_299 = tpu.memref_slice %arg3[%while3A_58, %dma_wait3A_297, %dma_wait3A_298] : memref<2x2512x128xi32, #tpu.memory_space<hbm>> -> memref<1x2512x128xi32, #tpu.memory_space<hbm>>
        %dma_wait3A_300 = tpu.memref_squeeze %dma_wait3A_299 : memref<1x2512x128xi32, #tpu.memory_space<hbm>> -> memref<2512x128xi32, #tpu.memory_space<hbm>>
        %dma_wait3A_301 = arith.constant 0 : i32
        %dma_wait3A_302 = tpu.memref_slice %dma_wait3A_300[%add3A_157, %dma_wait3A_301] : memref<2512x128xi32, #tpu.memory_space<hbm>> -> memref<16x128xi32, #tpu.memory_space<hbm>>
        tpu.wait_dma2 semaphore(%arg14 : memref<!tpu.dma_semaphore, #tpu.memory_space<semaphore_mem>>) src(%dma_wait3A_302 : memref<16x128xi32, #tpu.memory_space<hbm>>) dst(%dma_wait3A_296 : memref<16x128xi32, #tpu.memory_space<vmem>>)
      } else {
      }
      %dma_wait3A_234 = arith.constant 0 : i32
      %dma_wait3A_235 = tpu.memref_slice %arg6[%rem3A_148, %mul3A_152, %dma_wait3A_234] : memref<2x16x128xi32, #tpu.memory_space<vmem>> -> memref<1x1x128xi32, #tpu.memory_space<vmem>>
      %dma_wait3A_236 = tpu.memref_squeeze %dma_wait3A_235 : memref<1x1x128xi32, #tpu.memory_space<vmem>> -> memref<128xi32, #tpu.memory_space<vmem>>
      %dma_wait3A_237 = arith.constant 0 : i32
      %dma_wait3A_238 = arith.constant 0 : i32
      %dma_wait3A_239 = tpu.memref_slice %arg9[%dma_wait3A_237, %dma_wait3A_238] : memref<10240x64xf32, #tpu.memory_space<vmem_shared>> -> memref<10240x64xf32, #tpu.memory_space<vmem_shared>>
      tpu.wait_indirect_dma semaphore(%arg12 : memref<!tpu.dma_semaphore, #tpu.memory_space<semaphore_mem>>) src(%arg7 : memref<128x64xf32, #tpu.memory_space<vmem>>) dst(%dma_wait3A_239 : memref<10240x64xf32, #tpu.memory_space<vmem_shared>>)
      %dma_start3A_240 = arith.constant 0 : i32
      %dma_start3A_241 = tpu.memref_slice %arg5[%rem3A_225, %mul3A_229, %dma_start3A_240] : memref<2x16x128xi32, #tpu.memory_space<vmem>> -> memref<1x1x128xi32, #tpu.memory_space<vmem>>
      %dma_start3A_242 = tpu.memref_squeeze %dma_start3A_241 : memref<1x1x128xi32, #tpu.memory_space<vmem>> -> memref<128xi32, #tpu.memory_space<vmem>>
      %dma_start3A_243 = arith.constant 0 : i32
      %dma_start3A_244 = arith.constant 0 : i32
      %dma_start3A_245 = tpu.memref_slice %arg2[%dma_start3A_243, %dma_start3A_244] : memref<10240x64xf32, #tpu.memory_space<hbm>> -> memref<10240x64xf32, #tpu.memory_space<hbm>>
      tpu.enqueue_indirect_dma source(%dma_start3A_245 : memref<10240x64xf32, #tpu.memory_space<hbm>>) target(%arg7 : memref<128x64xf32, #tpu.memory_space<vmem>>) offsets(%dma_start3A_242 : memref<128xi32, #tpu.memory_space<vmem>>) semaphore(%arg10 : memref<!tpu.dma_semaphore, #tpu.memory_space<semaphore_mem>>)
      %add3A_246 = arith.constant 1 : i32
      %add3A_247 = arith.addi %mul3A_152, %add3A_246 : i32
      %dma_wait3A_248 = arith.constant 0 : i32
      %dma_wait3A_249 = tpu.memref_slice %arg6[%rem3A_148, %add3A_247, %dma_wait3A_248] : memref<2x16x128xi32, #tpu.memory_space<vmem>> -> memref<1x1x128xi32, #tpu.memory_space<vmem>>
      %dma_wait3A_250 = tpu.memref_squeeze %dma_wait3A_249 : memref<1x1x128xi32, #tpu.memory_space<vmem>> -> memref<128xi32, #tpu.memory_space<vmem>>
      %dma_wait3A_251 = arith.constant 0 : i32
      %dma_wait3A_252 = arith.constant 0 : i32
      %dma_wait3A_253 = tpu.memref_slice %arg9[%dma_wait3A_251, %dma_wait3A_252] : memref<10240x64xf32, #tpu.memory_space<vmem_shared>> -> memref<10240x64xf32, #tpu.memory_space<vmem_shared>>
      tpu.wait_indirect_dma semaphore(%arg13 : memref<!tpu.dma_semaphore, #tpu.memory_space<semaphore_mem>>) src(%arg8 : memref<128x64xf32, #tpu.memory_space<vmem>>) dst(%dma_wait3A_253 : memref<10240x64xf32, #tpu.memory_space<vmem_shared>>)
      %add3A_254 = arith.constant 1 : i32
      %add3A_255 = arith.addi %mul3A_229, %add3A_254 : i32
      %dma_start3A_256 = arith.constant 0 : i32
      %dma_start3A_257 = tpu.memref_slice %arg5[%rem3A_225, %add3A_255, %dma_start3A_256] : memref<2x16x128xi32, #tpu.memory_space<vmem>> -> memref<1x1x128xi32, #tpu.memory_space<vmem>>
      %dma_start3A_258 = tpu.memref_squeeze %dma_start3A_257 : memref<1x1x128xi32, #tpu.memory_space<vmem>> -> memref<128xi32, #tpu.memory_space<vmem>>
      %dma_start3A_259 = arith.constant 0 : i32
      %dma_start3A_260 = arith.constant 0 : i32
      %dma_start3A_261 = tpu.memref_slice %arg2[%dma_start3A_259, %dma_start3A_260] : memref<10240x64xf32, #tpu.memory_space<hbm>> -> memref<10240x64xf32, #tpu.memory_space<hbm>>
      tpu.enqueue_indirect_dma source(%dma_start3A_261 : memref<10240x64xf32, #tpu.memory_space<hbm>>) target(%arg8 : memref<128x64xf32, #tpu.memory_space<vmem>>) offsets(%dma_start3A_258 : memref<128xi32, #tpu.memory_space<vmem>>) semaphore(%arg11 : memref<!tpu.dma_semaphore, #tpu.memory_space<semaphore_mem>>)
      %while3A_262 = arith.constant 0 : i32
      scf.yield %while3A_262 : i32
    }
    %while3A_69 = arith.constant 1 : i32
    %while3A_70 = scf.for %while3A_121 = %while3A_66 to %while3A_62 step %while3A_69 iter_args(%while3A_122 = %while3A_68) -> (i32)  : i32 {
      %jit3A_123 = arith.constant 8 : i32
      %div3A_124 = arith.divsi %while3A_121, %jit3A_123 : i32
      %sign3A_125 = arith.constant 0 : i32
      %sign3A_126 = arith.cmpi sgt, %while3A_121, %sign3A_125 : i32
      %sign3A_127 = arith.extui %sign3A_126 : i1 to i32
      %sign3A_128 = arith.constant 0 : i32
      %sign3A_129 = arith.cmpi slt, %while3A_121, %sign3A_128 : i32
      %sign3A_130 = arith.extui %sign3A_129 : i1 to i32
      %sign3A_131 = arith.subi %sign3A_127, %sign3A_130 : i32
      %sign3A_132 = arith.constant 0 : i32
      %sign3A_133 = arith.cmpi sgt, %jit3A_123, %sign3A_132 : i32
      %sign3A_134 = arith.extui %sign3A_133 : i1 to i32
      %sign3A_135 = arith.constant 0 : i32
      %sign3A_136 = arith.cmpi slt, %jit3A_123, %sign3A_135 : i32
      %sign3A_137 = arith.extui %sign3A_136 : i1 to i32
      %sign3A_138 = arith.subi %sign3A_134, %sign3A_137 : i32
      %ne3A_139 = arith.cmpi ne, %sign3A_131, %sign3A_138 : i32
      %rem3A_140 = arith.remsi %while3A_121, %jit3A_123 : i32
      %ne3A_141 = arith.constant 0 : i32
      %ne3A_142 = arith.cmpi ne, %rem3A_140, %ne3A_141 : i32
      %and3A_143 = arith.andi %ne3A_139, %ne3A_142 : i1
      %sub3A_144 = arith.constant 1 : i32
      %sub3A_145 = arith.subi %div3A_124, %sub3A_144 : i32
      %select_n3A_146 = arith.select %and3A_143, %sub3A_145, %div3A_124 : i32
      %rem3A_147 = arith.constant 2 : i32
      %rem3A_148 = arith.remsi %select_n3A_146, %rem3A_147 : i32
      %rem3A_149 = arith.constant 8 : i32
      %rem3A_150 = arith.remsi %while3A_121, %rem3A_149 : i32
      %mul3A_151 = arith.constant 2 : i32
      %mul3A_152 = arith.muli %rem3A_150, %mul3A_151 : i32
      %add3A_153 = arith.constant 1 : i32
      %add3A_154 = arith.addi %select_n3A_146, %add3A_153 : i32
      %mul3A_155 = arith.constant 16 : i32
      %mul3A_156 = arith.muli %add3A_154, %mul3A_155 : i32
      %add3A_157 = arith.addi %mul3A_17, %mul3A_156 : i32
      %eq3A_158 = arith.constant 0 : i32
      %eq3A_159 = arith.cmpi eq, %mul3A_152, %eq3A_158 : i32
      %add3A_160 = arith.constant 1 : i32
      %add3A_161 = arith.addi %select_n3A_146, %add3A_160 : i32
      %mul3A_162 = arith.constant 16 : i32
      %mul3A_163 = arith.muli %add3A_161, %mul3A_162 : i32
      %lt3A_164 = arith.cmpi slt, %mul3A_163, %add3A_11 : i32
      %and3A_165 = arith.andi %eq3A_159, %lt3A_164 : i1
      %convert_element_type3A = arith.extui %and3A_165 : i1 to i32
      %cond3A = arith.constant 0 : i32
      %cond3A_166 = arith.cmpi ne, %convert_element_type3A, %cond3A : i32
      scf.if %cond3A_166 {
        %sub3A_263 = arith.constant 1 : i32
        %sub3A_264 = arith.subi %sub3A_263, %rem3A_148 : i32
        %dma_start3A_265 = arith.constant 0 : i32
        %dma_start3A_266 = arith.constant 0 : i32
        %dma_start3A_267 = tpu.memref_slice %arg5[%sub3A_264, %dma_start3A_265, %dma_start3A_266] : memref<2x16x128xi32, #tpu.memory_space<vmem>> -> memref<1x16x128xi32, #tpu.memory_space<vmem>>
        %dma_start3A_268 = tpu.memref_squeeze %dma_start3A_267 : memref<1x16x128xi32, #tpu.memory_space<vmem>> -> memref<16x128xi32, #tpu.memory_space<vmem>>
        %dma_start3A_269 = arith.constant 0 : i32
        %dma_start3A_270 = arith.constant 0 : i32
        %dma_start3A_271 = tpu.memref_slice %arg3[%while3A, %dma_start3A_269, %dma_start3A_270] : memref<2x2512x128xi32, #tpu.memory_space<hbm>> -> memref<1x2512x128xi32, #tpu.memory_space<hbm>>
        %dma_start3A_272 = tpu.memref_squeeze %dma_start3A_271 : memref<1x2512x128xi32, #tpu.memory_space<hbm>> -> memref<2512x128xi32, #tpu.memory_space<hbm>>
        %dma_start3A_273 = arith.constant 0 : i32
        %dma_start3A_274 = tpu.memref_slice %dma_start3A_272[%add3A_157, %dma_start3A_273] : memref<2512x128xi32, #tpu.memory_space<hbm>> -> memref<16x128xi32, #tpu.memory_space<hbm>>
        %dma_start3A_275 = arith.constant 0 : i32
        %dma_start3A_276 = arith.constant 0 : i32
        %dma_start3A_277 = tpu.memref_slice %arg5[%sub3A_264, %dma_start3A_275, %dma_start3A_276] : memref<2x16x128xi32, #tpu.memory_space<vmem>> -> memref<1x16x128xi32, #tpu.memory_space<vmem>>
        %dma_start3A_278 = tpu.memref_squeeze %dma_start3A_277 : memref<1x16x128xi32, #tpu.memory_space<vmem>> -> memref<16x128xi32, #tpu.memory_space<vmem>>
        %dma_start3A_279 = arith.constant 0 : i32
        %dma_start3A_280 = arith.constant 0 : i32
        %dma_start3A_281 = tpu.memref_slice %arg3[%while3A, %dma_start3A_279, %dma_start3A_280] : memref<2x2512x128xi32, #tpu.memory_space<hbm>> -> memref<1x2512x128xi32, #tpu.memory_space<hbm>>
        %dma_start3A_282 = tpu.memref_squeeze %dma_start3A_281 : memref<1x2512x128xi32, #tpu.memory_space<hbm>> -> memref<2512x128xi32, #tpu.memory_space<hbm>>
        %dma_start3A_283 = arith.constant 0 : i32
        %dma_start3A_284 = tpu.memref_slice %dma_start3A_282[%add3A_157, %dma_start3A_283] : memref<2512x128xi32, #tpu.memory_space<hbm>> -> memref<16x128xi32, #tpu.memory_space<hbm>>
        tpu.enqueue_dma source(%dma_start3A_284 : memref<16x128xi32, #tpu.memory_space<hbm>>) target(%dma_start3A_278 : memref<16x128xi32, #tpu.memory_space<vmem>>) target_semaphore(%arg14 : memref<!tpu.dma_semaphore, #tpu.memory_space<semaphore_mem>>)
        %dma_start3A_285 = arith.constant 0 : i32
        %dma_start3A_286 = arith.constant 0 : i32
        %dma_start3A_287 = tpu.memref_slice %arg6[%sub3A_264, %dma_start3A_285, %dma_start3A_286] : memref<2x16x128xi32, #tpu.memory_space<vmem>> -> memref<1x16x128xi32, #tpu.memory_space<vmem>>
        %dma_start3A_288 = tpu.memref_squeeze %dma_start3A_287 : memref<1x16x128xi32, #tpu.memory_space<vmem>> -> memref<16x128xi32, #tpu.memory_space<vmem>>
        %dma_start3A_289 = arith.constant 0 : i32
        %dma_start3A_290 = arith.constant 0 : i32
        %dma_start3A_291 = tpu.memref_slice %arg3[%while3A_58, %dma_start3A_289, %dma_start3A_290] : memref<2x2512x128xi32, #tpu.memory_space<hbm>> -> memref<1x2512x128xi32, #tpu.memory_space<hbm>>
        %dma_start3A_292 = tpu.memref_squeeze %dma_start3A_291 : memref<1x2512x128xi32, #tpu.memory_space<hbm>> -> memref<2512x128xi32, #tpu.memory_space<hbm>>
        %dma_start3A_293 = arith.constant 0 : i32
        %dma_start3A_294 = tpu.memref_slice %dma_start3A_292[%add3A_157, %dma_start3A_293] : memref<2512x128xi32, #tpu.memory_space<hbm>> -> memref<16x128xi32, #tpu.memory_space<hbm>>
        %dma_start3A_295 = arith.constant 0 : i32
        %dma_start3A_296 = arith.constant 0 : i32
        %dma_start3A_297 = tpu.memref_slice %arg6[%sub3A_264, %dma_start3A_295, %dma_start3A_296] : memref<2x16x128xi32, #tpu.memory_space<vmem>> -> memref<1x16x128xi32, #tpu.memory_space<vmem>>
        %dma_start3A_298 = tpu.memref_squeeze %dma_start3A_297 : memref<1x16x128xi32, #tpu.memory_space<vmem>> -> memref<16x128xi32, #tpu.memory_space<vmem>>
        %dma_start3A_299 = arith.constant 0 : i32
        %dma_start3A_300 = arith.constant 0 : i32
        %dma_start3A_301 = tpu.memref_slice %arg3[%while3A_58, %dma_start3A_299, %dma_start3A_300] : memref<2x2512x128xi32, #tpu.memory_space<hbm>> -> memref<1x2512x128xi32, #tpu.memory_space<hbm>>
        %dma_start3A_302 = tpu.memref_squeeze %dma_start3A_301 : memref<1x2512x128xi32, #tpu.memory_space<hbm>> -> memref<2512x128xi32, #tpu.memory_space<hbm>>
        %dma_start3A_303 = arith.constant 0 : i32
        %dma_start3A_304 = tpu.memref_slice %dma_start3A_302[%add3A_157, %dma_start3A_303] : memref<2512x128xi32, #tpu.memory_space<hbm>> -> memref<16x128xi32, #tpu.memory_space<hbm>>
        tpu.enqueue_dma source(%dma_start3A_304 : memref<16x128xi32, #tpu.memory_space<hbm>>) target(%dma_start3A_298 : memref<16x128xi32, #tpu.memory_space<vmem>>) target_semaphore(%arg14 : memref<!tpu.dma_semaphore, #tpu.memory_space<semaphore_mem>>)
      } else {
      }
      %dma_wait3A_167 = arith.constant 0 : i32
      %dma_wait3A_168 = tpu.memref_slice %arg5[%rem3A_148, %mul3A_152, %dma_wait3A_167] : memref<2x16x128xi32, #tpu.memory_space<vmem>> -> memref<1x1x128xi32, #tpu.memory_space<vmem>>
      %dma_wait3A_169 = tpu.memref_squeeze %dma_wait3A_168 : memref<1x1x128xi32, #tpu.memory_space<vmem>> -> memref<128xi32, #tpu.memory_space<vmem>>
      %dma_wait3A_170 = arith.constant 0 : i32
      %dma_wait3A_171 = arith.constant 0 : i32
      %dma_wait3A_172 = tpu.memref_slice %arg2[%dma_wait3A_170, %dma_wait3A_171] : memref<10240x64xf32, #tpu.memory_space<hbm>> -> memref<10240x64xf32, #tpu.memory_space<hbm>>
      tpu.wait_indirect_dma semaphore(%arg10 : memref<!tpu.dma_semaphore, #tpu.memory_space<semaphore_mem>>) src(%dma_wait3A_172 : memref<10240x64xf32, #tpu.memory_space<hbm>>) dst(%arg7 : memref<128x64xf32, #tpu.memory_space<vmem>>)
      %dma_start3A_173 = arith.constant 0 : i32
      %dma_start3A_174 = tpu.memref_slice %arg6[%rem3A_148, %mul3A_152, %dma_start3A_173] : memref<2x16x128xi32, #tpu.memory_space<vmem>> -> memref<1x1x128xi32, #tpu.memory_space<vmem>>
      %dma_start3A_175 = tpu.memref_squeeze %dma_start3A_174 : memref<1x1x128xi32, #tpu.memory_space<vmem>> -> memref<128xi32, #tpu.memory_space<vmem>>
      %dma_start3A_176 = arith.constant 0 : i32
      %dma_start3A_177 = arith.constant 0 : i32
      %dma_start3A_178 = tpu.memref_slice %arg9[%dma_start3A_176, %dma_start3A_177] : memref<10240x64xf32, #tpu.memory_space<vmem_shared>> -> memref<10240x64xf32, #tpu.memory_space<vmem_shared>>
      tpu.enqueue_indirect_dma source(%arg7 : memref<128x64xf32, #tpu.memory_space<vmem>>) target(%dma_start3A_178 : memref<10240x64xf32, #tpu.memory_space<vmem_shared>>) offsets(%dma_start3A_175 : memref<128xi32, #tpu.memory_space<vmem>>) semaphore(%arg12 : memref<!tpu.dma_semaphore, #tpu.memory_space<semaphore_mem>>) {add = true}
      %add3A_179 = arith.constant 1 : i32
      %add3A_180 = arith.addi %mul3A_152, %add3A_179 : i32
      %dma_wait3A_181 = arith.constant 0 : i32
      %dma_wait3A_182 = tpu.memref_slice %arg5[%rem3A_148, %add3A_180, %dma_wait3A_181] : memref<2x16x128xi32, #tpu.memory_space<vmem>> -> memref<1x1x128xi32, #tpu.memory_space<vmem>>
      %dma_wait3A_183 = tpu.memref_squeeze %dma_wait3A_182 : memref<1x1x128xi32, #tpu.memory_space<vmem>> -> memref<128xi32, #tpu.memory_space<vmem>>
      %dma_wait3A_184 = arith.constant 0 : i32
      %dma_wait3A_185 = arith.constant 0 : i32
      %dma_wait3A_186 = tpu.memref_slice %arg2[%dma_wait3A_184, %dma_wait3A_185] : memref<10240x64xf32, #tpu.memory_space<hbm>> -> memref<10240x64xf32, #tpu.memory_space<hbm>>
      tpu.wait_indirect_dma semaphore(%arg11 : memref<!tpu.dma_semaphore, #tpu.memory_space<semaphore_mem>>) src(%dma_wait3A_186 : memref<10240x64xf32, #tpu.memory_space<hbm>>) dst(%arg8 : memref<128x64xf32, #tpu.memory_space<vmem>>)
      %add3A_187 = arith.constant 1 : i32
      %add3A_188 = arith.addi %mul3A_152, %add3A_187 : i32
      %dma_start3A_189 = arith.constant 0 : i32
      %dma_start3A_190 = tpu.memref_slice %arg6[%rem3A_148, %add3A_188, %dma_start3A_189] : memref<2x16x128xi32, #tpu.memory_space<vmem>> -> memref<1x1x128xi32, #tpu.memory_space<vmem>>
      %dma_start3A_191 = tpu.memref_squeeze %dma_start3A_190 : memref<1x1x128xi32, #tpu.memory_space<vmem>> -> memref<128xi32, #tpu.memory_space<vmem>>
      %dma_start3A_192 = arith.constant 0 : i32
      %dma_start3A_193 = arith.constant 0 : i32
      %dma_start3A_194 = tpu.memref_slice %arg9[%dma_start3A_192, %dma_start3A_193] : memref<10240x64xf32, #tpu.memory_space<vmem_shared>> -> memref<10240x64xf32, #tpu.memory_space<vmem_shared>>
      tpu.enqueue_indirect_dma source(%arg8 : memref<128x64xf32, #tpu.memory_space<vmem>>) target(%dma_start3A_194 : memref<10240x64xf32, #tpu.memory_space<vmem_shared>>) offsets(%dma_start3A_191 : memref<128xi32, #tpu.memory_space<vmem>>) semaphore(%arg13 : memref<!tpu.dma_semaphore, #tpu.memory_space<semaphore_mem>>) {add = true}
      %add3A_195 = arith.constant 1 : i32
      %add3A_196 = arith.addi %while3A_121, %add3A_195 : i32
      %sub3A_197 = arith.constant 1 : i32
      %sub3A_198 = arith.subi %select_n3A_35, %sub3A_197 : i32
      %min3A_199 = arith.minsi %add3A_196, %sub3A_198 : i32
      %jit3A_200 = arith.constant 8 : i32
      %div3A_201 = arith.divsi %min3A_199, %jit3A_200 : i32
      %sign3A_202 = arith.constant 0 : i32
      %sign3A_203 = arith.cmpi sgt, %min3A_199, %sign3A_202 : i32
      %sign3A_204 = arith.extui %sign3A_203 : i1 to i32
      %sign3A_205 = arith.constant 0 : i32
      %sign3A_206 = arith.cmpi slt, %min3A_199, %sign3A_205 : i32
      %sign3A_207 = arith.extui %sign3A_206 : i1 to i32
      %sign3A_208 = arith.subi %sign3A_204, %sign3A_207 : i32
      %sign3A_209 = arith.constant 0 : i32
      %sign3A_210 = arith.cmpi sgt, %jit3A_200, %sign3A_209 : i32
      %sign3A_211 = arith.extui %sign3A_210 : i1 to i32
      %sign3A_212 = arith.constant 0 : i32
      %sign3A_213 = arith.cmpi slt, %jit3A_200, %sign3A_212 : i32
      %sign3A_214 = arith.extui %sign3A_213 : i1 to i32
      %sign3A_215 = arith.subi %sign3A_211, %sign3A_214 : i32
      %ne3A_216 = arith.cmpi ne, %sign3A_208, %sign3A_215 : i32
      %rem3A_217 = arith.remsi %min3A_199, %jit3A_200 : i32
      %ne3A_218 = arith.constant 0 : i32
      %ne3A_219 = arith.cmpi ne, %rem3A_217, %ne3A_218 : i32
      %and3A_220 = arith.andi %ne3A_216, %ne3A_219 : i1
      %sub3A_221 = arith.constant 1 : i32
      %sub3A_222 = arith.subi %div3A_201, %sub3A_221 : i32
      %select_n3A_223 = arith.select %and3A_220, %sub3A_222, %div3A_201 : i32
      %rem3A_224 = arith.constant 2 : i32
      %rem3A_225 = arith.remsi %select_n3A_223, %rem3A_224 : i32
      %rem3A_226 = arith.constant 8 : i32
      %rem3A_227 = arith.remsi %min3A_199, %rem3A_226 : i32
      %mul3A_228 = arith.constant 2 : i32
      %mul3A_229 = arith.muli %rem3A_227, %mul3A_228 : i32
      %ne3A_230 = arith.cmpi ne, %select_n3A_223, %select_n3A_146 : i32
      %convert_element_type3A_231 = arith.extui %ne3A_230 : i1 to i32
      %cond3A_232 = arith.constant 0 : i32
      %cond3A_233 = arith.cmpi ne, %convert_element_type3A_231, %cond3A_232 : i32
      scf.if %cond3A_233 {
        %dma_wait3A_263 = arith.constant 0 : i32
        %dma_wait3A_264 = arith.constant 0 : i32
        %dma_wait3A_265 = tpu.memref_slice %arg5[%rem3A_225, %dma_wait3A_263, %dma_wait3A_264] : memref<2x16x128xi32, #tpu.memory_space<vmem>> -> memref<1x16x128xi32, #tpu.memory_space<vmem>>
        %dma_wait3A_266 = tpu.memref_squeeze %dma_wait3A_265 : memref<1x16x128xi32, #tpu.memory_space<vmem>> -> memref<16x128xi32, #tpu.memory_space<vmem>>
        %dma_wait3A_267 = arith.constant 0 : i32
        %dma_wait3A_268 = arith.constant 0 : i32
        %dma_wait3A_269 = tpu.memref_slice %arg3[%while3A, %dma_wait3A_267, %dma_wait3A_268] : memref<2x2512x128xi32, #tpu.memory_space<hbm>> -> memref<1x2512x128xi32, #tpu.memory_space<hbm>>
        %dma_wait3A_270 = tpu.memref_squeeze %dma_wait3A_269 : memref<1x2512x128xi32, #tpu.memory_space<hbm>> -> memref<2512x128xi32, #tpu.memory_space<hbm>>
        %dma_wait3A_271 = arith.constant 0 : i32
        %dma_wait3A_272 = tpu.memref_slice %dma_wait3A_270[%add3A_157, %dma_wait3A_271] : memref<2512x128xi32, #tpu.memory_space<hbm>> -> memref<16x128xi32, #tpu.memory_space<hbm>>
        %dma_wait3A_273 = arith.constant 0 : i32
        %dma_wait3A_274 = arith.constant 0 : i32
        %dma_wait3A_275 = tpu.memref_slice %arg5[%rem3A_225, %dma_wait3A_273, %dma_wait3A_274] : memref<2x16x128xi32, #tpu.memory_space<vmem>> -> memref<1x16x128xi32, #tpu.memory_space<vmem>>
        %dma_wait3A_276 = tpu.memref_squeeze %dma_wait3A_275 : memref<1x16x128xi32, #tpu.memory_space<vmem>> -> memref<16x128xi32, #tpu.memory_space<vmem>>
        %dma_wait3A_277 = arith.constant 0 : i32
        %dma_wait3A_278 = arith.constant 0 : i32
        %dma_wait3A_279 = tpu.memref_slice %arg3[%while3A, %dma_wait3A_277, %dma_wait3A_278] : memref<2x2512x128xi32, #tpu.memory_space<hbm>> -> memref<1x2512x128xi32, #tpu.memory_space<hbm>>
        %dma_wait3A_280 = tpu.memref_squeeze %dma_wait3A_279 : memref<1x2512x128xi32, #tpu.memory_space<hbm>> -> memref<2512x128xi32, #tpu.memory_space<hbm>>
        %dma_wait3A_281 = arith.constant 0 : i32
        %dma_wait3A_282 = tpu.memref_slice %dma_wait3A_280[%add3A_157, %dma_wait3A_281] : memref<2512x128xi32, #tpu.memory_space<hbm>> -> memref<16x128xi32, #tpu.memory_space<hbm>>
        tpu.wait_dma2 semaphore(%arg14 : memref<!tpu.dma_semaphore, #tpu.memory_space<semaphore_mem>>) src(%dma_wait3A_282 : memref<16x128xi32, #tpu.memory_space<hbm>>) dst(%dma_wait3A_276 : memref<16x128xi32, #tpu.memory_space<vmem>>)
        %dma_wait3A_283 = arith.constant 0 : i32
        %dma_wait3A_284 = arith.constant 0 : i32
        %dma_wait3A_285 = tpu.memref_slice %arg6[%rem3A_225, %dma_wait3A_283, %dma_wait3A_284] : memref<2x16x128xi32, #tpu.memory_space<vmem>> -> memref<1x16x128xi32, #tpu.memory_space<vmem>>
        %dma_wait3A_286 = tpu.memref_squeeze %dma_wait3A_285 : memref<1x16x128xi32, #tpu.memory_space<vmem>> -> memref<16x128xi32, #tpu.memory_space<vmem>>
        %dma_wait3A_287 = arith.constant 0 : i32
        %dma_wait3A_288 = arith.constant 0 : i32
        %dma_wait3A_289 = tpu.memref_slice %arg3[%while3A_58, %dma_wait3A_287, %dma_wait3A_288] : memref<2x2512x128xi32, #tpu.memory_space<hbm>> -> memref<1x2512x128xi32, #tpu.memory_space<hbm>>
        %dma_wait3A_290 = tpu.memref_squeeze %dma_wait3A_289 : memref<1x2512x128xi32, #tpu.memory_space<hbm>> -> memref<2512x128xi32, #tpu.memory_space<hbm>>
        %dma_wait3A_291 = arith.constant 0 : i32
        %dma_wait3A_292 = tpu.memref_slice %dma_wait3A_290[%add3A_157, %dma_wait3A_291] : memref<2512x128xi32, #tpu.memory_space<hbm>> -> memref<16x128xi32, #tpu.memory_space<hbm>>
        %dma_wait3A_293 = arith.constant 0 : i32
        %dma_wait3A_294 = arith.constant 0 : i32
        %dma_wait3A_295 = tpu.memref_slice %arg6[%rem3A_225, %dma_wait3A_293, %dma_wait3A_294] : memref<2x16x128xi32, #tpu.memory_space<vmem>> -> memref<1x16x128xi32, #tpu.memory_space<vmem>>
        %dma_wait3A_296 = tpu.memref_squeeze %dma_wait3A_295 : memref<1x16x128xi32, #tpu.memory_space<vmem>> -> memref<16x128xi32, #tpu.memory_space<vmem>>
        %dma_wait3A_297 = arith.constant 0 : i32
        %dma_wait3A_298 = arith.constant 0 : i32
        %dma_wait3A_299 = tpu.memref_slice %arg3[%while3A_58, %dma_wait3A_297, %dma_wait3A_298] : memref<2x2512x128xi32, #tpu.memory_space<hbm>> -> memref<1x2512x128xi32, #tpu.memory_space<hbm>>
        %dma_wait3A_300 = tpu.memref_squeeze %dma_wait3A_299 : memref<1x2512x128xi32, #tpu.memory_space<hbm>> -> memref<2512x128xi32, #tpu.memory_space<hbm>>
        %dma_wait3A_301 = arith.constant 0 : i32
        %dma_wait3A_302 = tpu.memref_slice %dma_wait3A_300[%add3A_157, %dma_wait3A_301] : memref<2512x128xi32, #tpu.memory_space<hbm>> -> memref<16x128xi32, #tpu.memory_space<hbm>>
        tpu.wait_dma2 semaphore(%arg14 : memref<!tpu.dma_semaphore, #tpu.memory_space<semaphore_mem>>) src(%dma_wait3A_302 : memref<16x128xi32, #tpu.memory_space<hbm>>) dst(%dma_wait3A_296 : memref<16x128xi32, #tpu.memory_space<vmem>>)
      } else {
      }
      %dma_wait3A_234 = arith.constant 0 : i32
      %dma_wait3A_235 = tpu.memref_slice %arg6[%rem3A_148, %mul3A_152, %dma_wait3A_234] : memref<2x16x128xi32, #tpu.memory_space<vmem>> -> memref<1x1x128xi32, #tpu.memory_space<vmem>>
      %dma_wait3A_236 = tpu.memref_squeeze %dma_wait3A_235 : memref<1x1x128xi32, #tpu.memory_space<vmem>> -> memref<128xi32, #tpu.memory_space<vmem>>
      %dma_wait3A_237 = arith.constant 0 : i32
      %dma_wait3A_238 = arith.constant 0 : i32
      %dma_wait3A_239 = tpu.memref_slice %arg9[%dma_wait3A_237, %dma_wait3A_238] : memref<10240x64xf32, #tpu.memory_space<vmem_shared>> -> memref<10240x64xf32, #tpu.memory_space<vmem_shared>>
      tpu.wait_indirect_dma semaphore(%arg12 : memref<!tpu.dma_semaphore, #tpu.memory_space<semaphore_mem>>) src(%arg7 : memref<128x64xf32, #tpu.memory_space<vmem>>) dst(%dma_wait3A_239 : memref<10240x64xf32, #tpu.memory_space<vmem_shared>>)
      %dma_start3A_240 = arith.constant 0 : i32
      %dma_start3A_241 = tpu.memref_slice %arg5[%rem3A_225, %mul3A_229, %dma_start3A_240] : memref<2x16x128xi32, #tpu.memory_space<vmem>> -> memref<1x1x128xi32, #tpu.memory_space<vmem>>
      %dma_start3A_242 = tpu.memref_squeeze %dma_start3A_241 : memref<1x1x128xi32, #tpu.memory_space<vmem>> -> memref<128xi32, #tpu.memory_space<vmem>>
      %dma_start3A_243 = arith.constant 0 : i32
      %dma_start3A_244 = arith.constant 0 : i32
      %dma_start3A_245 = tpu.memref_slice %arg2[%dma_start3A_243, %dma_start3A_244] : memref<10240x64xf32, #tpu.memory_space<hbm>> -> memref<10240x64xf32, #tpu.memory_space<hbm>>
      tpu.enqueue_indirect_dma source(%dma_start3A_245 : memref<10240x64xf32, #tpu.memory_space<hbm>>) target(%arg7 : memref<128x64xf32, #tpu.memory_space<vmem>>) offsets(%dma_start3A_242 : memref<128xi32, #tpu.memory_space<vmem>>) semaphore(%arg10 : memref<!tpu.dma_semaphore, #tpu.memory_space<semaphore_mem>>)
      %add3A_246 = arith.constant 1 : i32
      %add3A_247 = arith.addi %mul3A_152, %add3A_246 : i32
      %dma_wait3A_248 = arith.constant 0 : i32
      %dma_wait3A_249 = tpu.memref_slice %arg6[%rem3A_148, %add3A_247, %dma_wait3A_248] : memref<2x16x128xi32, #tpu.memory_space<vmem>> -> memref<1x1x128xi32, #tpu.memory_space<vmem>>
      %dma_wait3A_250 = tpu.memref_squeeze %dma_wait3A_249 : memref<1x1x128xi32, #tpu.memory_space<vmem>> -> memref<128xi32, #tpu.memory_space<vmem>>
      %dma_wait3A_251 = arith.constant 0 : i32
      %dma_wait3A_252 = arith.constant 0 : i32
      %dma_wait3A_253 = tpu.memref_slice %arg9[%dma_wait3A_251, %dma_wait3A_252] : memref<10240x64xf32, #tpu.memory_space<vmem_shared>> -> memref<10240x64xf32, #tpu.memory_space<vmem_shared>>
      tpu.wait_indirect_dma semaphore(%arg13 : memref<!tpu.dma_semaphore, #tpu.memory_space<semaphore_mem>>) src(%arg8 : memref<128x64xf32, #tpu.memory_space<vmem>>) dst(%dma_wait3A_253 : memref<10240x64xf32, #tpu.memory_space<vmem_shared>>)
      %add3A_254 = arith.constant 1 : i32
      %add3A_255 = arith.addi %mul3A_229, %add3A_254 : i32
      %dma_start3A_256 = arith.constant 0 : i32
      %dma_start3A_257 = tpu.memref_slice %arg5[%rem3A_225, %add3A_255, %dma_start3A_256] : memref<2x16x128xi32, #tpu.memory_space<vmem>> -> memref<1x1x128xi32, #tpu.memory_space<vmem>>
      %dma_start3A_258 = tpu.memref_squeeze %dma_start3A_257 : memref<1x1x128xi32, #tpu.memory_space<vmem>> -> memref<128xi32, #tpu.memory_space<vmem>>
      %dma_start3A_259 = arith.constant 0 : i32
      %dma_start3A_260 = arith.constant 0 : i32
      %dma_start3A_261 = tpu.memref_slice %arg2[%dma_start3A_259, %dma_start3A_260] : memref<10240x64xf32, #tpu.memory_space<hbm>> -> memref<10240x64xf32, #tpu.memory_space<hbm>>
      tpu.enqueue_indirect_dma source(%dma_start3A_261 : memref<10240x64xf32, #tpu.memory_space<hbm>>) target(%arg8 : memref<128x64xf32, #tpu.memory_space<vmem>>) offsets(%dma_start3A_258 : memref<128xi32, #tpu.memory_space<vmem>>) semaphore(%arg11 : memref<!tpu.dma_semaphore, #tpu.memory_space<semaphore_mem>>)
      %while3A_262 = arith.constant 0 : i32
      scf.yield %while3A_262 : i32
    }
    %sub3A_71 = arith.constant 1 : i32
    %sub3A_72 = arith.subi %select_n3A_35, %sub3A_71 : i32
    %jit3A_73 = arith.constant 8 : i32
    %div3A_74 = arith.divsi %sub3A_72, %jit3A_73 : i32
    %sign3A_75 = arith.constant 0 : i32
    %sign3A_76 = arith.cmpi sgt, %sub3A_72, %sign3A_75 : i32
    %sign3A_77 = arith.extui %sign3A_76 : i1 to i32
    %sign3A_78 = arith.constant 0 : i32
    %sign3A_79 = arith.cmpi slt, %sub3A_72, %sign3A_78 : i32
    %sign3A_80 = arith.extui %sign3A_79 : i1 to i32
    %sign3A_81 = arith.subi %sign3A_77, %sign3A_80 : i32
    %sign3A_82 = arith.constant 0 : i32
    %sign3A_83 = arith.cmpi sgt, %jit3A_73, %sign3A_82 : i32
    %sign3A_84 = arith.extui %sign3A_83 : i1 to i32
    %sign3A_85 = arith.constant 0 : i32
    %sign3A_86 = arith.cmpi slt, %jit3A_73, %sign3A_85 : i32
    %sign3A_87 = arith.extui %sign3A_86 : i1 to i32
    %sign3A_88 = arith.subi %sign3A_84, %sign3A_87 : i32
    %ne3A_89 = arith.cmpi ne, %sign3A_81, %sign3A_88 : i32
    %rem3A_90 = arith.remsi %sub3A_72, %jit3A_73 : i32
    %ne3A_91 = arith.constant 0 : i32
    %ne3A_92 = arith.cmpi ne, %rem3A_90, %ne3A_91 : i32
    %and3A_93 = arith.andi %ne3A_89, %ne3A_92 : i1
    %sub3A_94 = arith.constant 1 : i32
    %sub3A_95 = arith.subi %div3A_74, %sub3A_94 : i32
    %select_n3A_96 = arith.select %and3A_93, %sub3A_95, %div3A_74 : i32
    %rem3A_97 = arith.constant 2 : i32
    %rem3A_98 = arith.remsi %select_n3A_96, %rem3A_97 : i32
    %rem3A_99 = arith.constant 8 : i32
    %rem3A_100 = arith.remsi %sub3A_72, %rem3A_99 : i32
    %mul3A_101 = arith.constant 2 : i32
    %mul3A_102 = arith.muli %rem3A_100, %mul3A_101 : i32
    %dma_wait3A = arith.constant 0 : i32
    %dma_wait3A_103 = tpu.memref_slice %arg5[%rem3A_98, %mul3A_102, %dma_wait3A] : memref<2x16x128xi32, #tpu.memory_space<vmem>> -> memref<1x1x128xi32, #tpu.memory_space<vmem>>
    %dma_wait3A_104 = tpu.memref_squeeze %dma_wait3A_103 : memref<1x1x128xi32, #tpu.memory_space<vmem>> -> memref<128xi32, #tpu.memory_space<vmem>>
    %dma_wait3A_105 = arith.constant 0 : i32
    %dma_wait3A_106 = arith.constant 0 : i32
    %dma_wait3A_107 = tpu.memref_slice %arg2[%dma_wait3A_105, %dma_wait3A_106] : memref<10240x64xf32, #tpu.memory_space<hbm>> -> memref<10240x64xf32, #tpu.memory_space<hbm>>
    tpu.wait_indirect_dma semaphore(%arg10 : memref<!tpu.dma_semaphore, #tpu.memory_space<semaphore_mem>>) src(%dma_wait3A_107 : memref<10240x64xf32, #tpu.memory_space<hbm>>) dst(%arg7 : memref<128x64xf32, #tpu.memory_space<vmem>>)
    %add3A_108 = arith.constant 1 : i32
    %add3A_109 = arith.addi %mul3A_102, %add3A_108 : i32
    %dma_wait3A_110 = arith.constant 0 : i32
    %dma_wait3A_111 = tpu.memref_slice %arg5[%rem3A_98, %add3A_109, %dma_wait3A_110] : memref<2x16x128xi32, #tpu.memory_space<vmem>> -> memref<1x1x128xi32, #tpu.memory_space<vmem>>
    %dma_wait3A_112 = tpu.memref_squeeze %dma_wait3A_111 : memref<1x1x128xi32, #tpu.memory_space<vmem>> -> memref<128xi32, #tpu.memory_space<vmem>>
    %dma_wait3A_113 = arith.constant 0 : i32
    %dma_wait3A_114 = arith.constant 0 : i32
    %dma_wait3A_115 = tpu.memref_slice %arg2[%dma_wait3A_113, %dma_wait3A_114] : memref<10240x64xf32, #tpu.memory_space<hbm>> -> memref<10240x64xf32, #tpu.memory_space<hbm>>
    tpu.wait_indirect_dma semaphore(%arg11 : memref<!tpu.dma_semaphore, #tpu.memory_space<semaphore_mem>>) src(%dma_wait3A_115 : memref<10240x64xf32, #tpu.memory_space<hbm>>) dst(%arg8 : memref<128x64xf32, #tpu.memory_space<vmem>>)
    %barrier3A_116 = arith.constant 0 : index
    tpu.barrier barrier_id(%barrier3A_116)
    %mul3A_117 = arith.constant 640 : i32
    %mul3A_118 = arith.muli %arg1, %mul3A_117 : i32
    %mul3A_119 = arith.constant 640 : i32
    %mul3A_120 = arith.muli %arg1, %mul3A_119 : i32
    "tpu.region"() ({
      %run_scoped3A_121 = tpu.sem_alloc : memref<!tpu.dma_semaphore, #tpu.memory_space<semaphore_mem>>
      %dma_start3A_122 = arith.constant 0 : i32
      %dma_start3A_123 = arith.constant 0 : i32
      %dma_start3A_124 = tpu.memref_slice %arg4[%arg0, %dma_start3A_122, %dma_start3A_123] : memref<2x10240x64xf32, #tpu.memory_space<hbm>> -> memref<1x10240x64xf32, #tpu.memory_space<hbm>>
      %dma_start3A_125 = tpu.memref_squeeze %dma_start3A_124 : memref<1x10240x64xf32, #tpu.memory_space<hbm>> -> memref<10240x64xf32, #tpu.memory_space<hbm>>
      %dma_start3A_126 = arith.constant 0 : i32
      %dma_start3A_127 = tpu.memref_slice %dma_start3A_125[%mul3A_120, %dma_start3A_126] : memref<10240x64xf32, #tpu.memory_space<hbm>> -> memref<640x64xf32, #tpu.memory_space<hbm>>
      %dma_start3A_128 = arith.constant 0 : i32
      %dma_start3A_129 = tpu.memref_slice %arg9[%mul3A_118, %dma_start3A_128] : memref<10240x64xf32, #tpu.memory_space<vmem_shared>> -> memref<640x64xf32, #tpu.memory_space<vmem_shared>>
      tpu.enqueue_dma source(%dma_start3A_129 : memref<640x64xf32, #tpu.memory_space<vmem_shared>>) target(%dma_start3A_127 : memref<640x64xf32, #tpu.memory_space<hbm>>) target_semaphore(%run_scoped3A_121 : memref<!tpu.dma_semaphore, #tpu.memory_space<semaphore_mem>>)
      %dma_wait3A_130 = arith.constant 0 : i32
      %dma_wait3A_131 = arith.constant 0 : i32
      %dma_wait3A_132 = tpu.memref_slice %arg4[%arg0, %dma_wait3A_130, %dma_wait3A_131] : memref<2x10240x64xf32, #tpu.memory_space<hbm>> -> memref<1x10240x64xf32, #tpu.memory_space<hbm>>
      %dma_wait3A_133 = tpu.memref_squeeze %dma_wait3A_132 : memref<1x10240x64xf32, #tpu.memory_space<hbm>> -> memref<10240x64xf32, #tpu.memory_space<hbm>>
      %dma_wait3A_134 = arith.constant 0 : i32
      %dma_wait3A_135 = tpu.memref_slice %dma_wait3A_133[%mul3A_120, %dma_wait3A_134] : memref<10240x64xf32, #tpu.memory_space<hbm>> -> memref<640x64xf32, #tpu.memory_space<hbm>>
      %dma_wait3A_136 = arith.constant 0 : i32
      %dma_wait3A_137 = tpu.memref_slice %arg9[%mul3A_118, %dma_wait3A_136] : memref<10240x64xf32, #tpu.memory_space<vmem_shared>> -> memref<640x64xf32, #tpu.memory_space<vmem_shared>>
      tpu.wait_dma2 semaphore(%run_scoped3A_121 : memref<!tpu.dma_semaphore, #tpu.memory_space<semaphore_mem>>) src(%dma_wait3A_137 : memref<640x64xf32, #tpu.memory_space<vmem_shared>>) dst(%dma_wait3A_135 : memref<640x64xf32, #tpu.memory_space<hbm>>)
      tpu.yield
    }) : () -> ()
    return
  }
}

module attributes {stable_mosaic.version = 14 : i64} {
  func.func @_tc1_body(%arg0: i32, %arg1: memref<512x128xf32, #tpu.memory_space<vmem>>, %arg2: memref<128x128xf32, #tpu.memory_space<vmem>>, %arg3: memref<10240xf32, #tpu.memory_space<vmem>>, %arg4: memref<10240xf32, #tpu.memory_space<vmem>>, %arg5: memref<512x128xf32, #tpu.memory_space<vmem>>) attributes {dimension_semantics = [#tpu.dimension_semantics<arbitrary>], iteration_bounds = array<i64: 20>, scalar_prefetch = 0 : i64, scratch_operands = 0 : i64, tpu.core_type = #tpu.core_type<tc>, window_params = [{transform_indices = @transform_0, window_bounds = array<i64: 512, 128>}, {pipeline_mode = #tpu.pipeline_mode<synchronous>, transform_indices = @transform_1, window_bounds = array<i64: 128, 128>}, {pipeline_mode = #tpu.pipeline_mode<synchronous>, transform_indices = @transform_2, window_bounds = array<i64: 10240>}, {pipeline_mode = #tpu.pipeline_mode<synchronous>, transform_indices = @transform_3, window_bounds = array<i64: 10240>}, {transform_indices = @transform_4, window_bounds = array<i64: 512, 128>}]} {
    %mul3A = arith.constant 512 : i32
    %mul3A_0 = arith.muli %arg0, %mul3A : i32
    %get3A = arith.index_cast %mul3A_0 : i32 to index
    %get3A_1 = vector.load %arg3[%get3A] : memref<10240xf32, #tpu.memory_space<vmem>>, vector<512xf32>
    %mul3A_2 = arith.constant 512 : i32
    %mul3A_3 = arith.muli %arg0, %mul3A_2 : i32
    %get3A_4 = arith.index_cast %mul3A_3 : i32 to index
    %get3A_5 = vector.load %arg4[%get3A_4] : memref<10240xf32, #tpu.memory_space<vmem>>, vector<512xf32>
    %add3A = arith.addf %get3A_1, %get3A_5 : vector<512xf32>
    %add3A_6 = arith.constant 1.000000e+00 : f32
    %add3A_7 = vector.broadcast %add3A_6 : f32 to vector<512xf32>
    %add3A_8 = arith.addf %add3A, %add3A_7 : vector<512xf32>
    %rsqrt3A = math.rsqrt %add3A_8 : vector<512xf32>
    %broadcast_in_dim3A = vector.shape_cast %rsqrt3A : vector<512xf32> to vector<512x1xf32>
    %get3A_9 = arith.constant 0 : index
    %get3A_10 = arith.constant 0 : index
    %get3A_11 = vector.load %arg1[%get3A_9, %get3A_10] : memref<512x128xf32, #tpu.memory_space<vmem>>, vector<512x128xf32>
    %get3A_12 = arith.constant 0 : index
    %get3A_13 = arith.constant 0 : index
    %get3A_14 = vector.load %arg2[%get3A_12, %get3A_13] : memref<128x128xf32, #tpu.memory_space<vmem>>, vector<128x128xf32>
    %dot_general3A = arith.constant dense<0.000000e+00> : vector<512x128xf32>
    %dot_general3A_15 = tpu.matmul %get3A_11, %get3A_14, %dot_general3A {dimension_numbers = #tpu.dot_dimension_numbers<[1], [0], [0], [1], [0, 0, 1, 1], [], []>, transpose_lhs_hint = false} : vector<512x128xf32>, vector<128x128xf32>, vector<512x128xf32> -> vector<512x128xf32>
    %mul3A_16 = vector.broadcast %broadcast_in_dim3A : vector<512x1xf32> to vector<512x128xf32>
    %mul3A_17 = arith.mulf %dot_general3A_15, %mul3A_16 : vector<512x128xf32>
    %swap3A = arith.constant 0 : index
    %swap3A_18 = arith.constant 0 : index
    %swap3A_19 = vector.load %arg5[%swap3A, %swap3A_18] : memref<512x128xf32, #tpu.memory_space<vmem>>, vector<512x128xf32>
    tpu.vector_store %arg5[%swap3A, %swap3A_18], %mul3A_17 {strides = array<i32>} : memref<512x128xf32, #tpu.memory_space<vmem>>, vector<512x128xf32>,
    return
  }
  func.func @transform_0(%arg0: i32) -> (i32, i32) {
    %c0_i32 = arith.constant 0 : i32
    %c0_i32_0 = arith.constant 0 : i32
    return %arg0, %c0_i32 : i32, i32
  }
  func.func @transform_1(%arg0: i32) -> (i32, i32) {
    %c0_i32 = arith.constant 0 : i32
    %c0_i32_0 = arith.constant 0 : i32
    %c0_i32_1 = arith.constant 0 : i32
    return %c0_i32, %c0_i32_0 : i32, i32
  }
  func.func @transform_2(%arg0: i32) -> i32 {
    %c0_i32 = arith.constant 0 : i32
    %c0_i32_0 = arith.constant 0 : i32
    return %c0_i32 : i32
  }
  func.func @transform_3(%arg0: i32) -> i32 {
    %c0_i32 = arith.constant 0 : i32
    %c0_i32_0 = arith.constant 0 : i32
    return %c0_i32 : i32
  }
  func.func @transform_4(%arg0: i32) -> (i32, i32) {
    %c0_i32 = arith.constant 0 : i32
    %c0_i32_0 = arith.constant 0 : i32
    return %arg0, %c0_i32 : i32, i32
  }
}

module attributes {stable_mosaic.version = 14 : i64} {
  func.func @_tc2_body(%arg0: i32, %arg1: memref<1x512x128xf32, #tpu.memory_space<vmem>>, %arg2: memref<1x512x128xf32, #tpu.memory_space<vmem>>, %arg3: memref<512x128xf32, #tpu.memory_space<vmem>>, %arg4: memref<10240xf32, #tpu.memory_space<vmem>>, %arg5: memref<10240xf32, #tpu.memory_space<vmem>>, %arg6: memref<128xf32, #tpu.memory_space<vmem>>, %arg7: memref<128x64xf32, #tpu.memory_space<vmem>>, %arg8: memref<512x128xf32, #tpu.memory_space<vmem>>, %arg9: memref<512x64xf32, #tpu.memory_space<vmem>>) attributes {dimension_semantics = [#tpu.dimension_semantics<arbitrary>], iteration_bounds = array<i64: 20>, scalar_prefetch = 0 : i64, scratch_operands = 0 : i64, tpu.core_type = #tpu.core_type<tc>, window_params = [{transform_indices = @transform_0, window_bounds = array<i64: 1, 512, 128>}, {transform_indices = @transform_1, window_bounds = array<i64: 1, 512, 128>}, {transform_indices = @transform_2, window_bounds = array<i64: 512, 128>}, {pipeline_mode = #tpu.pipeline_mode<synchronous>, transform_indices = @transform_3, window_bounds = array<i64: 10240>}, {pipeline_mode = #tpu.pipeline_mode<synchronous>, transform_indices = @transform_4, window_bounds = array<i64: 10240>}, {pipeline_mode = #tpu.pipeline_mode<synchronous>, transform_indices = @transform_5, window_bounds = array<i64: 128>}, {pipeline_mode = #tpu.pipeline_mode<synchronous>, transform_indices = @transform_6, window_bounds = array<i64: 128, 64>}, {transform_indices = @transform_7, window_bounds = array<i64: 512, 128>}, {transform_indices = @transform_8, window_bounds = array<i64: 512, 64>}]} {
    %mul3A = arith.constant 512 : i32
    %mul3A_0 = arith.muli %arg0, %mul3A : i32
    %get3A = arith.index_cast %mul3A_0 : i32 to index
    %get3A_1 = vector.load %arg4[%get3A] : memref<10240xf32, #tpu.memory_space<vmem>>, vector<512xf32>
    %mul3A_2 = arith.constant 512 : i32
    %mul3A_3 = arith.muli %arg0, %mul3A_2 : i32
    %get3A_4 = arith.index_cast %mul3A_3 : i32 to index
    %get3A_5 = vector.load %arg5[%get3A_4] : memref<10240xf32, #tpu.memory_space<vmem>>, vector<512xf32>
    %add3A = arith.addf %get3A_1, %get3A_5 : vector<512xf32>
    %add3A_6 = arith.constant 1.000000e+00 : f32
    %add3A_7 = vector.broadcast %add3A_6 : f32 to vector<512xf32>
    %add3A_8 = arith.addf %add3A, %add3A_7 : vector<512xf32>
    %rsqrt3A = math.rsqrt %add3A_8 : vector<512xf32>
    %broadcast_in_dim3A = vector.shape_cast %rsqrt3A : vector<512xf32> to vector<512x1xf32>
    %get3A_9 = arith.constant 0 : index
    %get3A_10 = arith.constant 0 : index
    %get3A_11 = arith.constant 0 : index
    %get3A_12 = vector.load %arg1[%get3A_9, %get3A_10, %get3A_11] : memref<1x512x128xf32, #tpu.memory_space<vmem>>, vector<1x512x128xf32>
    %get3A_13 = vector.shape_cast %get3A_12 : vector<1x512x128xf32> to vector<512x128xf32>
    %get3A_14 = arith.constant 0 : index
    %get3A_15 = arith.constant 0 : index
    %get3A_16 = arith.constant 0 : index
    %get3A_17 = vector.load %arg2[%get3A_14, %get3A_15, %get3A_16] : memref<1x512x128xf32, #tpu.memory_space<vmem>>, vector<1x512x128xf32>
    %get3A_18 = vector.shape_cast %get3A_17 : vector<1x512x128xf32> to vector<512x128xf32>
    %add3A_19 = arith.addf %get3A_13, %get3A_18 : vector<512x128xf32>
    %get3A_20 = arith.constant 0 : index
    %get3A_21 = arith.constant 0 : index
    %get3A_22 = vector.load %arg3[%get3A_20, %get3A_21] : memref<512x128xf32, #tpu.memory_space<vmem>>, vector<512x128xf32>
    %sub3A = arith.subf %add3A_19, %get3A_22 : vector<512x128xf32>
    %mul3A_23 = vector.broadcast %broadcast_in_dim3A : vector<512x1xf32> to vector<512x128xf32>
    %mul3A_24 = arith.mulf %sub3A, %mul3A_23 : vector<512x128xf32>
    %get3A_25 = arith.constant 0 : index
    %get3A_26 = vector.load %arg6[%get3A_25] : memref<128xf32, #tpu.memory_space<vmem>>, vector<128xf32>
    %broadcast_in_dim3A_27 = vector.shape_cast %get3A_26 : vector<128xf32> to vector<1x128xf32>
    %add3A_28 = vector.broadcast %broadcast_in_dim3A_27 : vector<1x128xf32> to vector<512x128xf32>
    %add3A_29 = arith.addf %mul3A_24, %add3A_28 : vector<512x128xf32>
    %swap3A = arith.constant 0 : index
    %swap3A_30 = arith.constant 0 : index
    %swap3A_31 = vector.load %arg8[%swap3A, %swap3A_30] : memref<512x128xf32, #tpu.memory_space<vmem>>, vector<512x128xf32>
    tpu.vector_store %arg8[%swap3A, %swap3A_30], %add3A_29 {strides = array<i32>} : memref<512x128xf32, #tpu.memory_space<vmem>>, vector<512x128xf32>,
    %max3A = arith.constant 0.000000e+00 : f32
    %max3A_32 = vector.broadcast %max3A : f32 to vector<512x128xf32>
    %max3A_33 = arith.maximumf %add3A_29, %max3A_32 : vector<512x128xf32>
    %get3A_34 = arith.constant 0 : index
    %get3A_35 = arith.constant 0 : index
    %get3A_36 = vector.load %arg7[%get3A_34, %get3A_35] : memref<128x64xf32, #tpu.memory_space<vmem>>, vector<128x64xf32>
    %dot_general3A = arith.constant dense<0.000000e+00> : vector<512x64xf32>
    %dot_general3A_37 = tpu.matmul %max3A_33, %get3A_36, %dot_general3A {dimension_numbers = #tpu.dot_dimension_numbers<[1], [0], [0], [1], [0, 0, 1, 1], [], []>, transpose_lhs_hint = false} : vector<512x128xf32>, vector<128x64xf32>, vector<512x64xf32> -> vector<512x64xf32>
    %mul3A_38 = vector.broadcast %broadcast_in_dim3A : vector<512x1xf32> to vector<512x64xf32>
    %mul3A_39 = arith.mulf %dot_general3A_37, %mul3A_38 : vector<512x64xf32>
    %swap3A_40 = arith.constant 0 : index
    %swap3A_41 = arith.constant 0 : index
    %swap3A_42 = vector.load %arg9[%swap3A_40, %swap3A_41] : memref<512x64xf32, #tpu.memory_space<vmem>>, vector<512x64xf32>
    tpu.vector_store %arg9[%swap3A_40, %swap3A_41], %mul3A_39 {strides = array<i32>} : memref<512x64xf32, #tpu.memory_space<vmem>>, vector<512x64xf32>,
    return
  }
  func.func @transform_0(%arg0: i32) -> (i32, i32, i32) {
    %c0_i32 = arith.constant 0 : i32
    %c0_i32_0 = arith.constant 0 : i32
    %c0_i32_1 = arith.constant 0 : i32
    return %c0_i32, %arg0, %c0_i32_0 : i32, i32, i32
  }
  func.func @transform_1(%arg0: i32) -> (i32, i32, i32) {
    %c1_i32 = arith.constant 1 : i32
    %c0_i32 = arith.constant 0 : i32
    %c0_i32_0 = arith.constant 0 : i32
    return %c1_i32, %arg0, %c0_i32 : i32, i32, i32
  }
  func.func @transform_2(%arg0: i32) -> (i32, i32) {
    %c0_i32 = arith.constant 0 : i32
    %c0_i32_0 = arith.constant 0 : i32
    return %arg0, %c0_i32 : i32, i32
  }
  func.func @transform_3(%arg0: i32) -> i32 {
    %c0_i32 = arith.constant 0 : i32
    %c0_i32_0 = arith.constant 0 : i32
    return %c0_i32 : i32
  }
  func.func @transform_4(%arg0: i32) -> i32 {
    %c0_i32 = arith.constant 0 : i32
    %c0_i32_0 = arith.constant 0 : i32
    return %c0_i32 : i32
  }
  func.func @transform_5(%arg0: i32) -> i32 {
    %c0_i32 = arith.constant 0 : i32
    %c0_i32_0 = arith.constant 0 : i32
    return %c0_i32 : i32
  }
  func.func @transform_6(%arg0: i32) -> (i32, i32) {
    %c0_i32 = arith.constant 0 : i32
    %c0_i32_0 = arith.constant 0 : i32
    %c0_i32_1 = arith.constant 0 : i32
    return %c0_i32, %c0_i32_0 : i32, i32
  }
  func.func @transform_7(%arg0: i32) -> (i32, i32) {
    %c0_i32 = arith.constant 0 : i32
    %c0_i32_0 = arith.constant 0 : i32
    return %arg0, %c0_i32 : i32, i32
  }
  func.func @transform_8(%arg0: i32) -> (i32, i32) {
    %c0_i32 = arith.constant 0 : i32
    %c0_i32_0 = arith.constant 0 : i32
    return %arg0, %c0_i32 : i32, i32
  }
}

module attributes {stable_mosaic.version = 14 : i64} {
  func.func @_tc3_body(%arg0: i32, %arg1: memref<1x512x64xf32, #tpu.memory_space<vmem>>, %arg2: memref<1x512x64xf32, #tpu.memory_space<vmem>>, %arg3: memref<512x64xf32, #tpu.memory_space<vmem>>, %arg4: memref<10240xf32, #tpu.memory_space<vmem>>, %arg5: memref<10240xf32, #tpu.memory_space<vmem>>, %arg6: memref<64xf32, #tpu.memory_space<vmem>>, %arg7: memref<512x40xf32, #tpu.memory_space<vmem>>) attributes {dimension_semantics = [#tpu.dimension_semantics<arbitrary>], iteration_bounds = array<i64: 20>, scalar_prefetch = 0 : i64, scratch_operands = 0 : i64, tpu.core_type = #tpu.core_type<tc>, window_params = [{transform_indices = @transform_0, window_bounds = array<i64: 1, 512, 64>}, {transform_indices = @transform_1, window_bounds = array<i64: 1, 512, 64>}, {transform_indices = @transform_2, window_bounds = array<i64: 512, 64>}, {pipeline_mode = #tpu.pipeline_mode<synchronous>, transform_indices = @transform_3, window_bounds = array<i64: 10240>}, {pipeline_mode = #tpu.pipeline_mode<synchronous>, transform_indices = @transform_4, window_bounds = array<i64: 10240>}, {pipeline_mode = #tpu.pipeline_mode<synchronous>, transform_indices = @transform_5, window_bounds = array<i64: 64>}, {transform_indices = @transform_6, window_bounds = array<i64: 512, 40>}]} {
    %mul3A = arith.constant 512 : i32
    %mul3A_0 = arith.muli %arg0, %mul3A : i32
    %get3A = arith.index_cast %mul3A_0 : i32 to index
    %get3A_1 = vector.load %arg4[%get3A] : memref<10240xf32, #tpu.memory_space<vmem>>, vector<512xf32>
    %mul3A_2 = arith.constant 512 : i32
    %mul3A_3 = arith.muli %arg0, %mul3A_2 : i32
    %get3A_4 = arith.index_cast %mul3A_3 : i32 to index
    %get3A_5 = vector.load %arg5[%get3A_4] : memref<10240xf32, #tpu.memory_space<vmem>>, vector<512xf32>
    %add3A = arith.addf %get3A_1, %get3A_5 : vector<512xf32>
    %add3A_6 = arith.constant 1.000000e+00 : f32
    %add3A_7 = vector.broadcast %add3A_6 : f32 to vector<512xf32>
    %add3A_8 = arith.addf %add3A, %add3A_7 : vector<512xf32>
    %rsqrt3A = math.rsqrt %add3A_8 : vector<512xf32>
    %broadcast_in_dim3A = vector.shape_cast %rsqrt3A : vector<512xf32> to vector<512x1xf32>
    %get3A_9 = arith.constant 0 : index
    %get3A_10 = arith.constant 0 : index
    %get3A_11 = arith.constant 0 : index
    %get3A_12 = vector.load %arg1[%get3A_9, %get3A_10, %get3A_11] : memref<1x512x64xf32, #tpu.memory_space<vmem>>, vector<1x512x64xf32>
    %get3A_13 = vector.shape_cast %get3A_12 : vector<1x512x64xf32> to vector<512x64xf32>
    %get3A_14 = arith.constant 0 : index
    %get3A_15 = arith.constant 0 : index
    %get3A_16 = arith.constant 0 : index
    %get3A_17 = vector.load %arg2[%get3A_14, %get3A_15, %get3A_16] : memref<1x512x64xf32, #tpu.memory_space<vmem>>, vector<1x512x64xf32>
    %get3A_18 = vector.shape_cast %get3A_17 : vector<1x512x64xf32> to vector<512x64xf32>
    %add3A_19 = arith.addf %get3A_13, %get3A_18 : vector<512x64xf32>
    %get3A_20 = arith.constant 0 : index
    %get3A_21 = arith.constant 0 : index
    %get3A_22 = vector.load %arg3[%get3A_20, %get3A_21] : memref<512x64xf32, #tpu.memory_space<vmem>>, vector<512x64xf32>
    %sub3A = arith.subf %add3A_19, %get3A_22 : vector<512x64xf32>
    %mul3A_23 = vector.broadcast %broadcast_in_dim3A : vector<512x1xf32> to vector<512x64xf32>
    %mul3A_24 = arith.mulf %sub3A, %mul3A_23 : vector<512x64xf32>
    %get3A_25 = arith.constant 0 : index
    %get3A_26 = vector.load %arg6[%get3A_25] : memref<64xf32, #tpu.memory_space<vmem>>, vector<64xf32>
    %broadcast_in_dim3A_27 = vector.shape_cast %get3A_26 : vector<64xf32> to vector<1x64xf32>
    %add3A_28 = vector.broadcast %broadcast_in_dim3A_27 : vector<1x64xf32> to vector<512x64xf32>
    %add3A_29 = arith.addf %mul3A_24, %add3A_28 : vector<512x64xf32>
    %iota3A = tpu.iota {dimensions = array<i32: 1>} : vector<512x64xi32>
    %lt3A = arith.constant 40 : i32
    %lt3A_30 = vector.broadcast %lt3A : i32 to vector<512x64xi32>
    %lt3A_31 = arith.cmpi slt, %iota3A, %lt3A_30 : vector<512x64xi32>
    %jit3A = arith.constant 0xFF800000 : f32
    %broadcast_in_dim3A_32 = vector.broadcast %jit3A : f32 to vector<512x64xf32>
    %select_n3A = arith.select %lt3A_31, %add3A_29, %broadcast_in_dim3A_32 : vector<512x64xi1>, vector<512x64xf32>
    %reduce_max3A = arith.constant dense<0xFF800000> : vector<512xf32>
    %reduce_max3A_33 = vector.multi_reduction <maximumf>, %select_n3A, %reduce_max3A [1] : vector<512x64xf32> to vector<512xf32>
    %broadcast_in_dim3A_34 = vector.shape_cast %reduce_max3A_33 : vector<512xf32> to vector<512x1xf32>
    %sub3A_35 = vector.broadcast %broadcast_in_dim3A_34 : vector<512x1xf32> to vector<512x64xf32>
    %sub3A_36 = arith.subf %select_n3A, %sub3A_35 : vector<512x64xf32>
    %exp3A = math.exp %sub3A_36 : vector<512x64xf32>
    %reduce_sum3A = arith.constant dense<0.000000e+00> : vector<512xf32>
    %reduce_sum3A_37 = vector.multi_reduction <add>, %exp3A, %reduce_sum3A [1] : vector<512x64xf32> to vector<512xf32>
    %broadcast_in_dim3A_38 = vector.shape_cast %reduce_sum3A_37 : vector<512xf32> to vector<512x1xf32>
    %sub3A_39 = vector.broadcast %broadcast_in_dim3A_34 : vector<512x1xf32> to vector<512x64xf32>
    %sub3A_40 = arith.subf %select_n3A, %sub3A_39 : vector<512x64xf32>
    %log3A = math.log %broadcast_in_dim3A_38 : vector<512x1xf32>
    %sub3A_41 = vector.broadcast %log3A : vector<512x1xf32> to vector<512x64xf32>
    %sub3A_42 = arith.subf %sub3A_40, %sub3A_41 : vector<512x64xf32>
    %slice3A = vector.extract_strided_slice %sub3A_42 {offsets = [0, 0], sizes = [512, 40], strides = [1, 1]} : vector<512x64xf32> to vector<512x40xf32>
    %swap3A = arith.constant 0 : index
    %swap3A_43 = arith.constant 0 : index
    %swap3A_44 = vector.load %arg7[%swap3A, %swap3A_43] : memref<512x40xf32, #tpu.memory_space<vmem>>, vector<512x40xf32>
    tpu.vector_store %arg7[%swap3A, %swap3A_43], %slice3A {strides = array<i32>} : memref<512x40xf32, #tpu.memory_space<vmem>>, vector<512x40xf32>,
    return
  }
  func.func @transform_0(%arg0: i32) -> (i32, i32, i32) {
    %c0_i32 = arith.constant 0 : i32
    %c0_i32_0 = arith.constant 0 : i32
    %c0_i32_1 = arith.constant 0 : i32
    return %c0_i32, %arg0, %c0_i32_0 : i32, i32, i32
  }
  func.func @transform_1(%arg0: i32) -> (i32, i32, i32) {
    %c1_i32 = arith.constant 1 : i32
    %c0_i32 = arith.constant 0 : i32
    %c0_i32_0 = arith.constant 0 : i32
    return %c1_i32, %arg0, %c0_i32 : i32, i32, i32
  }
  func.func @transform_2(%arg0: i32) -> (i32, i32) {
    %c0_i32 = arith.constant 0 : i32
    %c0_i32_0 = arith.constant 0 : i32
    return %arg0, %c0_i32 : i32, i32
  }
  func.func @transform_3(%arg0: i32) -> i32 {
    %c0_i32 = arith.constant 0 : i32
    %c0_i32_0 = arith.constant 0 : i32
    return %c0_i32 : i32
  }
  func.func @transform_4(%arg0: i32) -> i32 {
    %c0_i32 = arith.constant 0 : i32
    %c0_i32_0 = arith.constant 0 : i32
    return %c0_i32 : i32
  }
  func.func @transform_5(%arg0: i32) -> i32 {
    %c0_i32 = arith.constant 0 : i32
    %c0_i32_0 = arith.constant 0 : i32
    return %c0_i32 : i32
  }
  func.func @transform_6(%arg0: i32) -> (i32, i32) {
    %c0_i32 = arith.constant 0 : i32
    %c0_i32_0 = arith.constant 0 : i32
    return %arg0, %c0_i32 : i32, i32
  }
}

</mosaic_0001>

<sc_bundles>
// kernel: kernel.11.cloned.1.call-start
scs
__scs_entry_jumppad:
0x0: {  	(pc) =	sbr.rel $0x88, $3  }
0x1: {  	(tag) =	ssettag $0x0;
	lr =	simm.s32 $0x1  }
0x2: {  	[smem:$0x3F9B] =	sst lr;
	_ =	strace $0xD0000000  }
0x3: {  	_ = 	snop  }
0x4: {  	_ = 	snop  }
0x5: {  	_ = 	snop  }
0x6: {  	_ = 	snop  }
0x7: {  	_ = 	snop  }
__scs_overlays_trampoline_lowered:
0x8: {  	[smem:$0x3FAA] =	sst s0  }
0x9: {  	[smem:$0x3FAB] =	sst s1  }
0xa: {  	[smem:$0x3FAC] =	sst s2  }
0xb: {  	[smem:$0x3FAD] =	sst s3  }
0xc: {  	[smem:$0x3FAE] =	sst s4  }
0xd: {  	[smem:$0x3FAF] =	sst s5  }
0xe: {  	[smem:$0x3FB0] =	sst s6  }
0xf: {  	[smem:$0x3FB1] =	sst s7  }
0x10: {  	[smem:$0x3FB2] =	sst s8  }
0x11: {  	[smem:$0x3FB3] =	sst s9;
	s0 =	simm.s32 @!p0 $0x0  }
0x12: {  	s1 =	sld [smem:$0x3F99];
	s0 =	simm.s32 @p0 $0x1  }
0x13: {  	[smem:$0x3FB4] =	sst s0;
	s0 =	simm.s32 @!p1 $0x0  }
0x14: {  	s2 =	sld [smem:$0x3F98];
	s0 =	simm.s32 @p1 $0x1  }
0x15: {  	[smem:$0x3FB5] =	sst s0;
	s0 =	simm.s32 @!p2 $0x0  }
0x16: {  	s3 =	sld [smem:$0x3FDB];
	s0 =	simm.s32 @p2 $0x1  }
0x17: {  	s4 =	simm.s32 $0x1BF5;
	[smem:$0x3FB7] =	sst s0  }
0x18: {  	s0 =	sld [smem:$0x3F9A];
	_ =	swait.ge [sflag:s4], $0x0  }
0x19: {  	s7 =	sld [smem:$0x3F9B]  }
0x1a: {  	s8 =	sadd.s32 $0xFFFFE003, lr  }
0x1b: {  	s9 =	sadd.s32 $0xFFFFFEF7, lr;
	s5 =	simm.s32 $0xFFFFFFFF;
	p2 =	slt.u32 s8, $0xFFFFF086  }
0x1c: {  	p1 =	slt.u32 s9, $0xF7A;
	s5 =	simm.s32 @!p2 $0x0  }
0x1d: {  	s5 =	simm.s32 @p1 $0x1;
	p0 =	seq.s32 s7, s2  }
0x1e: {  	s7 =	smul.u32 @!p0 $0xF7A, s2;
	p2 =	seq.s32 @!p0 s5, $0x0  }
0x1f: {  	s9 =	smul.u32 $0xF7A, s1;
	s8 =	simm.s32 @!p0 $0x1BF5;
	p2 =	por !p2, p0  }
0x20: {  	[sflag:s8] =	ssyncset.s32 @!p0 $0xFFFFF086;
	s6 =	sadd.s32 @!p0 s3, s7;
	s7 =	simm.s32 @!p0 $0x108  }
0x21: {  	s3 =	sadd.s32 s3, s9;
	s6 =	sadd.s32 @!p0 $0x88, s6;
	s7 =	simm.s32 @p2 $0x1082  }
0x22: {  	[simem:s7], [sflag:s8] =	dma.local @!p0 [hbm:s6], $0xF7A  }
0x23: {  	s9 =	sor.u32 $0xD0000000, s2;
	s6 =	simm.s32 $0x108;
	_ =	swait.ge @!p0 [sflag:s8], $0x0  }
0x24: {  	s3 =	sadd.s32 $0x88, s3;
	s6 =	simm.s32 @!p1 $0x1082;
	[sflag:s4] =	ssyncset.s32 $0xFFFFF086  }
0x25: {  	[simem:s6], [sflag:s4] =	dma.local [hbm:s3], $0xF7A  }
0x26: {  	[smem:$0x3F9B] =	sst s1;
	(tag) =	ssettag s2;
	_ =	strace s9  }
0x27: {  	s1 =	sld [smem:$0x3FAB]  }
0x28: {  	s2 =	sld [smem:$0x3FAC]  }
0x29: {  	s4 =	sld [smem:$0x3FAE]  }
0x2a: {  	p0 =	seq.s32 s5, $0x0;
	s5 =	sld [smem:$0x3FAF]  }
0x2b: {  	s6 =	sld [smem:$0x3FB0]  }
0x2c: {  	s7 =	sld [smem:$0x3FB1]  }
0x2d: {  	s3 =	simm.s32 $0x108;
	s8 =	sld [smem:$0x3FB2]  }
0x2e: {  	s3 =	simm.s32 @!p0 $0x1082;
	s9 =	sld [smem:$0x3FB3]  }
0x2f: {  	lr =	sadd.s32 s0, s3;
	s0 =	sld [smem:$0x3FAA]  }
0x30: {  	s3 =	sld [smem:$0x3FAD]  }
0x31: {  	[smem:$0x3FB6] =	sst s10  }
0x32: {  	s10 =	sld [smem:$0x3FB4];
	_ =	sdelay $0x3  }
0x33: {  	p0 =	seq.s32 s10, $0x1;
	s10 =	sld [smem:$0x3FB6];
	_ =	sdelay $0x3  }
0x34: {  	[smem:$0x3FB6] =	sst s10  }
0x35: {  	s10 =	sld [smem:$0x3FB5];
	_ =	sdelay $0x3  }
0x36: {  	p1 =	seq.s32 s10, $0x1;
	s10 =	sld [smem:$0x3FB6];
	_ =	sdelay $0x3  }
0x37: {  	[smem:$0x3FB6] =	sst s10  }
0x38: {  	s10 =	sld [smem:$0x3FB7]  }
0x39: {  	_ = 	snop;
	(pc) =	sbr.ind lr, $3  }
0x3a: {  	_ = 	snop  }
0x3b: {  	_ = 	snop  }
0x3c: {  	p2 =	seq.s32 s10, $0x1;
	s10 =	sld [smem:$0x3FB6]  }
0x3d: {  	_ =	shalt  }
0x3e: {  	_ =	shalt  }
0x3f: {  	_ =	shalt  }
0x40: {  	_ =	shalt  }
0x41: {  	_ =	shalt  }
0x42: {  	_ =	shalt  }
0x43: {  	_ =	shalt  }
0x44: {  	_ =	shalt  }
0x45: {  	_ =	shalt  }
0x46: {  	_ =	shalt  }
0x47: {  	_ =	shalt  }
0x48: {  	_ =	shalt  }
0x49: {  	_ =	shalt  }
0x4a: {  	_ =	shalt  }
0x4b: {  	_ =	shalt  }
0x4c: {  	_ =	shalt  }
0x4d: {  	_ =	shalt  }
0x4e: {  	_ =	shalt  }
0x4f: {  	_ =	shalt  }
0x50: {  	_ =	shalt  }
0x51: {  	_ =	shalt  }
0x52: {  	_ =	shalt  }
0x53: {  	_ =	shalt  }
0x54: {  	_ =	shalt  }
0x55: {  	_ =	shalt  }
0x56: {  	_ =	shalt  }
0x57: {  	_ =	shalt  }
0x58: {  	_ =	shalt  }
0x59: {  	_ =	shalt  }
0x5a: {  	_ =	shalt  }
0x5b: {  	_ =	shalt  }
0x5c: {  	_ =	shalt  }
0x5d: {  	_ =	shalt  }
0x5e: {  	_ =	shalt  }
0x5f: {  	_ =	shalt  }
0x60: {  	_ =	shalt  }
0x61: {  	_ =	shalt  }
0x62: {  	_ =	shalt  }
0x63: {  	_ =	shalt  }
0x64: {  	_ =	shalt  }
0x65: {  	_ =	shalt  }
0x66: {  	_ =	shalt  }
0x67: {  	_ =	shalt  }
0x68: {  	_ =	shalt  }
0x69: {  	_ =	shalt  }
0x6a: {  	_ =	shalt  }
0x6b: {  	_ =	shalt  }
0x6c: {  	_ =	shalt  }
0x6d: {  	_ =	shalt  }
0x6e: {  	_ =	shalt  }
0x6f: {  	_ =	shalt  }
0x70: {  	_ =	shalt  }
0x71: {  	_ =	shalt  }
0x72: {  	_ =	shalt  }
0x73: {  	_ =	shalt  }
0x74: {  	_ =	shalt  }
0x75: {  	_ =	shalt  }
0x76: {  	_ =	shalt  }
0x77: {  	_ =	shalt  }
0x78: {  	_ =	shalt  }
0x79: {  	_ =	shalt  }
0x7a: {  	_ =	shalt  }
0x7b: {  	_ =	shalt  }
0x7c: {  	_ =	shalt  }
0x7d: {  	_ =	shalt  }
0x7e: {  	_ =	shalt  }
0x7f: {  	_ =	shalt  }
0x80: {  	_ =	shalt  }
0x81: {  	_ =	shalt  }
0x82: {  	_ =	shalt  }
0x83: {  	_ =	shalt  }
0x84: {  	_ =	shalt  }
0x85: {  	_ =	shalt  }
0x86: {  	_ =	shalt  }
0x87: {  	_ =	shalt  }
.Lfunc_end0:
.L_simem_size_0:
called_computation.1_lowered:
.L_overlay_start_0:
0x88: {  	s2 =	sld [smem:$0x3FD9]  }
0x89: {  	s3 =	sld [smem:$0x3FFE];
	_ =	sdelay $0x1  }
0x8a: {  	s1 =	srdreg.scid  }
0x8b: {  	s0 =	sand.u32 $0x1, s1  }
0x8c: {  	s14 =	sshll.u32 s0, $0xA;
	s2 =	sadd.s32 s3, s2  }
0x8d: {  	s2 =	sadd.s32 s2, s14  }
0x8e: {  	[smem:$0x3FC2] =	sst s2  }
0x8f: {  	_ = 	snop  }
0x90: {  	s2 =	sld [smem:$0x3FD0];
	_ =	sdelay $0x2  }
0x91: {  	s15 =	simm.s32 $0xA;
	s4 =	simm.s32 $0x10  }
0x92: {  	[smem:s4], [sflag:s15] =	dma.local [hbm:s2], $0x1  }
0x93: {  	_ =	swait.eq [sflag:s15], $0x1  }
0x94: {  	[sflag:s15] =	ssyncset.done $0x0  }
0x95: {  	[sflag:s15] =	ssyncadd.s32 $0xFFFFFFFF  }
0x96: {  	s16 =	sld [smem:$0x11];
	(tm) =	ssettm $0x1  }
0x97: {  	s17 =	sld [smem:$0x3FFB];
	_ =	sdelay $0x3  }
0x98: {  	_ =	strace s17  }
0x99: {  	s3 =	sld [smem:$0x3FFC];
	_ =	sdelay $0x3  }
0x9a: {  	_ =	strace s3  }
0x9b: {  	s3 =	sld [smem:$0x3FFD];
	_ =	sdelay $0x3  }
0x9c: {  	_ =	strace s3  }
0x9d: {  	_ =	strace $0x8FFFFFFF  }
0x9e: {  	s18 =	sld [smem:$0x3FDB];
	_ =	sdelay $0x1  }
0x9f: {  	s19 =	simm.s32 $_scs_section_size  }
0xa0: {  	s5 =	simm.s32 $_size__tile_overlayer_lowered;
	s6 =	simm.s32 $_tile_overlayer_lowered  }
0xa1: {  	s22 =	simm.s32 $0x1BFF;
	s21 =	sshll.u32 s6, $0x1;
	s3 =	sadd.s32 s19, s18  }
0xa2: {  	s7 =	simm.s32 $0x0;
	s20 =	sshll.u32 s5, $0x1;
	s5 =	sadd.s32 s21, s3  }
0xa3: {  	[timem:s7], [sflag:s22] =	dma.local [hbm:s5], s20  }
0xa4: {  	_ =	swait.ge [sflag:s22], s20  }
0xa5: {  	s4 =	ssub.s32 $0x0, s20;
	[sflag:s22] =	ssyncset.done $0x0  }
0xa6: {  	[sflag:s22] =	ssyncadd.s32 s4;
	_ =	sdelay $0x1  }
0xa7: {  	s23 =	simm.s32 $0x1B8B  }
0xa8: {  	_ =	swait.ge [sflag:s23], $0x1  }
0xa9: {  	[sflag:s23] =	ssyncset.done $0x0  }
0xaa: {  	s25 =	simm.s32 $0x1B8E;
	s24 =	sld [smem:$0x3FFE];
	[sflag:s23] =	ssyncadd.s32 $0xFFFFFFFF  }
0xab: {  	s26 =	simm.s32 $execute0_lowered;
	[smem:$0x3FD2] =	sst s25  }
0xac: {  	s5 =	sshll.u32 s26, $0x1;
	_ =	strace $0x80000049;
	[dreg:$0x1] =	wrdreg $0xFFFFFFFF  }
0xad: {  	s28 =	simm.s32 $_size_execute0_lowered;
	s3 =	sadd.s32 s3, s5;
	[dreg:$0x0] =	wrdreg $0x0  }
0xae: {  	s5 =	sshll.u32 s28, $0x1;
	[dreg:$0x2] =	wrdreg s3  }
0xaf: {  	[dreg:$0x3] =	wrdreg s5  }
0xb0: {  	[dreg:$0x4] =	wrdreg $0xC0  }
0xb1: {  	_ =	task [dreg:s7], $0x5FFFF  }
0xb2: {  	[dreg:$0x1] =	wrdreg $0xFFFFFFFF  }
0xb3: {  	[dreg:$0x0] =	wrdreg $0x60  }
0xb4: {  	[dreg:$0x2] =	wrdreg s24  }
0xb5: {  	[dreg:$0x3] =	wrdreg s16  }
0xb6: {  	[dreg:$0x4] =	wrdreg $0xA0000  }
0xb7: {  	[dreg:$0x5] =	wrdreg $0x9  }
0xb8: {  	_ =	task.clear_ibuf [dreg:s7], $0x6FFFF;
	_ =	strace $0x90000049  }
0xb9: {  	s29 =	simm.s32 $0x9;
	_ =	strace $0x8000004B  }
0xba: {  	_ =	swait.ge [sflag:s29], $0x1  }
0xbb: {  	[sflag:s29] =	ssyncadd.s32 $0xFFFFFFFF  }
0xbc: {  	_ =	strace $0x9000004B  }
0xbd: {  	_ =	sfence  }
0xbe: {  	s30 =	sld [smem:$0x0];
	_ =	sdelay $0x2  }
0xbf: {  	s31 =	sshll.u32 s1, $0xD;
	s1 =	sshrl.u32 s1, $0x2  }
0xc0: {  	s3 =	sand.u32 $0x4000, s31;
	s1 =	sadd.s32 s1, s30  }
0xc1: {  	s0 =	sor.u32 s3, s0;
	s1 =	sshll.u32 s1, $0x11  }
0xc2: {  	s0 =	sor.u32 s1, s0  }
0xc3: {  	s0 =	sadd.s32 $0x8F2B, s0  }
0xc4: {  	[sflag:s0] =	ssyncadd.remote.s32 $0x1  }
0xc5: {  	_ =	sfence.sel $0xFFFF  }
0xc6: {  	[dreg:$0x0] =	wrdreg $0xFFFFFFFF;
	(pc) =	sbr.abs _section_cstart, $3  }
0xc7: {  	[dreg:$0x1] =	wrdreg $0xFFFFFFFF  }
0xc8: {  	_ =	task.clear_ibuf [dreg:s7], $0x2FFFF;
	_ =	strace $0x9FFFFFFF  }
0xc9: {  	(tm) =	ssettm $0x7FFFFFFF  }
tec
execute0_lowered:
.L_overlay_start_1:
0x0: {  	(tag) =	ssettag $0x1  }
0x1: {  	s0 =	rddreg [dreg:$0x0]  }
0x2: {  	s1 =	rddreg [dreg:$0x1]  }
0x3: {  	s2 =	rddreg [dreg:$0x2]  }
0x4: {  	s3 =	simm.s32 $0x0;
	s4 =	srdreg.scid;
	s22 =	stileid.u32  }
0x5: {  	s8 =	simm.s32 $0x50;
	s9 =	simm.s32 $0x4;
	s31 =	simm.s32 $0x6  }
0x6: {  	s20 =	simm.s32 $0x80;
	s21 =	simm.s32 $0x2000;
	s28 =	simm.s32 $0x0  }
0x7: {  	[smem:$0x7FF] =	sst s3;
	s4 =	sand.u32 $0x1, s4;
	s11 =	smul.u32 $0x50000, s22  }
0x8: {  	s5 =	sadd.s32 $0x16E00, s0;
	s13 =	smul.u32 $0x2800, s22;
	s12 =	sshll.u32 s22, $0x6  }
0x9: {  	s14 =	sadd.s32 $0x9D00, s1;
	_ =	strace $0x8000004A;
	s6 =	smul.u32 $0x28000, s4  }
0xa: {  	s7 =	sshll.u32 s4, $0x4;
	s4 =	ssub.s32 $0x2, s4;
	s12 =	sor.u32 $0x1C06, s12  }
0xb: {  	s7 =	sor.u32 s22, s7;
	s23 =	sshrl.u32 s4, $0x1;
	s11 =	sshrl.u32 s11, $0x2  }
0xc: {  	s25 =	sadd.s32 s5, s13;
	s22 =	simm.s32 $0x6000;
	[dreg:$0x5] =	wrdreg s12  }
0xd: {  	s0 =	sadd.s32 s6, s0;
	p0 =	slt.u32 s7, $0x18;
	s4 =	ssub.s32 s4, s23  }
0xe: {  	s10 =	smul.u32 $0x9, s7;
	s24 =	smin.u32 s7, $0x18;
	s11 =	sadd.s32 s11, s2  }
0xf: {  	[dreg:$0x4] =	wrdreg s25;
	s23 =	simm.s32 $0x1;
	s25 =	simm.s32 $0x2  }
0x10: {  	s8 =	simm.s32 @!p0 $0x48;
	p0 =	seq.s32 s7, $0x1F;
	s0 =	sadd.s32 $0x3EE00, s0  }
0x11: {  	s29 =	smax.u32 s4, $0x1;
	s17 =	sshrl.u32 s11, $0x3;
	s9 =	simm.s32 @!p0 $0x0  }
0x12: {  	[dreg:$0x7] =	wrdreg s29;
	s6 =	sor.u32 s9, s8;
	s8 =	sadd.s32 s24, s10  }
0x13: {  	s0 =	sadd.s32 s13, s0;
	[dreg:$0x8] =	wrdreg s17;
	s15 =	sshll.u32 s8, $0x7  }
0x14: {  	s7 =	simm.s32 $0x4;
	[dreg:$0xa] =	wrdreg s0;
	s26 =	sadd.s32 s1, s15  }
0x15: {  	s9 =	sshrl.u32 s6, $0x1;
	s30 =	sadd.s32 s15, s14;
	[dreg:$0x6] =	wrdreg s26  }
0x16: {  	s16 =	sadd.s32 $0xFFFFFFFF, s9;
	[dreg:$0x9] =	wrdreg s30;
	s26 =	simm.s32 $0x3  }
.LBB2_1:
0x17: {  	s0 =	rddreg [dreg:$0x4]  }
0x18: {  	[spmem:s17], [sflag:s12] =	dma.local [hbm:s0], $0x2800  }
0x19: {  	_ =	swait.ge [sflag:s31], $0x2800  }
0x1a: {  	s18 =	simm.s32 $0x0;
	[sflag:s31] =	ssyncset.done $0x0  }
0x1b: {  	s4 =	simm.s32 $0x1000;
	s3 =	rddreg [dreg:$0x6];
	[sflag:s31] =	ssyncadd.s32 $0xFFFFD800  }
0x1c: {  	[tilespmem:s18], [sflag:$0x6] =	stream.linear.gather [hbm4b:s3+s18], $0x800, $0x38;
	[tilespmem:$0x1E000] =	vst v63  }
0x1d: {  	s15 =	simm.s32 $0x1;
	p0 =	sgt.s32 s16, $0x1;
	_ =	swait.ge [sflag:s31], $0x800  }
0x1e: {  	s29 =	smov.u32 s16;
	p2 =	sne.s32 s9, $0x1;
	[sflag:s31] =	ssyncset.done $0x0  }
0x1f: {  	s30 =	simm.s32 $0x0;
	s19 =	rddreg [dreg:$0x9];
	[sflag:s31] =	ssyncadd.s32 $0xFFFFF800  }
0x20: {  	[tilespmem:s4], [sflag:$0x6] =	stream.linear.gather [hbm4b:s19+s18], $0x800, $0x38;
	[tilespmem:$0x1E000] =	vst v63  }
0x21: {  	s0 =	sand.u32 $0x7, s18;
	s29 =	smov.u32 @p0 s15;
	_ =	swait.ge [sflag:s31], $0x800  }
0x22: {  	s11 =	sand.u32 $0x1, s30;
	p0 =	sne.s32 s0, $0x0;
	[sflag:s31] =	ssyncset.done $0x0  }
0x23: {  	s24 =	sshll.u32 s29, $0x8;
	p1 =	sle.s32 @!p0 s6, $0x10;
	[sflag:s31] =	ssyncadd.s32 $0xFFFFF800  }
.Ltmp0:
0x24: {  	p1 =	por p1, p0;
	[bflag:$0x0] =	sbarrier.arrive $0xFFFF;
	(pc) =	sbr.rel @!p2 .LBB2_2-.Ltmp0, $4  }
0x25: {  	[tilespmem:s21], [sflag:$0x1] =	stream.indirect.gather [hbm4b:s5+s20], $0x80, s18, s20, $0xb8;
	[tilespmem:$0x1E000] =	vst v63  }
0x26: {  	p0 =	por $0x0, $0x0;
	s19 =	sand.u32 $0x700, s24;
	s18 =	sshll.u32 @!p1 s11, $0xB  }
0x27: {  	s4 =	sshll.u32 s0, $0x8;
	s24 =	sadd.s32 @!p1 $0x2, s8;
	s13 =	sxor.u32 @!p1 $0x800, s18  }
0x28: {  	[tilespmem:s22], [sflag:$0x2] =	stream.indirect.gather [hbm4b:s5+s20], $0x80, s20, s20, $0xb8;
	[tilespmem:$0x1E000] =	vst v63  }
0x29: {  	s0 =	sshll.u32 @!p1 s24, $0x7  }
0x2a: {  	s0 =	sand.u32 @!p1 $0x1FFFFF80, s0  }
0x2b: {  	s30 =	simm.s32 @!p1 $0x0;
	s11 =	sshll.u32 s11, $0xB;
	s24 =	sadd.s32 @!p1 s1, s0  }
0x2c: {  	[tilespmem:s13], [sflag:$0x5] =	stream.linear.gather @!p1 [hbm4b:s24+s30], $0x800, $0x38;
	[tilespmem:$0x1E000] =	vst v63  }
0x2d: {  	p0 =	sgt.s32 s16, $0x2;
	s0 =	sadd.s32 @!p1 s14, s0;
	s13 =	sxor.u32 @!p1 $0x1800, s18  }
0x2e: {  	[tilespmem:s13], [sflag:$0x5] =	stream.linear.gather @!p1 [hbm4b:s0+s30], $0x800, $0x38;
	[tilespmem:$0x1E000] =	vst v63  }
0x2f: {  	s31 =	smov.u32 s16;
	p2 =	sne.s32 s9, $0x2;
	_ =	swait.ge [sflag:s23], $0x4000  }
0x30: {  	s10 =	sshrl.u32 s29, $0x3;
	s4 =	sor.u32 s4, s11;
	[sflag:s23] =	ssyncset.done $0x0  }
0x31: {  	s17 =	sshll.u32 s10, $0xB;
	s11 =	sor.u32 $0x1000, s4;
	[sflag:s23] =	ssyncadd.s32 $0xFFFFC000  }
0x32: {  	[spmem:s2] =	stream.indirect.scatter.add.f32 [tilespmem:s21], [sflag:$0x3], $0x80, s11, s20, $0xb8;
	[tilespmem:$0x1E000] =	vst v63  }
0x33: {  	s4 =	sor.u32 $0x1080, s4;
	s0 =	simm.s32 $0x2;
	_ =	swait.ge [sflag:s25], $0x4000  }
0x34: {  	s31 =	smov.u32 @p0 s0;
	p0 =	seq.s32 s10, $0x0;
	[sflag:s25] =	ssyncset.done $0x0  }
0x35: {  	s18 =	sand.u32 $0x7, s15;
	s24 =	simm.s32 @!p0 $0x5;
	[sflag:s25] =	ssyncadd.s32 $0xFFFFC000  }
0x36: {  	[spmem:s2] =	stream.indirect.scatter.add.f32 [tilespmem:s22], [sflag:$0x4], $0x80, s4, s20, $0xb8;
	[tilespmem:$0x1E000] =	vst v63  }
0x37: {  	s15 =	sand.u32 $0x800, s17;
	p1 =	sne.s32 s18, $0x0;
	_ =	swait.ge @!p0 [sflag:s24], $0x800  }
0x38: {  	s30 =	simm.s32 $0x0;
	p3 =	sle.s32 @!p1 s6, $0x10;
	[sflag:s24] =	ssyncset.done @!p0 $0x0  }
.Ltmp1:
0x39: {  	s12 =	sshll.u32 s31, $0x8;
	[sflag:s24] =	ssyncadd.s32 @!p0 $0xFFFFF800;
	(pc) =	sbr.rel @!p2 .LBB2_4-.Ltmp1, $4  }
0x3a: {  	p1 =	por p3, p1;
	s11 =	sand.u32 $0x1, s30;
	_ =	swait.ge @!p0 [sflag:s24], $0x800  }
0x3b: {  	s4 =	sshll.u32 s18, $0x8;
	s18 =	sshll.u32 @!p1 s11, $0xB;
	[sflag:s24] =	ssyncset.done @!p0 $0x0  }
0x3c: {  	s29 =	sand.u32 $0x700, s12;
	s13 =	sxor.u32 @!p1 $0x800, s18;
	[sflag:s24] =	ssyncadd.s32 @!p0 $0xFFFFF800  }
0x3d: {  	s24 =	sadd.s32 @!p1 $0x2, s8;
	p0 =	por $0x1, $0x1;
	_ =	swait.ge [sflag:s26], $0x4000  }
.LBB2_5:
0x3e: {  	s24 =	sshll.u32 @!p1 s24, $0x7  }
0x3f: {  	s18 =	sxor.u32 @!p1 $0x1800, s18;
	[sflag:s26] =	ssyncset.done $0x0;
	s11 =	sshll.u32 s11, $0xB  }
0x40: {  	s15 =	sor.u32 s19, s15;
	s24 =	sand.u32 @!p1 $0x1FFFFF80, s24;
	[sflag:s26] =	ssyncadd.s32 $0xFFFFC000  }
0x41: {  	s12 =	smov.u32 s0;
	s3 =	sadd.s32 @!p1 s1, s24;
	s24 =	sadd.s32 @!p1 s14, s24  }
0x42: {  	[tilespmem:s21], [sflag:$0x1] =	stream.indirect.gather [hbm4b:s5+s20], $0x80, s15, s20, $0xb8;
	[tilespmem:$0x1E000] =	vst v63  }
0x43: {  	s0 =	sadd.s32 $0x1, s0;
	s10 =	smov.u32 s16;
	_ =	swait.ge [sflag:s7], $0x4000  }
0x44: {  	p2 =	slt.s32 s0, s16;
	s15 =	sor.u32 $0x80, s15;
	[sflag:s7] =	ssyncset.done $0x0  }
0x45: {  	s10 =	smov.u32 @p2 s0;
	p2 =	sne.s32 s9, s0;
	[sflag:s7] =	ssyncadd.s32 $0xFFFFC000  }
0x46: {  	[tilespmem:s22], [sflag:$0x2] =	stream.indirect.gather [hbm4b:s5+s20], $0x80, s15, s20, $0xb8;
	[tilespmem:$0x1E000] =	vst v63  }
0x47: {  	s17 =	simm.s32 @!p1 $0x0;
	s19 =	smov.u32 s29;
	s15 =	sshll.u32 s10, $0x8  }
0x48: {  	[tilespmem:s13], [sflag:$0x5] =	stream.linear.gather @!p1 [hbm4b:s3+s17], $0x800, $0x38;
	[tilespmem:$0x1E000] =	vst v63  }
0x49: {  	s29 =	sand.u32 $0x700, s15  }
0x4a: {  	[tilespmem:s18], [sflag:$0x5] =	stream.linear.gather @!p1 [hbm4b:s24+s17], $0x800, $0x38;
	[tilespmem:$0x1E000] =	vst v63  }
0x4b: {  	s3 =	sor.u32 s4, s11;
	_ =	swait.ge [sflag:s23], $0x4000  }
0x4c: {  	s4 =	sor.u32 $0x1000, s3;
	[sflag:s23] =	ssyncset.done $0x0  }
0x4d: {  	s3 =	sor.u32 $0x1080, s3;
	[sflag:s23] =	ssyncadd.s32 $0xFFFFC000  }
0x4e: {  	[spmem:s2] =	stream.indirect.scatter.add.f32 [tilespmem:s21], [sflag:$0x3], $0x80, s4, s20, $0xb8;
	[tilespmem:$0x1E000] =	vst v63  }
0x4f: {  	s4 =	sshrl.u32 s31, $0x3;
	s31 =	smov.u32 s10;
	_ =	swait.ge [sflag:s25], $0x4000  }
0x50: {  	p3 =	seq.s32 s4, s30;
	s4 =	sshll.u32 s4, $0xB;
	[sflag:s25] =	ssyncset.done $0x0  }
0x51: {  	s30 =	sshrl.u32 s12, $0x3;
	s10 =	simm.s32 @!p3 $0x5;
	[sflag:s25] =	ssyncadd.s32 $0xFFFFC000  }
0x52: {  	[spmem:s2] =	stream.indirect.scatter.add.f32 [tilespmem:s22], [sflag:$0x4], $0x80, s3, s20, $0xb8;
	[tilespmem:$0x1E000] =	vst v63  }
0x53: {  	s15 =	sand.u32 $0x800, s4;
	s4 =	sshll.u32 s30, $0x4;
	_ =	swait.ge @!p3 [sflag:s10], $0x800  }
0x54: {  	s3 =	sand.u32 $0x7, s12;
	s12 =	sadd.s32 $0x10, s4;
	[sflag:s10] =	ssyncset.done @!p3 $0x0  }
.Ltmp2:
0x55: {  	p1 =	sne.s32 s3, $0x0;
	[sflag:s10] =	ssyncadd.s32 @!p3 $0xFFFFF800;
	(pc) =	sbr.rel @p2 .LBB2_5-.Ltmp2, $4  }
0x56: {  	s4 =	sshll.u32 s3, $0x8;
	p4 =	sge.s32 @!p1 s12, s6;
	_ =	swait.ge @!p3 [sflag:s10], $0x800  }
0x57: {  	s11 =	sand.u32 $0x1, s30;
	p1 =	por p4, p1;
	[sflag:s10] =	ssyncset.done @!p3 $0x0  }
0x58: {  	s3 =	sshrl.u32 @!p1 s12, $0x3;
	s18 =	sshll.u32 @!p1 s11, $0xB;
	[sflag:s10] =	ssyncadd.s32 @!p3 $0xFFFFF800  }
0x59: {  	s24 =	sadd.s32 @!p1 s8, s3;
	s13 =	sxor.u32 @!p1 $0x800, s18;
	_ =	swait.ge [sflag:s26], $0x4000  }
0x5a: {  	s0 =	smov.u32 s19;
	s19 =	smov.u32 s29;
	s12 =	rddreg [dreg:$0x5]  }
0x5b: {  	s29 =	smov.u32 s31;
	s17 =	rddreg [dreg:$0x8];
	s31 =	simm.s32 $0x6  }
.LBB2_7:
0x5c: {  	[sflag:s26] =	ssyncset.done @p0 $0x0  }
0x5d: {  	s0 =	sor.u32 @p0 s0, s15;
	[sflag:s26] =	ssyncadd.s32 @p0 $0xFFFFC000  }
0x5e: {  	[tilespmem:s21], [sflag:$0x1] =	stream.indirect.gather @p0 [hbm4b:s5+s20], $0x80, s0, s20, $0xb8;
	[tilespmem:$0x1E000] =	vst v63  }
0x5f: {  	_ =	swait.ge @p0 [sflag:s7], $0x4000  }
0x60: {  	s3 =	sshll.u32 @!p1 s24, $0x7;
	[sflag:s7] =	ssyncset.done @p0 $0x0  }
0x61: {  	s3 =	sand.u32 @!p1 $0x1FFFFF80, s3;
	s0 =	sor.u32 @p0 $0x80, s0;
	[sflag:s7] =	ssyncadd.s32 @p0 $0xFFFFC000  }
0x62: {  	[tilespmem:s22], [sflag:$0x2] =	stream.indirect.gather @p0 [hbm4b:s5+s20], $0x80, s0, s20, $0xb8;
	[tilespmem:$0x1E000] =	vst v63  }
0x63: {  	s10 =	simm.s32 @!p1 $0x0;
	s0 =	sadd.s32 @!p1 s1, s3  }
0x64: {  	[tilespmem:s13], [sflag:$0x5] =	stream.linear.gather @!p1 [hbm4b:s0+s10], $0x800, $0x38;
	[tilespmem:$0x1E000] =	vst v63  }
0x65: {  	s3 =	sadd.s32 @!p1 s14, s3;
	s0 =	sxor.u32 @!p1 $0x1800, s18  }
0x66: {  	[tilespmem:s0], [sflag:$0x5] =	stream.linear.gather @!p1 [hbm4b:s3+s10], $0x800, $0x38;
	[tilespmem:$0x1E000] =	vst v63  }
0x67: {  	s13 =	sshll.u32 s11, $0xB;
	_ =	swait.ge [sflag:s23], $0x4000  }
0x68: {  	s0 =	sor.u32 s4, s13;
	[sflag:s23] =	ssyncset.done $0x0  }
0x69: {  	s15 =	sor.u32 $0x1000, s0;
	[sflag:s23] =	ssyncadd.s32 $0xFFFFC000  }
0x6a: {  	[spmem:s2] =	stream.indirect.scatter.add.f32 [tilespmem:s21], [sflag:$0x3], $0x80, s15, s20, $0xb8;
	[tilespmem:$0x1E000] =	vst v63  }
0x6b: {  	_ =	swait.ge [sflag:s25], $0x4000  }
0x6c: {  	s18 =	sshrl.u32 s29, $0x3;
	[sflag:s25] =	ssyncset.done $0x0  }
0x6d: {  	p0 =	seq.s32 s18, s30;
	s0 =	sor.u32 $0x1080, s0;
	[sflag:s25] =	ssyncadd.s32 $0xFFFFC000  }
0x6e: {  	[spmem:s2] =	stream.indirect.scatter.add.f32 [tilespmem:s22], [sflag:$0x4], $0x80, s0, s20, $0xb8;
	[tilespmem:$0x1E000] =	vst v63  }
0x6f: {  	s0 =	simm.s32 @!p0 $0x5  }
0x70: {  	_ =	swait.ge @!p0 [sflag:s0], $0x800  }
0x71: {  	[sflag:s0] =	ssyncset.done @!p0 $0x0  }
0x72: {  	[sflag:s0] =	ssyncadd.s32 @!p0 $0xFFFFF800  }
0x73: {  	_ =	swait.ge @!p0 [sflag:s0], $0x800  }
0x74: {  	[sflag:s0] =	ssyncset.done @!p0 $0x0  }
0x75: {  	[sflag:s0] =	ssyncadd.s32 @!p0 $0xFFFFF800  }
0x76: {  	s24 =	sshll.u32 s18, $0xB;
	_ =	swait.ge [sflag:s26], $0x4000  }
0x77: {  	s0 =	sand.u32 $0x800, s24;
	[sflag:s26] =	ssyncset.done $0x0  }
0x78: {  	s0 =	sor.u32 s19, s0;
	[sflag:s26] =	ssyncadd.s32 $0xFFFFC000  }
0x79: {  	[tilespmem:s21], [sflag:$0x1] =	stream.indirect.gather [hbm4b:s5+s20], $0x80, s0, s20, $0xb8;
	[tilespmem:$0x1E000] =	vst v63  }
0x7a: {  	_ =	swait.ge [sflag:s7], $0x4000  }
0x7b: {  	[sflag:s7] =	ssyncset.done $0x0  }
0x7c: {  	s0 =	sor.u32 $0x80, s0;
	[sflag:s7] =	ssyncadd.s32 $0xFFFFC000  }
0x7d: {  	[tilespmem:s22], [sflag:$0x2] =	stream.indirect.gather [hbm4b:s5+s20], $0x80, s0, s20, $0xb8;
	[tilespmem:$0x1E000] =	vst v63  }
0x7e: {  	_ =	swait.ge [sflag:s23], $0x4000  }
0x7f: {  	[sflag:s23] =	ssyncset.done $0x0  }
0x80: {  	[sflag:s23] =	ssyncadd.s32 $0xFFFFC000  }
0x81: {  	_ =	swait.ge [sflag:s25], $0x4000  }
0x82: {  	[sflag:s25] =	ssyncset.done $0x0  }
0x83: {  	[sflag:s25] =	ssyncadd.s32 $0xFFFFC000  }
0x84: {  	[bflag:$0x0] =	sbarrier.arrive $0xFFFF  }
0x85: {  	s29 =	rddreg [dreg:$0xa]  }
0x86: {  	[hbm:s29], [sflag:s12] =	dma.local [spmem:s17], $0x2800  }
0x87: {  	_ =	swait.ge [sflag:s31], $0x2800  }
0x88: {  	s28 =	sadd.s32 $0x1, s28;
	s30 =	rddreg [dreg:$0x7]  }
0x89: {  	p0 =	sne.s32 s28, s30  }
.Ltmp3:
0x8a: {  	_ = 	snop;
	(pc) =	sbr.rel @p0 .LBB2_1-.Ltmp3, $4  }
.Ltmp4:
0x8b: {  	_ = 	snop;
	(pc) =	sbr.rel @!p0 .LBB2_8-.Ltmp4, $4  }
0x8c: {  	_ = 	snop  }
0x8d: {  	[sflag:s31] =	ssyncset.done $0x0  }
0x8e: {  	[sflag:s31] =	ssyncadd.s32 $0xFFFFD800  }
0x8f: {  	_ = 	snop  }
.LBB2_2:
.Ltmp5:
0x90: {  	(pc) =	sbr.rel .LBB2_7-.Ltmp5, $2  }
0x91: {  	_ =	sdelay $0x2  }
0x92: {  	_ = 	snop  }
.LBB2_4:
.Ltmp6:
0x93: {  	(pc) =	sbr.rel .LBB2_7-.Ltmp6, $3  }
0x94: {  	_ =	sdelay $0x1  }
0x95: {  	s0 =	smov.u32 s19;
	s19 =	smov.u32 s29;
	s12 =	rddreg [dreg:$0x5]  }
0x96: {  	s29 =	smov.u32 s31;
	s17 =	rddreg [dreg:$0x8];
	s31 =	simm.s32 $0x6  }
.LBB2_8:
0x97: {  	_ =	sfence.sel $0x180000  }
0x98: {  	[bflag:$0x0] =	sbarrier.arrive $0xFFFF  }
0x99: {  	_ =	strace $0x9000004A  }
0x9a: {  	s0 =	stileid.u32;
	[bflag:$0x2] =	sbarrier.arrive $0xFFFF  }
0x9b: {  	p0 =	sne.s32 s0, $0x0;
	s0 =	rddreg [dreg:$0x3]  }
0x9c: {  	s0 =	sadd.s32 @!p0 $0x100000, s0  }
0x9d: {  	[sflag:s0] =	ssyncadd.tile.s32 @!p0 $0x1;
	_ =	shalt  }
.Lfunc_end2:
_tile_overlayer_lowered:
.L_overlay_start_2:
0x9e: {  	(tag) =	ssettag $0x2  }
0x9f: {  	s0 =	rddreg [dreg:$0x0];
	s2 =	stileid.u32  }
0xa0: {  	s1 =	rddreg [dreg:$0x1];
	p0 =	sne.s32 s2, $0x0  }
0xa1: {  	s3 =	rddreg [dreg:$0x2];
	[bflag:$0x3] =	sbarrier.arrive $0xFFFF;
	s2 =	simm.s32 @!p0 $0x1C06  }
0xa2: {  	[timem:s3], [sflag:s2] =	dma.local @!p0 [hbm:s0], s1  }
0xa3: {  	s0 =	simm.s32 @!p0 $0x6  }
0xa4: {  	_ =	swait.ge @!p0 [sflag:s0], s1  }
0xa5: {  	s1 =	ssub.s32 @!p0 $0x0, s1;
	[sflag:s0] =	ssyncset.done @!p0 $0x0  }
0xa6: {  	[sflag:s0] =	ssyncadd.s32 @!p0 s1  }
0xa7: {  	[bflag:$0x3] =	sbarrier.arrive $0xFFFF  }
0xa8: {  	_ =	shalt  }

// kernel: kernel.14.cloned.1.call-start
scs
__scs_entry_jumppad:
0x0: {  	(pc) =	sbr.rel $0x88, $3  }
0x1: {  	(tag) =	ssettag $0x0;
	lr =	simm.s32 $0x1  }
0x2: {  	[smem:$0x3F9B] =	sst lr;
	_ =	strace $0xD0000000  }
0x3: {  	_ = 	snop  }
0x4: {  	_ = 	snop  }
0x5: {  	_ = 	snop  }
0x6: {  	_ = 	snop  }
0x7: {  	_ = 	snop  }
__scs_overlays_trampoline_lowered:
0x8: {  	[smem:$0x3FAA] =	sst s0  }
0x9: {  	[smem:$0x3FAB] =	sst s1  }
0xa: {  	[smem:$0x3FAC] =	sst s2  }
0xb: {  	[smem:$0x3FAD] =	sst s3  }
0xc: {  	[smem:$0x3FAE] =	sst s4  }
0xd: {  	[smem:$0x3FAF] =	sst s5  }
0xe: {  	[smem:$0x3FB0] =	sst s6  }
0xf: {  	[smem:$0x3FB1] =	sst s7  }
0x10: {  	[smem:$0x3FB2] =	sst s8  }
0x11: {  	[smem:$0x3FB3] =	sst s9;
	s0 =	simm.s32 @!p0 $0x0  }
0x12: {  	s1 =	sld [smem:$0x3F99];
	s0 =	simm.s32 @p0 $0x1  }
0x13: {  	[smem:$0x3FB4] =	sst s0;
	s0 =	simm.s32 @!p1 $0x0  }
0x14: {  	s2 =	sld [smem:$0x3F98];
	s0 =	simm.s32 @p1 $0x1  }
0x15: {  	[smem:$0x3FB5] =	sst s0;
	s0 =	simm.s32 @!p2 $0x0  }
0x16: {  	s3 =	sld [smem:$0x3FDB];
	s0 =	simm.s32 @p2 $0x1  }
0x17: {  	s4 =	simm.s32 $0x1BF5;
	[smem:$0x3FB7] =	sst s0  }
0x18: {  	s0 =	sld [smem:$0x3F9A];
	_ =	swait.ge [sflag:s4], $0x0  }
0x19: {  	s7 =	sld [smem:$0x3F9B]  }
0x1a: {  	s8 =	sadd.s32 $0xFFFFE003, lr  }
0x1b: {  	s9 =	sadd.s32 $0xFFFFFEF7, lr;
	s5 =	simm.s32 $0xFFFFFFFF;
	p2 =	slt.u32 s8, $0xFFFFF086  }
0x1c: {  	p1 =	slt.u32 s9, $0xF7A;
	s5 =	simm.s32 @!p2 $0x0  }
0x1d: {  	s5 =	simm.s32 @p1 $0x1;
	p0 =	seq.s32 s7, s2  }
0x1e: {  	s7 =	smul.u32 @!p0 $0xF7A, s2;
	p2 =	seq.s32 @!p0 s5, $0x0  }
0x1f: {  	s9 =	smul.u32 $0xF7A, s1;
	s8 =	simm.s32 @!p0 $0x1BF5;
	p2 =	por !p2, p0  }
0x20: {  	[sflag:s8] =	ssyncset.s32 @!p0 $0xFFFFF086;
	s6 =	sadd.s32 @!p0 s3, s7;
	s7 =	simm.s32 @!p0 $0x108  }
0x21: {  	s3 =	sadd.s32 s3, s9;
	s6 =	sadd.s32 @!p0 $0x88, s6;
	s7 =	simm.s32 @p2 $0x1082  }
0x22: {  	[simem:s7], [sflag:s8] =	dma.local @!p0 [hbm:s6], $0xF7A  }
0x23: {  	s9 =	sor.u32 $0xD0000000, s2;
	s6 =	simm.s32 $0x108;
	_ =	swait.ge @!p0 [sflag:s8], $0x0  }
0x24: {  	s3 =	sadd.s32 $0x88, s3;
	s6 =	simm.s32 @!p1 $0x1082;
	[sflag:s4] =	ssyncset.s32 $0xFFFFF086  }
0x25: {  	[simem:s6], [sflag:s4] =	dma.local [hbm:s3], $0xF7A  }
0x26: {  	[smem:$0x3F9B] =	sst s1;
	(tag) =	ssettag s2;
	_ =	strace s9  }
0x27: {  	s1 =	sld [smem:$0x3FAB]  }
0x28: {  	s2 =	sld [smem:$0x3FAC]  }
0x29: {  	s4 =	sld [smem:$0x3FAE]  }
0x2a: {  	p0 =	seq.s32 s5, $0x0;
	s5 =	sld [smem:$0x3FAF]  }
0x2b: {  	s6 =	sld [smem:$0x3FB0]  }
0x2c: {  	s7 =	sld [smem:$0x3FB1]  }
0x2d: {  	s3 =	simm.s32 $0x108;
	s8 =	sld [smem:$0x3FB2]  }
0x2e: {  	s3 =	simm.s32 @!p0 $0x1082;
	s9 =	sld [smem:$0x3FB3]  }
0x2f: {  	lr =	sadd.s32 s0, s3;
	s0 =	sld [smem:$0x3FAA]  }
0x30: {  	s3 =	sld [smem:$0x3FAD]  }
0x31: {  	[smem:$0x3FB6] =	sst s10  }
0x32: {  	s10 =	sld [smem:$0x3FB4];
	_ =	sdelay $0x3  }
0x33: {  	p0 =	seq.s32 s10, $0x1;
	s10 =	sld [smem:$0x3FB6];
	_ =	sdelay $0x3  }
0x34: {  	[smem:$0x3FB6] =	sst s10  }
0x35: {  	s10 =	sld [smem:$0x3FB5];
	_ =	sdelay $0x3  }
0x36: {  	p1 =	seq.s32 s10, $0x1;
	s10 =	sld [smem:$0x3FB6];
	_ =	sdelay $0x3  }
0x37: {  	[smem:$0x3FB6] =	sst s10  }
0x38: {  	s10 =	sld [smem:$0x3FB7]  }
0x39: {  	_ = 	snop;
	(pc) =	sbr.ind lr, $3  }
0x3a: {  	_ = 	snop  }
0x3b: {  	_ = 	snop  }
0x3c: {  	p2 =	seq.s32 s10, $0x1;
	s10 =	sld [smem:$0x3FB6]  }
0x3d: {  	_ =	shalt  }
0x3e: {  	_ =	shalt  }
0x3f: {  	_ =	shalt  }
0x40: {  	_ =	shalt  }
0x41: {  	_ =	shalt  }
0x42: {  	_ =	shalt  }
0x43: {  	_ =	shalt  }
0x44: {  	_ =	shalt  }
0x45: {  	_ =	shalt  }
0x46: {  	_ =	shalt  }
0x47: {  	_ =	shalt  }
0x48: {  	_ =	shalt  }
0x49: {  	_ =	shalt  }
0x4a: {  	_ =	shalt  }
0x4b: {  	_ =	shalt  }
0x4c: {  	_ =	shalt  }
0x4d: {  	_ =	shalt  }
0x4e: {  	_ =	shalt  }
0x4f: {  	_ =	shalt  }
0x50: {  	_ =	shalt  }
0x51: {  	_ =	shalt  }
0x52: {  	_ =	shalt  }
0x53: {  	_ =	shalt  }
0x54: {  	_ =	shalt  }
0x55: {  	_ =	shalt  }
0x56: {  	_ =	shalt  }
0x57: {  	_ =	shalt  }
0x58: {  	_ =	shalt  }
0x59: {  	_ =	shalt  }
0x5a: {  	_ =	shalt  }
0x5b: {  	_ =	shalt  }
0x5c: {  	_ =	shalt  }
0x5d: {  	_ =	shalt  }
0x5e: {  	_ =	shalt  }
0x5f: {  	_ =	shalt  }
0x60: {  	_ =	shalt  }
0x61: {  	_ =	shalt  }
0x62: {  	_ =	shalt  }
0x63: {  	_ =	shalt  }
0x64: {  	_ =	shalt  }
0x65: {  	_ =	shalt  }
0x66: {  	_ =	shalt  }
0x67: {  	_ =	shalt  }
0x68: {  	_ =	shalt  }
0x69: {  	_ =	shalt  }
0x6a: {  	_ =	shalt  }
0x6b: {  	_ =	shalt  }
0x6c: {  	_ =	shalt  }
0x6d: {  	_ =	shalt  }
0x6e: {  	_ =	shalt  }
0x6f: {  	_ =	shalt  }
0x70: {  	_ =	shalt  }
0x71: {  	_ =	shalt  }
0x72: {  	_ =	shalt  }
0x73: {  	_ =	shalt  }
0x74: {  	_ =	shalt  }
0x75: {  	_ =	shalt  }
0x76: {  	_ =	shalt  }
0x77: {  	_ =	shalt  }
0x78: {  	_ =	shalt  }
0x79: {  	_ =	shalt  }
0x7a: {  	_ =	shalt  }
0x7b: {  	_ =	shalt  }
0x7c: {  	_ =	shalt  }
0x7d: {  	_ =	shalt  }
0x7e: {  	_ =	shalt  }
0x7f: {  	_ =	shalt  }
0x80: {  	_ =	shalt  }
0x81: {  	_ =	shalt  }
0x82: {  	_ =	shalt  }
0x83: {  	_ =	shalt  }
0x84: {  	_ =	shalt  }
0x85: {  	_ =	shalt  }
0x86: {  	_ =	shalt  }
0x87: {  	_ =	shalt  }
.Lfunc_end0:
.L_simem_size_0:
called_computation.2_lowered:
.L_overlay_start_0:
0x88: {  	s2 =	sld [smem:$0x3FD9]  }
0x89: {  	s3 =	sld [smem:$0x3FFE];
	_ =	sdelay $0x1  }
0x8a: {  	s1 =	srdreg.scid  }
0x8b: {  	s0 =	sand.u32 $0x1, s1  }
0x8c: {  	s16 =	sshll.u32 s0, $0xA;
	s2 =	sadd.s32 s3, s2  }
0x8d: {  	s2 =	sadd.s32 s2, s16  }
0x8e: {  	[smem:$0x3FC2] =	sst s2  }
0x8f: {  	_ = 	snop  }
0x90: {  	(tm) =	ssettm $0x1  }
0x91: {  	s17 =	sld [smem:$0x3FFB];
	_ =	sdelay $0x3  }
0x92: {  	_ =	strace s17  }
0x93: {  	s2 =	sld [smem:$0x3FFC];
	_ =	sdelay $0x3  }
0x94: {  	_ =	strace s2  }
0x95: {  	s2 =	sld [smem:$0x3FFD];
	_ =	sdelay $0x3  }
0x96: {  	_ =	strace s2  }
0x97: {  	_ =	strace $0x8FFFFFFF  }
0x98: {  	s18 =	sld [smem:$0x3FDB];
	_ =	sdelay $0x1  }
0x99: {  	s19 =	simm.s32 $_scs_section_size  }
0x9a: {  	s4 =	simm.s32 $_size__tile_overlayer_lowered;
	s5 =	simm.s32 $_tile_overlayer_lowered  }
0x9b: {  	s22 =	simm.s32 $0x1BFF;
	s21 =	sshll.u32 s5, $0x1;
	s2 =	sadd.s32 s19, s18  }
0x9c: {  	s6 =	simm.s32 $0x0;
	s20 =	sshll.u32 s4, $0x1;
	s4 =	sadd.s32 s21, s2  }
0x9d: {  	[timem:s6], [sflag:s22] =	dma.local [hbm:s4], s20  }
0x9e: {  	_ =	swait.ge [sflag:s22], s20  }
0x9f: {  	s3 =	ssub.s32 $0x0, s20;
	[sflag:s22] =	ssyncset.done $0x0  }
0xa0: {  	[sflag:s22] =	ssyncadd.s32 s3;
	_ =	sdelay $0x1  }
0xa1: {  	s23 =	simm.s32 $0x1B8B  }
0xa2: {  	_ =	swait.ge [sflag:s23], $0x1  }
0xa3: {  	[sflag:s23] =	ssyncset.done $0x0  }
0xa4: {  	s25 =	simm.s32 $0x1B8E;
	s24 =	sld [smem:$0x3FFE];
	[sflag:s23] =	ssyncadd.s32 $0xFFFFFFFF  }
0xa5: {  	s26 =	simm.s32 $execute0_lowered;
	[smem:$0x3FD2] =	sst s25  }
0xa6: {  	s4 =	sshll.u32 s26, $0x1;
	_ =	strace $0x8000004C;
	[dreg:$0x1] =	wrdreg $0xFFFFFFFF  }
0xa7: {  	s28 =	simm.s32 $_size_execute0_lowered;
	s2 =	sadd.s32 s2, s4;
	[dreg:$0x0] =	wrdreg $0x0  }
0xa8: {  	s4 =	sshll.u32 s28, $0x1;
	[dreg:$0x2] =	wrdreg s2  }
0xa9: {  	[dreg:$0x3] =	wrdreg s4  }
0xaa: {  	[dreg:$0x4] =	wrdreg $0xC0  }
0xab: {  	_ =	task [dreg:s6], $0x5FFFF  }
0xac: {  	[dreg:$0x1] =	wrdreg $0xFFFFFFFF  }
0xad: {  	[dreg:$0x0] =	wrdreg $0x60  }
0xae: {  	[dreg:$0x2] =	wrdreg s24  }
0xaf: {  	[dreg:$0x3] =	wrdreg $0x60000  }
0xb0: {  	[dreg:$0x4] =	wrdreg $0x9  }
0xb1: {  	_ =	task.clear_ibuf [dreg:s6], $0x5FFFF;
	_ =	strace $0x9000004C  }
0xb2: {  	s29 =	simm.s32 $0x9;
	_ =	strace $0x8000004E  }
0xb3: {  	_ =	swait.ge [sflag:s29], $0x1  }
0xb4: {  	[sflag:s29] =	ssyncadd.s32 $0xFFFFFFFF  }
0xb5: {  	_ =	strace $0x9000004E  }
0xb6: {  	_ =	sfence  }
0xb7: {  	s30 =	sld [smem:$0x0];
	_ =	sdelay $0x2  }
0xb8: {  	s31 =	sshll.u32 s1, $0xD;
	s1 =	sshrl.u32 s1, $0x2  }
0xb9: {  	s3 =	sand.u32 $0x4000, s31;
	s1 =	sadd.s32 s1, s30  }
0xba: {  	s0 =	sor.u32 s3, s0;
	s1 =	sshll.u32 s1, $0x11  }
0xbb: {  	s0 =	sor.u32 s1, s0  }
0xbc: {  	s0 =	sadd.s32 $0x8F2B, s0  }
0xbd: {  	[sflag:s0] =	ssyncadd.remote.s32 $0x1  }
0xbe: {  	_ =	sfence.sel $0xFFFF  }
0xbf: {  	[dreg:$0x0] =	wrdreg $0xFFFFFFFF;
	(pc) =	sbr.abs _section_cstart, $3  }
0xc0: {  	[dreg:$0x1] =	wrdreg $0xFFFFFFFF  }
0xc1: {  	_ =	task.clear_ibuf [dreg:s6], $0x2FFFF;
	_ =	strace $0x9FFFFFFF  }
0xc2: {  	(tm) =	ssettm $0x7FFFFFFF  }
0xc3: {  	_ =	shalt  }
tec
execute0_lowered:
.L_overlay_start_1:
0x0: {  	(tag) =	ssettag $0x1  }
0x1: {  	s0 =	rddreg [dreg:$0x0]  }
0x2: {  	s1 =	rddreg [dreg:$0x1]  }
0x3: {  	s2 =	simm.s32 $0x0;
	s3 =	srdreg.scid;
	s21 =	stileid.u32  }
0x4: {  	s9 =	simm.s32 $0x4;
	s16 =	simm.s32 $0x6;
	s19 =	simm.s32 $0x80  }
0x5: {  	s20 =	simm.s32 $0x2000;
	[smem:$0x7FF] =	sst s2;
	s3 =	sand.u32 $0x1, s3  }
0x6: {  	s4 =	sadd.s32 $0x16E00, s0;
	s5 =	sadd.s32 $0x3400, s0;
	s12 =	smul.u32 $0xA000, s21  }
0x7: {  	s24 =	sshll.u32 s21, $0x6;
	s13 =	sadd.s32 $0xD100, s0;
	_ =	strace $0x8000004D  }
0x8: {  	s6 =	sshll.u32 s3, $0x4;
	s7 =	smul.u32 $0x14000, s3;
	s3 =	ssub.s32 $0x2, s3  }
0x9: {  	s8 =	sor.u32 s21, s6;
	s6 =	simm.s32 $0x50;
	s22 =	sshrl.u32 s3, $0x1  }
0xa: {  	s15 =	sadd.s32 s12, s1;
	s18 =	sshrl.u32 s12, $0x3;
	s21 =	simm.s32 $0x4000  }
0xb: {  	p0 =	slt.u32 s8, $0x18;
	s10 =	sadd.s32 s7, s0;
	s3 =	ssub.s32 s3, s22  }
0xc: {  	s23 =	smul.u32 $0x9, s8;
	s11 =	smin.u32 s8, $0x18;
	s25 =	sadd.s32 s4, s18  }
0xd: {  	s15 =	sshrl.u32 s15, $0x3;
	s22 =	simm.s32 $0x1;
	s6 =	simm.s32 @!p0 $0x48  }
0xe: {  	p0 =	seq.s32 s8, $0x1F;
	s8 =	simm.s32 $0x4;
	[dreg:$0x4] =	wrdreg s25  }
0xf: {  	s29 =	sadd.s32 $0x2AE00, s10;
	s30 =	smax.u32 s3, $0x1;
	s25 =	simm.s32 $0x3  }
0x10: {  	s9 =	simm.s32 @!p0 $0x0;
	s14 =	sadd.s32 s11, s23;
	s11 =	sor.u32 $0x1C06, s24  }
0x11: {  	[dreg:$0x6] =	wrdreg s30;
	s23 =	simm.s32 $0x2;
	s0 =	sadd.s32 s18, s29  }
0x12: {  	s17 =	sshll.u32 s14, $0x7;
	s28 =	sshll.u32 s14, $0xA;
	[dreg:$0x8] =	wrdreg s0  }
0x13: {  	s6 =	sor.u32 s9, s6;
	s26 =	sadd.s32 s5, s17;
	[dreg:$0x3] =	wrdreg s28  }
0x14: {  	s7 =	sshrl.u32 s6, $0x1;
	s31 =	sadd.s32 s17, s13;
	[dreg:$0x5] =	wrdreg s26  }
0x15: {  	s9 =	sadd.s32 $0xFFFFFFFF, s7;
	[dreg:$0x7] =	wrdreg s31;
	s26 =	simm.s32 $0x0  }
.LBB2_1:
0x16: {  	s0 =	rddreg [dreg:$0x4]  }
0x17: {  	[spmem:s15], [sflag:s11] =	dma.local [hbm:s0], $0x1400  }
0x18: {  	_ =	swait.ge [sflag:s16], $0x1400  }
0x19: {  	[sflag:s16] =	ssyncset.done $0x0  }
0x1a: {  	s24 =	simm.s32 $0x0;
	s2 =	rddreg [dreg:$0x5];
	[sflag:s16] =	ssyncadd.s32 $0xFFFFEC00  }
0x1b: {  	[tilespmem:s24], [sflag:$0x6] =	stream.linear.gather [hbm4b:s2+s24], $0x800, $0x38;
	[tilespmem:$0x10000] =	vst v63  }
0x1c: {  	s3 =	simm.s32 $0x1000;
	_ =	swait.ge [sflag:s16], $0x800  }
0x1d: {  	s18 =	simm.s32 $0x1;
	p0 =	sgt.s32 s9, $0x1;
	[sflag:s16] =	ssyncset.done $0x0  }
0x1e: {  	s31 =	smov.u32 s9;
	s29 =	rddreg [dreg:$0x7];
	[sflag:s16] =	ssyncadd.s32 $0xFFFFF800  }
0x1f: {  	[tilespmem:s3], [sflag:$0x6] =	stream.linear.gather [hbm4b:s29+s24], $0x800, $0x38;
	[tilespmem:$0x10000] =	vst v63  }
0x20: {  	p2 =	sne.s32 s7, $0x1;
	s28 =	simm.s32 $0x0;
	_ =	swait.ge [sflag:s16], $0x800  }
0x21: {  	s31 =	smov.u32 @p0 s18;
	s30 =	sand.u32 $0x7, s24;
	[sflag:s16] =	ssyncset.done $0x0  }
.Ltmp0:
0x22: {  	p0 =	sne.s32 s30, $0x0;
	[sflag:s16] =	ssyncadd.s32 $0xFFFFF800;
	(pc) =	sbr.rel @!p2 .LBB2_2-.Ltmp0, $4  }
0x23: {  	s10 =	simm.s32 $0x10;
	p1 =	sle.s32 @!p0 s6, $0x10;
	[bflag:$0x0] =	sbarrier.arrive $0xFFFF  }
0x24: {  	[tilespmem:s20], [sflag:$0x1] =	stream.indirect.gather [hbm4b:s4+s19], $0x40, s24, s19, $0xb8;
	[tilespmem:$0x10000] =	vst v63  }
0x25: {  	p1 =	por p1, p0;
	p0 =	por $0x0, $0x0;
	s3 =	sshll.u32 s31, $0x8  }
0x26: {  	[tilespmem:s21], [sflag:$0x2] =	stream.indirect.gather [hbm4b:s4+s19], $0x40, s19, s19, $0xb8;
	[tilespmem:$0x10000] =	vst v63  }
0x27: {  	s0 =	rddreg [dreg:$0x3]  }
0x28: {  	s10 =	sand.u32 $0x1, s28;
	s0 =	sadd.s32 @!p1 $0x800, s0  }
0x29: {  	s28 =	sshll.u32 @!p1 s10, $0xB;
	s0 =	sshrl.u32 @!p1 s0, $0x3  }
0x2a: {  	s29 =	simm.s32 @!p1 $0x0;
	s12 =	sxor.u32 @!p1 $0x800, s28;
	s14 =	sadd.s32 @!p1 s5, s0  }
0x2b: {  	[tilespmem:s12], [sflag:$0x5] =	stream.linear.gather @!p1 [hbm4b:s14+s29], $0x800, $0x38;
	[tilespmem:$0x10000] =	vst v63  }
0x2c: {  	s0 =	sadd.s32 @!p1 s13, s0;
	s12 =	sxor.u32 @!p1 $0x1800, s28  }
0x2d: {  	[tilespmem:s12], [sflag:$0x5] =	stream.linear.gather @!p1 [hbm4b:s0+s29], $0x800, $0x38;
	[tilespmem:$0x10000] =	vst v63  }
0x2e: {  	s14 =	sshll.u32 s30, $0x8;
	s12 =	sshll.u32 s10, $0xB;
	_ =	swait.ge [sflag:s22], $0x2000  }
0x2f: {  	s0 =	sor.u32 s14, s12;
	[sflag:s22] =	ssyncset.done $0x0  }
0x30: {  	s10 =	sor.u32 $0x1000, s0;
	[sflag:s22] =	ssyncadd.s32 $0xFFFFE000  }
0x31: {  	[spmem:s1] =	stream.indirect.scatter.add.f32 [tilespmem:s20], [sflag:$0x3], $0x40, s10, s19, $0xb8;
	[tilespmem:$0x10000] =	vst v63  }
0x32: {  	s17 =	sshrl.u32 s31, $0x3;
	s31 =	smov.u32 s9;
	_ =	swait.ge [sflag:s23], $0x2000  }
0x33: {  	p2 =	sne.s32 s7, $0x2;
	p0 =	seq.s32 s17, $0x0;
	[sflag:s23] =	ssyncset.done $0x0  }
0x34: {  	s12 =	simm.s32 @!p0 $0x5;
	s0 =	sor.u32 $0x1080, s0;
	[sflag:s23] =	ssyncadd.s32 $0xFFFFE000  }
0x35: {  	[spmem:s1] =	stream.indirect.scatter.add.f32 [tilespmem:s21], [sflag:$0x4], $0x40, s0, s19, $0xb8;
	[tilespmem:$0x10000] =	vst v63  }
0x36: {  	s3 =	sand.u32 $0x700, s3;
	s30 =	sand.u32 $0x7, s18;
	_ =	swait.ge @!p0 [sflag:s12], $0x800  }
0x37: {  	s29 =	simm.s32 $0x2;
	p1 =	sgt.s32 s9, $0x2;
	[sflag:s12] =	ssyncset.done @!p0 $0x0  }
0x38: {  	s28 =	simm.s32 $0x0;
	s31 =	smov.u32 @p1 s29;
	[sflag:s12] =	ssyncadd.s32 @!p0 $0xFFFFF800  }
.Ltmp1:
0x39: {  	s10 =	sshll.u32 s17, $0xB;
	_ =	swait.ge @!p0 [sflag:s12], $0x800;
	(pc) =	sbr.rel @!p2 .LBB2_4-.Ltmp1, $4  }
0x3a: {  	p1 =	sne.s32 s30, $0x0;
	s24 =	sand.u32 $0x800, s10;
	[sflag:s12] =	ssyncset.done @!p0 $0x0  }
0x3b: {  	s10 =	simm.s32 $0x10;
	s18 =	sor.u32 s3, s24;
	[sflag:s12] =	ssyncadd.s32 @!p0 $0xFFFFF800  }
0x3c: {  	s0 =	sshll.u32 s31, $0x8;
	p0 =	sle.s32 @!p1 s6, $0x10;
	_ =	swait.ge [sflag:s25], $0x2000  }
0x3d: {  	p1 =	por p0, p1;
	p0 =	por $0x1, $0x1;
	[sflag:s25] =	ssyncset.done $0x0  }
.LBB2_5:
0x3e: {  	[sflag:s25] =	ssyncadd.s32 $0xFFFFE000  }
0x3f: {  	[tilespmem:s20], [sflag:$0x1] =	stream.indirect.gather [hbm4b:s4+s19], $0x40, s18, s19, $0xb8;
	[tilespmem:$0x10000] =	vst v63  }
0x40: {  	s12 =	sor.u32 $0x80, s18;
	_ =	swait.ge [sflag:s8], $0x2000  }
0x41: {  	s10 =	sshll.u32 @!p1 s10, $0x7;
	s14 =	rddreg [dreg:$0x3];
	[sflag:s8] =	ssyncset.done $0x0  }
0x42: {  	s17 =	sand.u32 $0x1, s28;
	[sflag:s8] =	ssyncadd.s32 $0xFFFFE000;
	s10 =	sadd.s32 @!p1 s14, s10  }
0x43: {  	[tilespmem:s21], [sflag:$0x2] =	stream.indirect.gather [hbm4b:s4+s19], $0x40, s12, s19, $0xb8;
	[tilespmem:$0x10000] =	vst v63  }
0x44: {  	s3 =	smov.u32 s29;
	s12 =	sshll.u32 @!p1 s17, $0xB;
	s10 =	sshrl.u32 @!p1 s10, $0x3  }
0x45: {  	s14 =	simm.s32 @!p1 $0x0;
	s24 =	sxor.u32 @!p1 $0x800, s12;
	s2 =	sadd.s32 @!p1 s5, s10  }
0x46: {  	[tilespmem:s24], [sflag:$0x5] =	stream.linear.gather @!p1 [hbm4b:s2+s14], $0x800, $0x38;
	[tilespmem:$0x10000] =	vst v63  }
0x47: {  	s29 =	sadd.s32 $0x1, s29;
	s12 =	sxor.u32 @!p1 $0x1800, s12;
	s10 =	sadd.s32 @!p1 s13, s10  }
0x48: {  	[tilespmem:s12], [sflag:$0x5] =	stream.linear.gather @!p1 [hbm4b:s10+s14], $0x800, $0x38;
	[tilespmem:$0x10000] =	vst v63  }
0x49: {  	s17 =	sshll.u32 s17, $0xB;
	s24 =	sshll.u32 s30, $0x8;
	_ =	swait.ge [sflag:s22], $0x2000  }
0x4a: {  	p2 =	slt.s32 s29, s9;
	s10 =	sor.u32 s24, s17;
	[sflag:s22] =	ssyncset.done $0x0  }
0x4b: {  	s18 =	smov.u32 s9;
	s24 =	sor.u32 $0x1000, s10;
	[sflag:s22] =	ssyncadd.s32 $0xFFFFE000  }
0x4c: {  	[spmem:s1] =	stream.indirect.scatter.add.f32 [tilespmem:s20], [sflag:$0x3], $0x40, s24, s19, $0xb8;
	[tilespmem:$0x10000] =	vst v63  }
0x4d: {  	s18 =	smov.u32 @p2 s29;
	s17 =	sshrl.u32 s31, $0x3;
	_ =	swait.ge [sflag:s23], $0x2000  }
0x4e: {  	p2 =	sne.s32 s7, s29;
	p1 =	seq.s32 s17, s28;
	[sflag:s23] =	ssyncset.done $0x0  }
0x4f: {  	s10 =	sor.u32 $0x1080, s10;
	s14 =	simm.s32 @!p1 $0x5;
	[sflag:s23] =	ssyncadd.s32 $0xFFFFE000  }
0x50: {  	[spmem:s1] =	stream.indirect.scatter.add.f32 [tilespmem:s21], [sflag:$0x4], $0x40, s10, s19, $0xb8;
	[tilespmem:$0x10000] =	vst v63  }
0x51: {  	s2 =	sshll.u32 s18, $0x8;
	s30 =	sand.u32 $0x7, s3;
	_ =	swait.ge @!p1 [sflag:s14], $0x800  }
0x52: {  	p3 =	sne.s32 s30, $0x0;
	s12 =	smov.u32 s0;
	[sflag:s14] =	ssyncset.done @!p1 $0x0  }
0x53: {  	s0 =	smov.u32 s2;
	s31 =	smov.u32 s18;
	[sflag:s14] =	ssyncadd.s32 @!p1 $0xFFFFF800  }
.Ltmp2:
0x54: {  	s28 =	sshrl.u32 s3, $0x3;
	_ =	swait.ge @!p1 [sflag:s14], $0x800;
	(pc) =	sbr.rel @p2 .LBB2_5-.Ltmp2, $4  }
0x55: {  	s2 =	sshll.u32 s17, $0xB;
	s18 =	sshll.u32 s28, $0x4;
	[sflag:s14] =	ssyncset.done @!p1 $0x0  }
0x56: {  	s2 =	sand.u32 $0x800, s2;
	s10 =	sadd.s32 $0x10, s18;
	[sflag:s14] =	ssyncadd.s32 @!p1 $0xFFFFF800  }
0x57: {  	s24 =	sand.u32 $0x700, s12;
	p1 =	sge.s32 @!p3 s10, s6;
	_ =	swait.ge [sflag:s25], $0x2000  }
0x58: {  	s18 =	sor.u32 s24, s2;
	p1 =	por p1, p3;
	[sflag:s25] =	ssyncset.done $0x0  }
0x59: {  	s3 =	smov.u32 s0  }
.LBB2_7:
0x5a: {  	[sflag:s25] =	ssyncadd.s32 @p0 $0xFFFFE000  }
0x5b: {  	[tilespmem:s20], [sflag:$0x1] =	stream.indirect.gather @p0 [hbm4b:s4+s19], $0x40, s18, s19, $0xb8;
	[tilespmem:$0x10000] =	vst v63  }
0x5c: {  	_ =	swait.ge @p0 [sflag:s8], $0x2000  }
0x5d: {  	s2 =	sor.u32 @p0 $0x80, s18;
	[sflag:s8] =	ssyncset.done @p0 $0x0  }
0x5e: {  	s10 =	sshll.u32 @!p1 s10, $0x7;
	s0 =	rddreg [dreg:$0x3];
	[sflag:s8] =	ssyncadd.s32 @p0 $0xFFFFE000  }
0x5f: {  	[tilespmem:s21], [sflag:$0x2] =	stream.indirect.gather @p0 [hbm4b:s4+s19], $0x40, s2, s19, $0xb8;
	[tilespmem:$0x10000] =	vst v63  }
0x60: {  	s0 =	sadd.s32 @!p1 s0, s10;
	s2 =	sand.u32 $0x1, s28  }
0x61: {  	s0 =	sshrl.u32 @!p1 s0, $0x3;
	s10 =	sshll.u32 @!p1 s2, $0xB  }
0x62: {  	s12 =	simm.s32 @!p1 $0x0;
	s17 =	sadd.s32 @!p1 s5, s0;
	s14 =	sxor.u32 @!p1 $0x800, s10  }
0x63: {  	[tilespmem:s14], [sflag:$0x5] =	stream.linear.gather @!p1 [hbm4b:s17+s12], $0x800, $0x38;
	[tilespmem:$0x10000] =	vst v63  }
0x64: {  	s0 =	sadd.s32 @!p1 s13, s0;
	s10 =	sxor.u32 @!p1 $0x1800, s10  }
0x65: {  	[tilespmem:s10], [sflag:$0x5] =	stream.linear.gather @!p1 [hbm4b:s0+s12], $0x800, $0x38;
	[tilespmem:$0x10000] =	vst v63  }
0x66: {  	s18 =	sshll.u32 s30, $0x8;
	s17 =	sshll.u32 s2, $0xB;
	_ =	swait.ge [sflag:s22], $0x2000  }
0x67: {  	s0 =	sor.u32 s18, s17;
	[sflag:s22] =	ssyncset.done $0x0  }
0x68: {  	s2 =	sor.u32 $0x1000, s0;
	[sflag:s22] =	ssyncadd.s32 $0xFFFFE000  }
0x69: {  	[spmem:s1] =	stream.indirect.scatter.add.f32 [tilespmem:s20], [sflag:$0x3], $0x40, s2, s19, $0xb8;
	[tilespmem:$0x10000] =	vst v63  }
0x6a: {  	_ =	swait.ge [sflag:s23], $0x2000  }
0x6b: {  	s24 =	sshrl.u32 s31, $0x3;
	[sflag:s23] =	ssyncset.done $0x0  }
0x6c: {  	p0 =	seq.s32 s24, s28;
	s0 =	sor.u32 $0x1080, s0;
	[sflag:s23] =	ssyncadd.s32 $0xFFFFE000  }
0x6d: {  	[spmem:s1] =	stream.indirect.scatter.add.f32 [tilespmem:s21], [sflag:$0x4], $0x40, s0, s19, $0xb8;
	[tilespmem:$0x10000] =	vst v63  }
0x6e: {  	s0 =	simm.s32 @!p0 $0x5  }
0x6f: {  	_ =	swait.ge @!p0 [sflag:s0], $0x800  }
0x70: {  	[sflag:s0] =	ssyncset.done @!p0 $0x0  }
0x71: {  	[sflag:s0] =	ssyncadd.s32 @!p0 $0xFFFFF800  }
0x72: {  	_ =	swait.ge @!p0 [sflag:s0], $0x800  }
0x73: {  	[sflag:s0] =	ssyncset.done @!p0 $0x0  }
0x74: {  	[sflag:s0] =	ssyncadd.s32 @!p0 $0xFFFFF800  }
0x75: {  	s28 =	sshll.u32 s24, $0xB;
	_ =	swait.ge [sflag:s25], $0x2000  }
0x76: {  	s29 =	sand.u32 $0x700, s3;
	s0 =	sand.u32 $0x800, s28;
	[sflag:s25] =	ssyncset.done $0x0  }
0x77: {  	s0 =	sor.u32 s29, s0;
	[sflag:s25] =	ssyncadd.s32 $0xFFFFE000  }
0x78: {  	[tilespmem:s20], [sflag:$0x1] =	stream.indirect.gather [hbm4b:s4+s19], $0x40, s0, s19, $0xb8;
	[tilespmem:$0x10000] =	vst v63  }
0x79: {  	_ =	swait.ge [sflag:s8], $0x2000  }
0x7a: {  	[sflag:s8] =	ssyncset.done $0x0  }
0x7b: {  	s0 =	sor.u32 $0x80, s0;
	[sflag:s8] =	ssyncadd.s32 $0xFFFFE000  }
0x7c: {  	[tilespmem:s21], [sflag:$0x2] =	stream.indirect.gather [hbm4b:s4+s19], $0x40, s0, s19, $0xb8;
	[tilespmem:$0x10000] =	vst v63  }
0x7d: {  	_ =	swait.ge [sflag:s22], $0x2000  }
0x7e: {  	[sflag:s22] =	ssyncset.done $0x0  }
0x7f: {  	[sflag:s22] =	ssyncadd.s32 $0xFFFFE000  }
0x80: {  	_ =	swait.ge [sflag:s23], $0x2000  }
0x81: {  	[sflag:s23] =	ssyncset.done $0x0  }
0x82: {  	[sflag:s23] =	ssyncadd.s32 $0xFFFFE000  }
0x83: {  	[bflag:$0x0] =	sbarrier.arrive $0xFFFF  }
0x84: {  	s30 =	rddreg [dreg:$0x8]  }
0x85: {  	[hbm:s30], [sflag:s11] =	dma.local [spmem:s15], $0x1400  }
0x86: {  	_ =	swait.ge [sflag:s16], $0x1400  }
0x87: {  	s26 =	sadd.s32 $0x1, s26;
	s31 =	rddreg [dreg:$0x6]  }
0x88: {  	p0 =	sne.s32 s26, s31  }
.Ltmp3:
0x89: {  	_ = 	snop;
	(pc) =	sbr.rel @p0 .LBB2_1-.Ltmp3, $4  }
.Ltmp4:
0x8a: {  	_ = 	snop;
	(pc) =	sbr.rel @!p0 .LBB2_8-.Ltmp4, $4  }
0x8b: {  	_ = 	snop  }
0x8c: {  	[sflag:s16] =	ssyncset.done $0x0  }
0x8d: {  	[sflag:s16] =	ssyncadd.s32 $0xFFFFEC00  }
0x8e: {  	_ = 	snop  }
.LBB2_2:
.Ltmp5:
0x8f: {  	(pc) =	sbr.rel .LBB2_7-.Ltmp5, $2  }
0x90: {  	_ =	sdelay $0x2  }
0x91: {  	_ = 	snop  }
.LBB2_4:
.Ltmp6:
0x92: {  	(pc) =	sbr.rel .LBB2_7-.Ltmp6, $2  }
0x93: {  	_ =	sdelay $0x2  }
0x94: {  	s3 =	smov.u32 s0  }
.LBB2_8:
0x95: {  	_ =	sfence.sel $0x180000  }
0x96: {  	[bflag:$0x0] =	sbarrier.arrive $0xFFFF  }
0x97: {  	_ =	strace $0x9000004D  }
0x98: {  	s0 =	stileid.u32;
	[bflag:$0x2] =	sbarrier.arrive $0xFFFF  }
0x99: {  	p0 =	sne.s32 s0, $0x0;
	s0 =	rddreg [dreg:$0x2]  }
0x9a: {  	s0 =	sadd.s32 @!p0 $0x100000, s0  }
0x9b: {  	[sflag:s0] =	ssyncadd.tile.s32 @!p0 $0x1;
	_ =	shalt  }
.Lfunc_end2:
_tile_overlayer_lowered:
.L_overlay_start_2:
0x9c: {  	(tag) =	ssettag $0x2  }
0x9d: {  	s0 =	rddreg [dreg:$0x0];
	s2 =	stileid.u32  }
0x9e: {  	s1 =	rddreg [dreg:$0x1];
	p0 =	sne.s32 s2, $0x0  }
0x9f: {  	s3 =	rddreg [dreg:$0x2];
	[bflag:$0x3] =	sbarrier.arrive $0xFFFF;
	s2 =	simm.s32 @!p0 $0x1C06  }
0xa0: {  	[timem:s3], [sflag:s2] =	dma.local @!p0 [hbm:s0], s1  }
0xa1: {  	s0 =	simm.s32 @!p0 $0x6  }
0xa2: {  	_ =	swait.ge @!p0 [sflag:s0], s1  }
0xa3: {  	s1 =	ssub.s32 @!p0 $0x0, s1;
	[sflag:s0] =	ssyncset.done @!p0 $0x0  }
0xa4: {  	[sflag:s0] =	ssyncadd.s32 @!p0 s1  }
0xa5: {  	[bflag:$0x3] =	sbarrier.arrive $0xFFFF  }
0xa6: {  	_ =	shalt  }

// kernel: kernel.8.cloned.1.call-start
scs
__scs_entry_jumppad:
0x0: {  	(pc) =	sbr.rel $0x88, $3  }
0x1: {  	(tag) =	ssettag $0x0;
	lr =	simm.s32 $0x1  }
0x2: {  	[smem:$0x3F9B] =	sst lr;
	_ =	strace $0xD0000000  }
0x3: {  	_ = 	snop  }
0x4: {  	_ = 	snop  }
0x5: {  	_ = 	snop  }
0x6: {  	_ = 	snop  }
0x7: {  	_ = 	snop  }
__scs_overlays_trampoline_lowered:
0x8: {  	[smem:$0x3FAA] =	sst s0  }
0x9: {  	[smem:$0x3FAB] =	sst s1  }
0xa: {  	[smem:$0x3FAC] =	sst s2  }
0xb: {  	[smem:$0x3FAD] =	sst s3  }
0xc: {  	[smem:$0x3FAE] =	sst s4  }
0xd: {  	[smem:$0x3FAF] =	sst s5  }
0xe: {  	[smem:$0x3FB0] =	sst s6  }
0xf: {  	[smem:$0x3FB1] =	sst s7  }
0x10: {  	[smem:$0x3FB2] =	sst s8  }
0x11: {  	[smem:$0x3FB3] =	sst s9;
	s0 =	simm.s32 @!p0 $0x0  }
0x12: {  	s1 =	sld [smem:$0x3F99];
	s0 =	simm.s32 @p0 $0x1  }
0x13: {  	[smem:$0x3FB4] =	sst s0;
	s0 =	simm.s32 @!p1 $0x0  }
0x14: {  	s2 =	sld [smem:$0x3F98];
	s0 =	simm.s32 @p1 $0x1  }
0x15: {  	[smem:$0x3FB5] =	sst s0;
	s0 =	simm.s32 @!p2 $0x0  }
0x16: {  	s3 =	sld [smem:$0x3FDB];
	s0 =	simm.s32 @p2 $0x1  }
0x17: {  	s4 =	simm.s32 $0x1BF5;
	[smem:$0x3FB7] =	sst s0  }
0x18: {  	s0 =	sld [smem:$0x3F9A];
	_ =	swait.ge [sflag:s4], $0x0  }
0x19: {  	s7 =	sld [smem:$0x3F9B]  }
0x1a: {  	s8 =	sadd.s32 $0xFFFFE003, lr  }
0x1b: {  	s9 =	sadd.s32 $0xFFFFFEF7, lr;
	s5 =	simm.s32 $0xFFFFFFFF;
	p2 =	slt.u32 s8, $0xFFFFF086  }
0x1c: {  	p1 =	slt.u32 s9, $0xF7A;
	s5 =	simm.s32 @!p2 $0x0  }
0x1d: {  	s5 =	simm.s32 @p1 $0x1;
	p0 =	seq.s32 s7, s2  }
0x1e: {  	s7 =	smul.u32 @!p0 $0xF7A, s2;
	p2 =	seq.s32 @!p0 s5, $0x0  }
0x1f: {  	s9 =	smul.u32 $0xF7A, s1;
	s8 =	simm.s32 @!p0 $0x1BF5;
	p2 =	por !p2, p0  }
0x20: {  	[sflag:s8] =	ssyncset.s32 @!p0 $0xFFFFF086;
	s6 =	sadd.s32 @!p0 s3, s7;
	s7 =	simm.s32 @!p0 $0x108  }
0x21: {  	s3 =	sadd.s32 s3, s9;
	s6 =	sadd.s32 @!p0 $0x88, s6;
	s7 =	simm.s32 @p2 $0x1082  }
0x22: {  	[simem:s7], [sflag:s8] =	dma.local @!p0 [hbm:s6], $0xF7A  }
0x23: {  	s9 =	sor.u32 $0xD0000000, s2;
	s6 =	simm.s32 $0x108;
	_ =	swait.ge @!p0 [sflag:s8], $0x0  }
0x24: {  	s3 =	sadd.s32 $0x88, s3;
	s6 =	simm.s32 @!p1 $0x1082;
	[sflag:s4] =	ssyncset.s32 $0xFFFFF086  }
0x25: {  	[simem:s6], [sflag:s4] =	dma.local [hbm:s3], $0xF7A  }
0x26: {  	[smem:$0x3F9B] =	sst s1;
	(tag) =	ssettag s2;
	_ =	strace s9  }
0x27: {  	s1 =	sld [smem:$0x3FAB]  }
0x28: {  	s2 =	sld [smem:$0x3FAC]  }
0x29: {  	s4 =	sld [smem:$0x3FAE]  }
0x2a: {  	p0 =	seq.s32 s5, $0x0;
	s5 =	sld [smem:$0x3FAF]  }
0x2b: {  	s6 =	sld [smem:$0x3FB0]  }
0x2c: {  	s7 =	sld [smem:$0x3FB1]  }
0x2d: {  	s3 =	simm.s32 $0x108;
	s8 =	sld [smem:$0x3FB2]  }
0x2e: {  	s3 =	simm.s32 @!p0 $0x1082;
	s9 =	sld [smem:$0x3FB3]  }
0x2f: {  	lr =	sadd.s32 s0, s3;
	s0 =	sld [smem:$0x3FAA]  }
0x30: {  	s3 =	sld [smem:$0x3FAD]  }
0x31: {  	[smem:$0x3FB6] =	sst s10  }
0x32: {  	s10 =	sld [smem:$0x3FB4];
	_ =	sdelay $0x3  }
0x33: {  	p0 =	seq.s32 s10, $0x1;
	s10 =	sld [smem:$0x3FB6];
	_ =	sdelay $0x3  }
0x34: {  	[smem:$0x3FB6] =	sst s10  }
0x35: {  	s10 =	sld [smem:$0x3FB5];
	_ =	sdelay $0x3  }
0x36: {  	p1 =	seq.s32 s10, $0x1;
	s10 =	sld [smem:$0x3FB6];
	_ =	sdelay $0x3  }
0x37: {  	[smem:$0x3FB6] =	sst s10  }
0x38: {  	s10 =	sld [smem:$0x3FB7]  }
0x39: {  	_ = 	snop;
	(pc) =	sbr.ind lr, $3  }
0x3a: {  	_ = 	snop  }
0x3b: {  	_ = 	snop  }
0x3c: {  	p2 =	seq.s32 s10, $0x1;
	s10 =	sld [smem:$0x3FB6]  }
0x3d: {  	_ =	shalt  }
0x3e: {  	_ =	shalt  }
0x3f: {  	_ =	shalt  }
0x40: {  	_ =	shalt  }
0x41: {  	_ =	shalt  }
0x42: {  	_ =	shalt  }
0x43: {  	_ =	shalt  }
0x44: {  	_ =	shalt  }
0x45: {  	_ =	shalt  }
0x46: {  	_ =	shalt  }
0x47: {  	_ =	shalt  }
0x48: {  	_ =	shalt  }
0x49: {  	_ =	shalt  }
0x4a: {  	_ =	shalt  }
0x4b: {  	_ =	shalt  }
0x4c: {  	_ =	shalt  }
0x4d: {  	_ =	shalt  }
0x4e: {  	_ =	shalt  }
0x4f: {  	_ =	shalt  }
0x50: {  	_ =	shalt  }
0x51: {  	_ =	shalt  }
0x52: {  	_ =	shalt  }
0x53: {  	_ =	shalt  }
0x54: {  	_ =	shalt  }
0x55: {  	_ =	shalt  }
0x56: {  	_ =	shalt  }
0x57: {  	_ =	shalt  }
0x58: {  	_ =	shalt  }
0x59: {  	_ =	shalt  }
0x5a: {  	_ =	shalt  }
0x5b: {  	_ =	shalt  }
0x5c: {  	_ =	shalt  }
0x5d: {  	_ =	shalt  }
0x5e: {  	_ =	shalt  }
0x5f: {  	_ =	shalt  }
0x60: {  	_ =	shalt  }
0x61: {  	_ =	shalt  }
0x62: {  	_ =	shalt  }
0x63: {  	_ =	shalt  }
0x64: {  	_ =	shalt  }
0x65: {  	_ =	shalt  }
0x66: {  	_ =	shalt  }
0x67: {  	_ =	shalt  }
0x68: {  	_ =	shalt  }
0x69: {  	_ =	shalt  }
0x6a: {  	_ =	shalt  }
0x6b: {  	_ =	shalt  }
0x6c: {  	_ =	shalt  }
0x6d: {  	_ =	shalt  }
0x6e: {  	_ =	shalt  }
0x6f: {  	_ =	shalt  }
0x70: {  	_ =	shalt  }
0x71: {  	_ =	shalt  }
0x72: {  	_ =	shalt  }
0x73: {  	_ =	shalt  }
0x74: {  	_ =	shalt  }
0x75: {  	_ =	shalt  }
0x76: {  	_ =	shalt  }
0x77: {  	_ =	shalt  }
0x78: {  	_ =	shalt  }
0x79: {  	_ =	shalt  }
0x7a: {  	_ =	shalt  }
0x7b: {  	_ =	shalt  }
0x7c: {  	_ =	shalt  }
0x7d: {  	_ =	shalt  }
0x7e: {  	_ =	shalt  }
0x7f: {  	_ =	shalt  }
0x80: {  	_ =	shalt  }
0x81: {  	_ =	shalt  }
0x82: {  	_ =	shalt  }
0x83: {  	_ =	shalt  }
0x84: {  	_ =	shalt  }
0x85: {  	_ =	shalt  }
0x86: {  	_ =	shalt  }
0x87: {  	_ =	shalt  }
.Lfunc_end0:
.L_simem_size_0:
called_computation_lowered:
.L_overlay_start_0:
0x88: {  	s2 =	sld [smem:$0x3FD9]  }
0x89: {  	s3 =	sld [smem:$0x3FFE];
	_ =	sdelay $0x1  }
0x8a: {  	s1 =	srdreg.scid  }
0x8b: {  	s0 =	sand.u32 $0x1, s1  }
0x8c: {  	s14 =	sshll.u32 s0, $0xA;
	s2 =	sadd.s32 s3, s2  }
0x8d: {  	s2 =	sadd.s32 s2, s14  }
0x8e: {  	[smem:$0x3FC2] =	sst s2  }
0x8f: {  	_ = 	snop  }
0x90: {  	s2 =	sld [smem:$0x3FD0];
	_ =	sdelay $0x2  }
0x91: {  	s15 =	simm.s32 $0xA;
	s4 =	simm.s32 $0x10  }
0x92: {  	[smem:s4], [sflag:s15] =	dma.local [hbm:s2], $0x1  }
0x93: {  	_ =	swait.eq [sflag:s15], $0x1  }
0x94: {  	[sflag:s15] =	ssyncset.done $0x0  }
0x95: {  	[sflag:s15] =	ssyncadd.s32 $0xFFFFFFFF  }
0x96: {  	s16 =	sld [smem:$0x10];
	(tm) =	ssettm $0x1  }
0x97: {  	s17 =	sld [smem:$0x3FFB];
	_ =	sdelay $0x3  }
0x98: {  	_ =	strace s17  }
0x99: {  	s3 =	sld [smem:$0x3FFC];
	_ =	sdelay $0x3  }
0x9a: {  	_ =	strace s3  }
0x9b: {  	s3 =	sld [smem:$0x3FFD];
	_ =	sdelay $0x3  }
0x9c: {  	_ =	strace s3  }
0x9d: {  	_ =	strace $0x8FFFFFFF  }
0x9e: {  	s18 =	sld [smem:$0x3FDB];
	_ =	sdelay $0x1  }
0x9f: {  	s19 =	simm.s32 $_scs_section_size  }
0xa0: {  	s5 =	simm.s32 $_size__tile_overlayer_lowered;
	s6 =	simm.s32 $_tile_overlayer_lowered  }
0xa1: {  	s22 =	simm.s32 $0x1BFF;
	s21 =	sshll.u32 s6, $0x1;
	s3 =	sadd.s32 s19, s18  }
0xa2: {  	s7 =	simm.s32 $0x0;
	s20 =	sshll.u32 s5, $0x1;
	s5 =	sadd.s32 s21, s3  }
0xa3: {  	[timem:s7], [sflag:s22] =	dma.local [hbm:s5], s20  }
0xa4: {  	_ =	swait.ge [sflag:s22], s20  }
0xa5: {  	s4 =	ssub.s32 $0x0, s20;
	[sflag:s22] =	ssyncset.done $0x0  }
0xa6: {  	[sflag:s22] =	ssyncadd.s32 s4;
	_ =	sdelay $0x1  }
0xa7: {  	s23 =	simm.s32 $0x1B8B  }
0xa8: {  	_ =	swait.ge [sflag:s23], $0x1  }
0xa9: {  	[sflag:s23] =	ssyncset.done $0x0  }
0xaa: {  	s25 =	simm.s32 $0x1B8E;
	s24 =	sld [smem:$0x3FFE];
	[sflag:s23] =	ssyncadd.s32 $0xFFFFFFFF  }
0xab: {  	s26 =	simm.s32 $execute0_lowered;
	[smem:$0x3FD2] =	sst s25  }
0xac: {  	s5 =	sshll.u32 s26, $0x1;
	_ =	strace $0x80000046;
	[dreg:$0x1] =	wrdreg $0xFFFFFFFF  }
0xad: {  	s28 =	simm.s32 $_size_execute0_lowered;
	s3 =	sadd.s32 s3, s5;
	[dreg:$0x0] =	wrdreg $0x0  }
0xae: {  	s5 =	sshll.u32 s28, $0x1;
	[dreg:$0x2] =	wrdreg s3  }
0xaf: {  	[dreg:$0x3] =	wrdreg s5  }
0xb0: {  	[dreg:$0x4] =	wrdreg $0xC0  }
0xb1: {  	_ =	task [dreg:s7], $0x5FFFF  }
0xb2: {  	[dreg:$0x1] =	wrdreg $0xFFFFFFFF  }
0xb3: {  	[dreg:$0x0] =	wrdreg $0x60  }
0xb4: {  	[dreg:$0x2] =	wrdreg s24  }
0xb5: {  	[dreg:$0x3] =	wrdreg s16  }
0xb6: {  	[dreg:$0x4] =	wrdreg $0x57000  }
0xb7: {  	[dreg:$0x5] =	wrdreg $0x9  }
0xb8: {  	_ =	task.clear_ibuf [dreg:s7], $0x6FFFF;
	_ =	strace $0x90000046  }
0xb9: {  	s29 =	simm.s32 $0x9;
	_ =	strace $0x80000048  }
0xba: {  	_ =	swait.ge [sflag:s29], $0x1  }
0xbb: {  	[sflag:s29] =	ssyncadd.s32 $0xFFFFFFFF  }
0xbc: {  	_ =	strace $0x90000048  }
0xbd: {  	_ =	sfence  }
0xbe: {  	s30 =	sld [smem:$0x0];
	_ =	sdelay $0x2  }
0xbf: {  	s31 =	sshll.u32 s1, $0xD;
	s1 =	sshrl.u32 s1, $0x2  }
0xc0: {  	s3 =	sand.u32 $0x4000, s31;
	s1 =	sadd.s32 s1, s30  }
0xc1: {  	s0 =	sor.u32 s3, s0;
	s1 =	sshll.u32 s1, $0x11  }
0xc2: {  	s0 =	sor.u32 s1, s0  }
0xc3: {  	s0 =	sadd.s32 $0x8F2B, s0  }
0xc4: {  	[sflag:s0] =	ssyncadd.remote.s32 $0x1  }
0xc5: {  	_ =	sfence.sel $0xFFFF  }
0xc6: {  	[dreg:$0x0] =	wrdreg $0xFFFFFFFF;
	(pc) =	sbr.abs _section_cstart, $3  }
0xc7: {  	[dreg:$0x1] =	wrdreg $0xFFFFFFFF  }
0xc8: {  	_ =	task.clear_ibuf [dreg:s7], $0x2FFFF;
	_ =	strace $0x9FFFFFFF  }
0xc9: {  	(tm) =	ssettm $0x7FFFFFFF  }
tec
execute0_lowered:
.L_overlay_start_1:
0x0: {  	(tag) =	ssettag $0x1  }
0x1: {  	s3 =	rddreg [dreg:$0x0]  }
0x2: {  	s7 =	rddreg [dreg:$0x1]  }
0x3: {  	s0 =	srdreg.scid;
	s8 =	rddreg [dreg:$0x2];
	s2 =	simm.s32 $0x0  }
0x4: {  	s10 =	simm.s32 $0x50;
	s12 =	simm.s32 $0x4;
	s4 =	sand.u32 $0x1, s0  }
0x5: {  	s0 =	stileid.u32;
	[smem:$0x7FF] =	sst s2;
	s11 =	sadd.s32 $0x16E00, s3  }
0x6: {  	s1 =	sshll.u32 s4, $0x4;
	s29 =	ssub.s32 $0x2, s4;
	s31 =	smul.u32 $0xA000, s0  }
0x7: {  	s13 =	smul.u32 $0x280, s0;
	s5 =	sor.u32 s0, s1;
	s1 =	rddreg [dreg:$0x3]  }
0x8: {  	_ =	strace $0x80000047;
	s30 =	sshrl.u32 s29, $0x1;
	s6 =	smul.u32 $0x9, s5  }
0x9: {  	s9 =	smin.u32 s5, $0x18;
	p0 =	slt.u32 s5, $0x18;
	s14 =	sshrl.u32 s13, $0x3  }
0xa: {  	s10 =	simm.s32 @!p0 $0x48;
	p0 =	seq.s32 s5, $0x1F;
	s5 =	sshrl.u32 s31, $0x2  }
0xb: {  	s6 =	sadd.s32 s9, s6;
	s9 =	ssub.s32 s29, s30;
	s12 =	simm.s32 @!p0 $0x0  }
0xc: {  	p0 =	seq.s32 s4, $0x1;
	s4 =	sadd.s32 s5, s8;
	s5 =	sadd.s32 s13, s8  }
0xd: {  	s13 =	simm.s32 $0x0;
	s6 =	sshll.u32 s6, $0x7;
	s7 =	smov.u32 @p0 s11  }
0xe: {  	s8 =	sor.u32 s12, s10;
	s10 =	simm.s32 $0x2A00;
	s11 =	simm.s32 $0x5200  }
0xf: {  	s12 =	simm.s32 $0x5480;
	s6 =	sadd.s32 s6, s3;
	s7 =	sadd.s32 s7, s14  }
0x10: {  	v0 =	vimm.f32 $0.0e+00;
	v1 =	vimm.f32 $1.000000000e+00;
	s3 =	sadd.s32 $0xD100, s6;
	s6 =	smax.u32 s9, $0x1;
	s9 =	simm.s32 $0x1  }
.LBB2_1:
0x11: {  	[tilespmem:s2], [sflag:$0x1] =	stream.linear.gather [hbm4b:s3+s2], $0x2A00, $0x38;
	[tilespmem:$0x7F00] =	vst v63  }
0x12: {  	_ =	swait.ge [sflag:s9], $0x2A00  }
0x13: {  	[sflag:s9] =	ssyncset.done $0x0  }
0x14: {  	s14 =	simm.s32 $0x0;
	[sflag:s9] =	ssyncadd.s32 $0xFFFFD600  }
.LBB2_2:
0x15: {  	p0 =	sne.s32 s14, $0x9FC0  }
.Ltmp0:
0x16: {  	_ = 	snop;
	(pc) =	sbr.rel @p0 .LBB2_2-.Ltmp0, $3  }
0x17: {  	_ =	sdelay $0x1  }
0x18: {  	s15 =	sshra.s32 s14, $0x2  }
0x19: {  	s14 =	sadd.s32 $0x40, s14;
	[tilespmem:s15+$0x2A00] =	vst v0  }
0x1a: {  	s14 =	simm.s32 $0x40;
	s15 =	smov.u32 s8  }
.LBB2_4:
0x1b: {  	v2 =	vld [tilespmem:s14+$0xFFFFFFC0];
	_ =	sdelay $0x7  }
0x1c: {  	[tilespmem:v2+s10+$0x0] =	vst.idx.add.f32.msk $0xffff, v1  }
0x1d: {  	v2 =	vld [tilespmem:s14+$0xFFFFFFD0];
	_ =	sdelay $0x7  }
0x1e: {  	[tilespmem:v2+s10+$0x0] =	vst.idx.add.f32.msk $0xffff, v1  }
0x1f: {  	v2 =	vld [tilespmem:s14+$0xFFFFFFE0];
	_ =	sdelay $0x7  }
0x20: {  	[tilespmem:v2+s10+$0x0] =	vst.idx.add.f32.msk $0xffff, v1  }
0x21: {  	v2 =	vld [tilespmem:s14+$0xFFFFFFF0];
	_ =	sdelay $0x7  }
0x22: {  	[tilespmem:v2+s10+$0x0] =	vst.idx.add.f32.msk $0xffff, v1  }
0x23: {  	v2 =	vld [tilespmem:s14+$0x0];
	_ =	sdelay $0x7  }
0x24: {  	[tilespmem:v2+s10+$0x0] =	vst.idx.add.f32.msk $0xffff, v1  }
0x25: {  	v2 =	vld [tilespmem:s14+$0x10];
	_ =	sdelay $0x7  }
0x26: {  	[tilespmem:v2+s10+$0x0] =	vst.idx.add.f32.msk $0xffff, v1  }
0x27: {  	v2 =	vld [tilespmem:s14+$0x20];
	_ =	sdelay $0x7  }
0x28: {  	[tilespmem:v2+s10+$0x0] =	vst.idx.add.f32.msk $0xffff, v1  }
0x29: {  	v2 =	vld [tilespmem:s14+$0x30];
	_ =	sdelay $0x2  }
0x2a: {  	p0 =	sne.s32 s15, $0x1  }
.Ltmp1:
0x2b: {  	_ = 	snop;
	(pc) =	sbr.rel @p0 .LBB2_4-.Ltmp1, $2  }
0x2c: {  	_ =	sdelay $0x2  }
0x2d: {  	s15 =	sadd.s32 $0xFFFFFFFF, s15;
	s14 =	sadd.s32 $0x80, s14;
	[tilespmem:v2+s10+$0x0] =	vst.idx.add.f32.msk $0xffff, v1  }
0x2e: {  	[spmem:s4] =	stream.linear.scatter [tilespmem:s10], [sflag:$0x1], $0x2800, $0x38;
	[tilespmem:$0x7F00] =	vst v63  }
0x2f: {  	s14 =	simm.s32 $0x1  }
0x30: {  	_ =	swait.ge [sflag:s14], $0x2800  }
0x31: {  	[sflag:s14] =	ssyncset.done $0x0  }
0x32: {  	[sflag:s14] =	ssyncadd.s32 $0xFFFFD800  }
0x33: {  	[bflag:$0x0] =	sbarrier.arrive $0xFFFF  }
0x34: {  	[tilespmem:s11], [sflag:$0x1] =	stream.linear.gather [spmem:s5], $0x280, $0x38;
	[tilespmem:$0x7F00] =	vst v63  }
0x35: {  	_ =	swait.ge [sflag:s14], $0x280  }
0x36: {  	[sflag:s14] =	ssyncset.done $0x0  }
0x37: {  	[sflag:s14] =	ssyncadd.s32 $0xFFFFFD80  }
.LBB2_6:
0x38: {  	s15 =	smul.u32 $0xA000, s14;
	_ =	sdelay $0x1  }
0x39: {  	s15 =	sshra.s32 s15, $0x2  }
0x3a: {  	s15 =	sadd.s32 s15, s5  }
0x3b: {  	[tilespmem:s12], [sflag:$0x1] =	stream.linear.gather [spmem:s15], $0x280, $0x38;
	[tilespmem:$0x7F00] =	vst v63  }
0x3c: {  	_ =	swait.ge [sflag:s9], $0x280  }
0x3d: {  	[sflag:s9] =	ssyncset.done $0x0  }
0x3e: {  	s15 =	simm.s32 $0x0;
	[sflag:s9] =	ssyncadd.s32 $0xFFFFFD80  }
0x3f: {  	s16 =	simm.s32 $0x40;
	v2 =	vld [tilespmem:s15+$0x5480]  }
.LBB2_7:
0x40: {  	p0 =	sne.s32 s16, $0x9C0;
	v3 =	vld [tilespmem:s15+$0x5200];
	_ =	sdelay $0x2  }
.Ltmp2:
0x41: {  	(pc) =	sbr.rel @p0 .LBB2_7-.Ltmp2, $4  }
0x42: {  	_ = 	snop  }
0x43: {  	v3 =	vadd.f32 v2, v3  }
0x44: {  	s17 =	sshra.s32 s16, $0x2  }
0x45: {  	s16 =	sadd.s32 $0x40, s16;
	v2 =	vld [tilespmem:s17+$0x5480];
	[tilespmem:s15+$0x5200] =	vst v3;
	s15 =	smov.u32 s17  }
0x46: {  	v3 =	vld [tilespmem:s15+$0x5200]  }
0x47: {  	s14 =	sadd.s32 $0x1, s14  }
0x48: {  	p0 =	sne.s32 s14, $0x10  }
.Ltmp3:
0x49: {  	_ = 	snop;
	(pc) =	sbr.rel @p0 .LBB2_6-.Ltmp3, $3  }
0x4a: {  	_ = 	snop  }
0x4b: {  	v2 =	vadd.f32 v2, v3;
	_ =	sdelay $0x1  }
0x4c: {  	[tilespmem:s15+$0x5200] =	vst v2  }
0x4d: {  	s13 =	sadd.s32 $0x1, s13  }
0x4e: {  	p0 =	sne.s32 s13, s6  }
.Ltmp4:
0x4f: {  	_ = 	snop;
	(pc) =	sbr.rel @p0 .LBB2_1-.Ltmp4, $4  }
0x50: {  	[hbm4b:s7+s2] =	stream.linear.scatter [tilespmem:s11], [sflag:$0x1], $0x280, $0x38;
	[tilespmem:$0x7F00] =	vst v63  }
0x51: {  	_ =	swait.ge [sflag:s9], $0x280  }
0x52: {  	[sflag:s9] =	ssyncset.done $0x0  }
0x53: {  	[sflag:s9] =	ssyncadd.s32 $0xFFFFFD80  }
0x54: {  	_ =	sfence.sel $0x180000  }
0x55: {  	[bflag:$0x0] =	sbarrier.arrive $0xFFFF  }
0x56: {  	p0 =	sne.s32 s0, $0x0;
	_ =	strace $0x90000047  }
0x57: {  	s0 =	sadd.s32 @!p0 $0x100000, s1;
	[bflag:$0x2] =	sbarrier.arrive $0xFFFF  }
0x58: {  	[sflag:s0] =	ssyncadd.tile.s32 @!p0 $0x1;
	_ =	shalt  }
.Lfunc_end2:
_tile_overlayer_lowered:
.L_overlay_start_2:
0x59: {  	(tag) =	ssettag $0x2  }
0x5a: {  	s0 =	rddreg [dreg:$0x0];
	s2 =	stileid.u32  }
0x5b: {  	s1 =	rddreg [dreg:$0x1];
	p0 =	sne.s32 s2, $0x0  }
0x5c: {  	s3 =	rddreg [dreg:$0x2];
	[bflag:$0x3] =	sbarrier.arrive $0xFFFF;
	s2 =	simm.s32 @!p0 $0x1C01  }
0x5d: {  	[timem:s3], [sflag:s2] =	dma.local @!p0 [hbm:s0], s1  }
0x5e: {  	s0 =	simm.s32 @!p0 $0x1  }
0x5f: {  	_ =	swait.ge @!p0 [sflag:s0], s1  }
0x60: {  	s1 =	ssub.s32 @!p0 $0x0, s1;
	[sflag:s0] =	ssyncset.done @!p0 $0x0  }
0x61: {  	[sflag:s0] =	ssyncadd.s32 @!p0 s1  }
0x62: {  	[bflag:$0x3] =	sbarrier.arrive $0xFFFF  }
0x63: {  	_ =	shalt  }

</sc_bundles>
